<compile_context>
chip_gen: v7x
topology: tpu7x:2x2x1
jax: 0.10.2.dev20260603
libtpu: 0.0.44.dev20260713+nightly
codegen_flags: <defaults>
</compile_context>

<pallas_src>
import jax
import jax.numpy as jnp
from jax import lax
from jax.experimental import pallas as pl
from jax.experimental.pallas import tpu as pltpu
from jax.experimental.pallas import tpu_sc as plsc

N_NODES = 10000
N_EDGES = 320000
D_FEAT = 128
D_EDGE = 16

NUM_CORES = 2
NUM_SUBCORES = 16
NUM_WORKERS = NUM_CORES * NUM_SUBCORES

NUM_BLKS = N_EDGES // 128
BLKS_PER_TILE = NUM_BLKS // NUM_WORKERS
TAIL_TILES = NUM_BLKS - BLKS_PER_TILE * NUM_WORKERS
NC = 13
N_CHUNKS = BLKS_PER_TILE // NC
ACC_ROWS = 10240
ROWS_PER_TILE = ACC_ROWS // NUM_SUBCORES


def _sc_scatter_body(ei3_hbm, ea4_hbm, out_hbm, idx_v, valsT_v, rows_v, zbuf_v,
                     acc_sh):
    c = lax.axis_index("c")
    s = lax.axis_index("s")
    wid = c * NUM_SUBCORES + s
    blk_lo = wid * BLKS_PER_TILE

    def _zero(i, carry):
        zbuf_v[i, :] = jnp.zeros((16,), jnp.float32)
        return carry

    lax.fori_loop(0, ROWS_PER_TILE, _zero, 0)
    pltpu.sync_copy(zbuf_v, acc_sh.at[pl.ds(s * ROWS_PER_TILE, ROWS_PER_TILE)])

    pltpu.sync_copy(ei3_hbm.at[pl.ds(blk_lo, BLKS_PER_TILE), 1],
                    idx_v.at[pl.ds(0, BLKS_PER_TILE)])

    @pl.when(wid < TAIL_TILES)
    def _tail_idx():
        pltpu.sync_copy(
            ei3_hbm.at[pl.ds(NUM_BLKS - TAIL_TILES + wid, 1), 1],
            idx_v.at[pl.ds(BLKS_PER_TILE, 1)],
        )

    plsc.subcore_barrier()

    iota = lax.iota(jnp.int32, 16)

    def _transpose(n_blk, valsT, rows):
        def _grp(g, carry2):
            row = g // 8
            lane0 = (g % 8) * 16
            ridx = g * 16 + iota
            for f in range(16):
                v = valsT[f, row, pl.ds(lane0, 16)]
                plsc.store_scatter(rows, [ridx, jnp.full((16,), f, jnp.int32)], v)
            return carry2

        lax.fori_loop(0, n_blk * 8, _grp, 0)

    def _chunk(k, carry):
        blk0 = blk_lo + k * NC
        for tr in range(2):
            for r in range(8):
                pltpu.sync_copy(ea4_hbm.at[tr, pl.ds(blk0, NC), r],
                                valsT_v.at[tr * 8 + r])
        _transpose(NC, valsT_v, rows_v)
        for j in range(NC):
            pltpu.sync_copy(rows_v.at[pl.ds(j * 128, 128)],
                            acc_sh.at[idx_v.at[k * NC + j]], add=True)
        return carry

    lax.fori_loop(0, N_CHUNKS, _chunk, 0)

    @pl.when(wid < TAIL_TILES)
    def _tail():
        blk = NUM_BLKS - TAIL_TILES + wid
        for tr in range(2):
            for r in range(8):
                pltpu.sync_copy(ea4_hbm.at[tr, pl.ds(blk, 1), r],
                                valsT_v.at[tr * 8 + r, pl.ds(0, 1)])
        _transpose(1, valsT_v, rows_v)
        pltpu.sync_copy(rows_v.at[pl.ds(0, 128)],
                        acc_sh.at[idx_v.at[BLKS_PER_TILE]], add=True)

    plsc.subcore_barrier()

    pltpu.sync_copy(
        acc_sh.at[pl.ds(s * ROWS_PER_TILE, ROWS_PER_TILE)],
        out_hbm.at[c, pl.ds(s * ROWS_PER_TILE, ROWS_PER_TILE)],
    )


_sc_scatter = pl.kernel(
    _sc_scatter_body,
    out_type=jax.ShapeDtypeStruct((NUM_CORES, ACC_ROWS, D_EDGE), jnp.float32),
    mesh=plsc.VectorSubcoreMesh(core_axis_name="c", subcore_axis_name="s"),
    scratch_types=[
        pltpu.VMEM((BLKS_PER_TILE + 2, 128), jnp.int32),
        pltpu.VMEM((D_EDGE, NC, 128), jnp.float32),
        pltpu.VMEM((NC * 128, D_EDGE), jnp.float32),
        pltpu.VMEM((ROWS_PER_TILE, D_EDGE), jnp.float32),
        pltpu.VMEM_SHARED((ACC_ROWS, D_EDGE), jnp.float32),
    ],
    compiler_params=pltpu.CompilerParams(use_tc_tiling_on_sc=False,
                                         needs_layout_passes=False),
)


def _mlp_body(x_ref, p_ref, w_ref, b_ref, o_ref):
    agg = p_ref[0] + p_ref[1]
    wx = w_ref[:D_FEAT, :]
    we = w_ref[D_FEAT:, :]
    o_ref[...] = (
        jnp.dot(x_ref[...], wx, preferred_element_type=jnp.float32)
        + jnp.dot(agg, we, preferred_element_type=jnp.float32)
        + b_ref[...]
    )


BLOCK_N = 2000


def _tc_mlp(x, partials, W, b2):
    grid = (N_NODES // BLOCK_N,)
    return pl.pallas_call(
        _mlp_body,
        grid=grid,
        in_specs=[
            pl.BlockSpec((BLOCK_N, D_FEAT), lambda i: (i, 0)),
            pl.BlockSpec((NUM_CORES, BLOCK_N, D_EDGE), lambda i: (0, i, 0)),
            pl.BlockSpec((D_FEAT + D_EDGE, D_FEAT), lambda i: (0, 0)),
            pl.BlockSpec((1, D_FEAT), lambda i: (0, 0)),
        ],
        out_specs=pl.BlockSpec((BLOCK_N, D_FEAT), lambda i: (i, 0)),
        out_shape=jax.ShapeDtypeStruct((N_NODES, D_FEAT), jnp.float32),
    )(x, partials, W, b2)


@jax.jit
def kernel(x, edge_index, edge_attr, W, b):
    ea4 = edge_attr.T.reshape(2, 8, NUM_BLKS, 128).transpose(0, 2, 1, 3)
    ei3 = edge_index.T.reshape(NUM_BLKS, 128, 2).transpose(0, 2, 1)
    partials = _sc_scatter(ei3, ea4)
    return _tc_mlp(x, partials, W, b.reshape(1, D_FEAT))

# --- scband reference (transcript-rebuilt; emitter-appended) ---
"""Pipeline reference for scband-node-processor-module-39298950758850 (READ-ONLY COPY).

The authoritative reference and input builder live on the scoring server;
editing this copy changes nothing except your own understanding.
"""

import jax, jax.numpy as jnp
import numpy as np

N_NODES = 10000
N_EDGES = 320000
D_FEAT = 128
D_EDGE = 16


def setup_inputs(seed: int = 0) -> dict:
    key = jax.random.key(seed)
    k1, k2, k3, k4 = jax.random.split(key, 4)
    x = jax.random.normal(k1, (N_NODES, D_FEAT), dtype=jnp.float32)
    edge_index = jax.random.randint(k2, (2, N_EDGES), 0, N_NODES, dtype=jnp.int32)
    edge_attr = jax.random.normal(k3, (N_EDGES, D_EDGE), dtype=jnp.float32)
    # learned params of self.net: Linear(D_FEAT + D_EDGE -> D_FEAT)
    W = jax.random.normal(k4, (D_FEAT + D_EDGE, D_FEAT), dtype=jnp.float32) * 0.05
    b = jnp.zeros((D_FEAT,), dtype=jnp.float32)
    return {"x": x, "edge_index": edge_index, "edge_attr": edge_attr, "W": W, "b": b}


def reference(x, edge_index, edge_attr, W, b):
    # decompose_graph -> (node_attr, edge_index, edge_attr)
    receivers_idx = edge_index[1]
    num_nodes = x.shape[0]
    # scatter_add(edge_attr, receivers_idx, dim=0, dim_size=num_nodes)
    agg_received_edges = jax.ops.segment_sum(edge_attr, receivers_idx, num_segments=num_nodes)
    collected_nodes = jnp.concatenate([x, agg_received_edges], axis=-1)
    node_attr = collected_nodes @ W + b  # self.net
    return node_attr

if __name__ == "__main__":
    import jax
    _d = setup_inputs()
    print(jax.jit(kernel)(*tuple(_d.values())))

</pallas_src>

<mosaic_0001>
#map = affine_map<(d0, d1) -> (0, 0, 0)>
#map1 = affine_map<(d0, d1) -> (0, 0, 0, 0)>
module attributes {stable_mosaic.version = 14 : i64} {
  func.func @_sc_scatter_body(%arg0: i32, %arg1: i32, %arg2: memref<2500x2x128xi32, #tpu.memory_space<hbm>>, %arg3: memref<2x2500x8x128xf32, #tpu.memory_space<hbm>>, %arg4: memref<2x10240x16xf32, #tpu.memory_space<hbm>>, %arg5: memref<80x128xi32, #tpu.memory_space<vmem>>, %arg6: memref<16x13x128xf32, #tpu.memory_space<vmem>>, %arg7: memref<1664x16xf32, #tpu.memory_space<vmem>>, %arg8: memref<640x16xf32, #tpu.memory_space<vmem>>, %arg9: memref<10240x16xf32, #tpu.memory_space<vmem_shared>>) attributes {dimension_semantics = [#tpu.dimension_semantics<core_parallel>, #tpu.dimension_semantics<subcore_parallel>], iteration_bounds = array<i64: 2, 16>, scalar_prefetch = 0 : i64, scratch_operands = 5 : i64, tpu.core_type = #tpu.core_type<sc_vector_subcore>, window_params = [{transform_indices = #map}, {transform_indices = #map1}, {transform_indices = #map}]} {
    %mul3A = arith.constant 16 : i32
    %mul3A_0 = arith.muli %arg0, %mul3A : i32
    %add3A = arith.addi %mul3A_0, %arg1 : i32
    %mul3A_1 = arith.constant 78 : i32
    %mul3A_2 = arith.muli %add3A, %mul3A_1 : i32
    %scan3A = arith.constant 0 : i32
    %scan3A_3 = arith.constant 0 : i32
    %scan3A_4 = arith.constant 640 : i32
    %scan3A_5 = arith.addi %scan3A_3, %scan3A_4 : i32
    %scan3A_6 = arith.constant 1 : i32
    scf.for %scan3A_28 = %scan3A_3 to %scan3A_5 step %scan3A_6  : i32 {
      %broadcast_in_dim3A = arith.constant 0.000000e+00 : f32
      %broadcast_in_dim3A_29 = vector.broadcast %broadcast_in_dim3A : f32 to vector<16xf32>
      %swap3A = arith.index_cast %scan3A_28 : i32 to index
      %swap3A_30 = arith.constant 0 : index
      %swap3A_31 = tpu.vector_load %arg8[%swap3A, %swap3A_30] {strides = array<i32>} : memref<640x16xf32, #tpu.memory_space<vmem>>, vector<16xf32>,
      tpu.vector_store %arg8[%swap3A, %swap3A_30], %broadcast_in_dim3A_29 {strides = array<i32>} : memref<640x16xf32, #tpu.memory_space<vmem>>, vector<16xf32>,
    }
    %scan3A_7 = arith.constant 640 : i32
    %mul3A_8 = arith.constant 640 : i32
    %mul3A_9 = arith.muli %arg1, %mul3A_8 : i32
    "tpu.region"() ({
      %run_scoped3A_28 = tpu.sem_alloc : memref<!tpu.dma_semaphore, #tpu.memory_space<semaphore_mem>>
      %dma_start3A = arith.constant 0 : i32
      %dma_start3A_29 = tpu.memref_slice %arg9[%mul3A_9, %dma_start3A] : memref<10240x16xf32, #tpu.memory_space<vmem_shared>> -> memref<640x16xf32, #tpu.memory_space<vmem_shared>>
      %dma_start3A_30 = arith.constant 0 : i32
      %dma_start3A_31 = tpu.memref_slice %arg9[%mul3A_9, %dma_start3A_30] : memref<10240x16xf32, #tpu.memory_space<vmem_shared>> -> memref<640x16xf32, #tpu.memory_space<vmem_shared>>
      tpu.enqueue_dma source(%arg8 : memref<640x16xf32, #tpu.memory_space<vmem>>) target(%dma_start3A_31 : memref<640x16xf32, #tpu.memory_space<vmem_shared>>) target_semaphore(%run_scoped3A_28 : memref<!tpu.dma_semaphore, #tpu.memory_space<semaphore_mem>>)
      %dma_wait3A = arith.constant 0 : i32
      %dma_wait3A_32 = tpu.memref_slice %arg9[%mul3A_9, %dma_wait3A] : memref<10240x16xf32, #tpu.memory_space<vmem_shared>> -> memref<640x16xf32, #tpu.memory_space<vmem_shared>>
      %dma_wait3A_33 = arith.constant 0 : i32
      %dma_wait3A_34 = tpu.memref_slice %arg9[%mul3A_9, %dma_wait3A_33] : memref<10240x16xf32, #tpu.memory_space<vmem_shared>> -> memref<640x16xf32, #tpu.memory_space<vmem_shared>>
      tpu.wait_dma2 semaphore(%run_scoped3A_28 : memref<!tpu.dma_semaphore, #tpu.memory_space<semaphore_mem>>) src(%arg8 : memref<640x16xf32, #tpu.memory_space<vmem>>) dst(%dma_wait3A_34 : memref<640x16xf32, #tpu.memory_space<vmem_shared>>)
      tpu.yield
    }) : () -> ()
    %run_scoped3A = arith.constant 1 : i32
    "tpu.region"() ({
      %run_scoped3A_28 = tpu.sem_alloc : memref<!tpu.dma_semaphore, #tpu.memory_space<semaphore_mem>>
      %dma_start3A = arith.constant 0 : i32
      %dma_start3A_29 = arith.constant 0 : i32
      %dma_start3A_30 = tpu.memref_slice %arg5[%dma_start3A, %dma_start3A_29] : memref<80x128xi32, #tpu.memory_space<vmem>> -> memref<78x128xi32, #tpu.memory_space<vmem>>
      %dma_start3A_31 = arith.constant 0 : i32
      %dma_start3A_32 = tpu.memref_slice %arg2[%mul3A_2, %run_scoped3A, %dma_start3A_31] : memref<2500x2x128xi32, #tpu.memory_space<hbm>> -> memref<78x1x128xi32, #tpu.memory_space<hbm>>
      %dma_start3A_33 = tpu.memref_squeeze %dma_start3A_32 : memref<78x1x128xi32, #tpu.memory_space<hbm>> -> memref<78x128xi32, #tpu.memory_space<hbm>>
      %dma_start3A_34 = arith.constant 0 : i32
      %dma_start3A_35 = arith.constant 0 : i32
      %dma_start3A_36 = tpu.memref_slice %arg5[%dma_start3A_34, %dma_start3A_35] : memref<80x128xi32, #tpu.memory_space<vmem>> -> memref<78x128xi32, #tpu.memory_space<vmem>>
      %dma_start3A_37 = arith.constant 0 : i32
      %dma_start3A_38 = tpu.memref_slice %arg2[%mul3A_2, %run_scoped3A, %dma_start3A_37] : memref<2500x2x128xi32, #tpu.memory_space<hbm>> -> memref<78x1x128xi32, #tpu.memory_space<hbm>>
      %dma_start3A_39 = tpu.memref_squeeze %dma_start3A_38 : memref<78x1x128xi32, #tpu.memory_space<hbm>> -> memref<78x128xi32, #tpu.memory_space<hbm>>
      tpu.enqueue_dma source(%dma_start3A_39 : memref<78x128xi32, #tpu.memory_space<hbm>>) target(%dma_start3A_36 : memref<78x128xi32, #tpu.memory_space<vmem>>) target_semaphore(%run_scoped3A_28 : memref<!tpu.dma_semaphore, #tpu.memory_space<semaphore_mem>>)
      %dma_wait3A = arith.constant 0 : i32
      %dma_wait3A_40 = arith.constant 0 : i32
      %dma_wait3A_41 = tpu.memref_slice %arg5[%dma_wait3A, %dma_wait3A_40] : memref<80x128xi32, #tpu.memory_space<vmem>> -> memref<78x128xi32, #tpu.memory_space<vmem>>
      %dma_wait3A_42 = arith.constant 0 : i32
      %dma_wait3A_43 = tpu.memref_slice %arg2[%mul3A_2, %run_scoped3A, %dma_wait3A_42] : memref<2500x2x128xi32, #tpu.memory_space<hbm>> -> memref<78x1x128xi32, #tpu.memory_space<hbm>>
      %dma_wait3A_44 = tpu.memref_squeeze %dma_wait3A_43 : memref<78x1x128xi32, #tpu.memory_space<hbm>> -> memref<78x128xi32, #tpu.memory_space<hbm>>
      %dma_wait3A_45 = arith.constant 0 : i32
      %dma_wait3A_46 = arith.constant 0 : i32
      %dma_wait3A_47 = tpu.memref_slice %arg5[%dma_wait3A_45, %dma_wait3A_46] : memref<80x128xi32, #tpu.memory_space<vmem>> -> memref<78x128xi32, #tpu.memory_space<vmem>>
      %dma_wait3A_48 = arith.constant 0 : i32
      %dma_wait3A_49 = tpu.memref_slice %arg2[%mul3A_2, %run_scoped3A, %dma_wait3A_48] : memref<2500x2x128xi32, #tpu.memory_space<hbm>> -> memref<78x1x128xi32, #tpu.memory_space<hbm>>
      %dma_wait3A_50 = tpu.memref_squeeze %dma_wait3A_49 : memref<78x1x128xi32, #tpu.memory_space<hbm>> -> memref<78x128xi32, #tpu.memory_space<hbm>>
      tpu.wait_dma2 semaphore(%run_scoped3A_28 : memref<!tpu.dma_semaphore, #tpu.memory_space<semaphore_mem>>) src(%dma_wait3A_50 : memref<78x128xi32, #tpu.memory_space<hbm>>) dst(%dma_wait3A_47 : memref<78x128xi32, #tpu.memory_space<vmem>>)
      tpu.yield
    }) : () -> ()
    %lt3A = arith.constant 4 : i32
    %lt3A_10 = arith.cmpi slt, %add3A, %lt3A : i32
    %convert_element_type3A = arith.extui %lt3A_10 : i1 to i32
    %cond3A = arith.constant 0 : i32
    %cond3A_11 = arith.cmpi ne, %convert_element_type3A, %cond3A : i32
    scf.if %cond3A_11 {
      %add3A_28 = arith.constant 2496 : i32
      %add3A_29 = arith.addi %add3A_28, %add3A : i32
      %run_scoped3A_30 = arith.constant 1 : i32
      "tpu.region"() ({
        %run_scoped3A_31 = tpu.sem_alloc : memref<!tpu.dma_semaphore, #tpu.memory_space<semaphore_mem>>
        %dma_start3A = arith.constant 78 : i32
        %dma_start3A_32 = arith.constant 0 : i32
        %dma_start3A_33 = tpu.memref_slice %arg5[%dma_start3A, %dma_start3A_32] : memref<80x128xi32, #tpu.memory_space<vmem>> -> memref<1x128xi32, #tpu.memory_space<vmem>>
        %dma_start3A_34 = arith.constant 0 : i32
        %dma_start3A_35 = tpu.memref_slice %arg2[%add3A_29, %run_scoped3A_30, %dma_start3A_34] : memref<2500x2x128xi32, #tpu.memory_space<hbm>> -> memref<1x1x128xi32, #tpu.memory_space<hbm>>
        %dma_start3A_36 = tpu.memref_squeeze %dma_start3A_35 : memref<1x1x128xi32, #tpu.memory_space<hbm>> -> memref<1x128xi32, #tpu.memory_space<hbm>>
        %dma_start3A_37 = arith.constant 78 : i32
        %dma_start3A_38 = arith.constant 0 : i32
        %dma_start3A_39 = tpu.memref_slice %arg5[%dma_start3A_37, %dma_start3A_38] : memref<80x128xi32, #tpu.memory_space<vmem>> -> memref<1x128xi32, #tpu.memory_space<vmem>>
        %dma_start3A_40 = arith.constant 0 : i32
        %dma_start3A_41 = tpu.memref_slice %arg2[%add3A_29, %run_scoped3A_30, %dma_start3A_40] : memref<2500x2x128xi32, #tpu.memory_space<hbm>> -> memref<1x1x128xi32, #tpu.memory_space<hbm>>
        %dma_start3A_42 = tpu.memref_squeeze %dma_start3A_41 : memref<1x1x128xi32, #tpu.memory_space<hbm>> -> memref<1x128xi32, #tpu.memory_space<hbm>>
        tpu.enqueue_dma source(%dma_start3A_42 : memref<1x128xi32, #tpu.memory_space<hbm>>) target(%dma_start3A_39 : memref<1x128xi32, #tpu.memory_space<vmem>>) target_semaphore(%run_scoped3A_31 : memref<!tpu.dma_semaphore, #tpu.memory_space<semaphore_mem>>)
        %dma_wait3A = arith.constant 78 : i32
        %dma_wait3A_43 = arith.constant 0 : i32
        %dma_wait3A_44 = tpu.memref_slice %arg5[%dma_wait3A, %dma_wait3A_43] : memref<80x128xi32, #tpu.memory_space<vmem>> -> memref<1x128xi32, #tpu.memory_space<vmem>>
        %dma_wait3A_45 = arith.constant 0 : i32
        %dma_wait3A_46 = tpu.memref_slice %arg2[%add3A_29, %run_scoped3A_30, %dma_wait3A_45] : memref<2500x2x128xi32, #tpu.memory_space<hbm>> -> memref<1x1x128xi32, #tpu.memory_space<hbm>>
        %dma_wait3A_47 = tpu.memref_squeeze %dma_wait3A_46 : memref<1x1x128xi32, #tpu.memory_space<hbm>> -> memref<1x128xi32, #tpu.memory_space<hbm>>
        %dma_wait3A_48 = arith.constant 78 : i32
        %dma_wait3A_49 = arith.constant 0 : i32
        %dma_wait3A_50 = tpu.memref_slice %arg5[%dma_wait3A_48, %dma_wait3A_49] : memref<80x128xi32, #tpu.memory_space<vmem>> -> memref<1x128xi32, #tpu.memory_space<vmem>>
        %dma_wait3A_51 = arith.constant 0 : i32
        %dma_wait3A_52 = tpu.memref_slice %arg2[%add3A_29, %run_scoped3A_30, %dma_wait3A_51] : memref<2500x2x128xi32, #tpu.memory_space<hbm>> -> memref<1x1x128xi32, #tpu.memory_space<hbm>>
        %dma_wait3A_53 = tpu.memref_squeeze %dma_wait3A_52 : memref<1x1x128xi32, #tpu.memory_space<hbm>> -> memref<1x128xi32, #tpu.memory_space<hbm>>
        tpu.wait_dma2 semaphore(%run_scoped3A_31 : memref<!tpu.dma_semaphore, #tpu.memory_space<semaphore_mem>>) src(%dma_wait3A_53 : memref<1x128xi32, #tpu.memory_space<hbm>>) dst(%dma_wait3A_50 : memref<1x128xi32, #tpu.memory_space<vmem>>)
        tpu.yield
      }) : () -> ()
    } else {
    }
    %barrier3A = arith.constant 0 : index
    tpu.barrier barrier_id(%barrier3A)
    %iota3A = tpu.iota {dimensions = array<i32: 0>} : vector<16xi32>
    %scan3A_12 = arith.constant 0 : i32
    %scan3A_13 = arith.constant 0 : i32
    %scan3A_14 = arith.constant 6 : i32
    %scan3A_15 = arith.addi %scan3A_13, %scan3A_14 : i32
    %scan3A_16 = arith.constant 1 : i32
    scf.for %scan3A_28 = %scan3A_13 to %scan3A_15 step %scan3A_16  : i32 {
      %mul3A_29 = arith.constant 13 : i32
      %mul3A_30 = arith.muli %scan3A_28, %mul3A_29 : i32
      %add3A_31 = arith.addi %mul3A_2, %mul3A_30 : i32
      %run_scoped3A_32 = arith.constant 0 : i32
      %run_scoped3A_33 = arith.constant 0 : i32
      %run_scoped3A_34 = arith.constant 0 : i32
      "tpu.region"() ({
        %run_scoped3A_138 = tpu.sem_alloc : memref<!tpu.dma_semaphore, #tpu.memory_space<semaphore_mem>>
        %dma_start3A = arith.constant 0 : i32
        %dma_start3A_139 = arith.constant 0 : i32
        %dma_start3A_140 = tpu.memref_slice %arg6[%run_scoped3A_34, %dma_start3A, %dma_start3A_139] : memref<16x13x128xf32, #tpu.memory_space<vmem>> -> memref<1x13x128xf32, #tpu.memory_space<vmem>>
        %dma_start3A_141 = tpu.memref_squeeze %dma_start3A_140 : memref<1x13x128xf32, #tpu.memory_space<vmem>> -> memref<13x128xf32, #tpu.memory_space<vmem>>
        %dma_start3A_142 = arith.constant 0 : i32
        %dma_start3A_143 = tpu.memref_slice %arg3[%run_scoped3A_32, %add3A_31, %run_scoped3A_33, %dma_start3A_142] : memref<2x2500x8x128xf32, #tpu.memory_space<hbm>> -> memref<1x13x1x128xf32, #tpu.memory_space<hbm>>
        %dma_start3A_144 = tpu.memref_squeeze %dma_start3A_143 : memref<1x13x1x128xf32, #tpu.memory_space<hbm>> -> memref<13x128xf32, #tpu.memory_space<hbm>>
        %dma_start3A_145 = arith.constant 0 : i32
        %dma_start3A_146 = arith.constant 0 : i32
        %dma_start3A_147 = tpu.memref_slice %arg6[%run_scoped3A_34, %dma_start3A_145, %dma_start3A_146] : memref<16x13x128xf32, #tpu.memory_space<vmem>> -> memref<1x13x128xf32, #tpu.memory_space<vmem>>
        %dma_start3A_148 = tpu.memref_squeeze %dma_start3A_147 : memref<1x13x128xf32, #tpu.memory_space<vmem>> -> memref<13x128xf32, #tpu.memory_space<vmem>>
        %dma_start3A_149 = arith.constant 0 : i32
        %dma_start3A_150 = tpu.memref_slice %arg3[%run_scoped3A_32, %add3A_31, %run_scoped3A_33, %dma_start3A_149] : memref<2x2500x8x128xf32, #tpu.memory_space<hbm>> -> memref<1x13x1x128xf32, #tpu.memory_space<hbm>>
        %dma_start3A_151 = tpu.memref_squeeze %dma_start3A_150 : memref<1x13x1x128xf32, #tpu.memory_space<hbm>> -> memref<13x128xf32, #tpu.memory_space<hbm>>
        tpu.enqueue_dma source(%dma_start3A_151 : memref<13x128xf32, #tpu.memory_space<hbm>>) target(%dma_start3A_148 : memref<13x128xf32, #tpu.memory_space<vmem>>) target_semaphore(%run_scoped3A_138 : memref<!tpu.dma_semaphore, #tpu.memory_space<semaphore_mem>>)
        %dma_wait3A = arith.constant 0 : i32
        %dma_wait3A_152 = arith.constant 0 : i32
        %dma_wait3A_153 = tpu.memref_slice %arg6[%run_scoped3A_34, %dma_wait3A, %dma_wait3A_152] : memref<16x13x128xf32, #tpu.memory_space<vmem>> -> memref<1x13x128xf32, #tpu.memory_space<vmem>>
        %dma_wait3A_154 = tpu.memref_squeeze %dma_wait3A_153 : memref<1x13x128xf32, #tpu.memory_space<vmem>> -> memref<13x128xf32, #tpu.memory_space<vmem>>
        %dma_wait3A_155 = arith.constant 0 : i32
        %dma_wait3A_156 = tpu.memref_slice %arg3[%run_scoped3A_32, %add3A_31, %run_scoped3A_33, %dma_wait3A_155] : memref<2x2500x8x128xf32, #tpu.memory_space<hbm>> -> memref<1x13x1x128xf32, #tpu.memory_space<hbm>>
        %dma_wait3A_157 = tpu.memref_squeeze %dma_wait3A_156 : memref<1x13x1x128xf32, #tpu.memory_space<hbm>> -> memref<13x128xf32, #tpu.memory_space<hbm>>
        %dma_wait3A_158 = arith.constant 0 : i32
        %dma_wait3A_159 = arith.constant 0 : i32
        %dma_wait3A_160 = tpu.memref_slice %arg6[%run_scoped3A_34, %dma_wait3A_158, %dma_wait3A_159] : memref<16x13x128xf32, #tpu.memory_space<vmem>> -> memref<1x13x128xf32, #tpu.memory_space<vmem>>
        %dma_wait3A_161 = tpu.memref_squeeze %dma_wait3A_160 : memref<1x13x128xf32, #tpu.memory_space<vmem>> -> memref<13x128xf32, #tpu.memory_space<vmem>>
        %dma_wait3A_162 = arith.constant 0 : i32
        %dma_wait3A_163 = tpu.memref_slice %arg3[%run_scoped3A_32, %add3A_31, %run_scoped3A_33, %dma_wait3A_162] : memref<2x2500x8x128xf32, #tpu.memory_space<hbm>> -> memref<1x13x1x128xf32, #tpu.memory_space<hbm>>
        %dma_wait3A_164 = tpu.memref_squeeze %dma_wait3A_163 : memref<1x13x1x128xf32, #tpu.memory_space<hbm>> -> memref<13x128xf32, #tpu.memory_space<hbm>>
        tpu.wait_dma2 semaphore(%run_scoped3A_138 : memref<!tpu.dma_semaphore, #tpu.memory_space<semaphore_mem>>) src(%dma_wait3A_164 : memref<13x128xf32, #tpu.memory_space<hbm>>) dst(%dma_wait3A_161 : memref<13x128xf32, #tpu.memory_space<vmem>>)
        tpu.yield
      }) : () -> ()
      %run_scoped3A_35 = arith.constant 0 : i32
      %run_scoped3A_36 = arith.constant 1 : i32
      %run_scoped3A_37 = arith.constant 1 : i32
      "tpu.region"() ({
        %run_scoped3A_138 = tpu.sem_alloc : memref<!tpu.dma_semaphore, #tpu.memory_space<semaphore_mem>>
        %dma_start3A = arith.constant 0 : i32
        %dma_start3A_139 = arith.constant 0 : i32
        %dma_start3A_140 = tpu.memref_slice %arg6[%run_scoped3A_37, %dma_start3A, %dma_start3A_139] : memref<16x13x128xf32, #tpu.memory_space<vmem>> -> memref<1x13x128xf32, #tpu.memory_space<vmem>>
        %dma_start3A_141 = tpu.memref_squeeze %dma_start3A_140 : memref<1x13x128xf32, #tpu.memory_space<vmem>> -> memref<13x128xf32, #tpu.memory_space<vmem>>
        %dma_start3A_142 = arith.constant 0 : i32
        %dma_start3A_143 = tpu.memref_slice %arg3[%run_scoped3A_35, %add3A_31, %run_scoped3A_36, %dma_start3A_142] : memref<2x2500x8x128xf32, #tpu.memory_space<hbm>> -> memref<1x13x1x128xf32, #tpu.memory_space<hbm>>
        %dma_start3A_144 = tpu.memref_squeeze %dma_start3A_143 : memref<1x13x1x128xf32, #tpu.memory_space<hbm>> -> memref<13x128xf32, #tpu.memory_space<hbm>>
        %dma_start3A_145 = arith.constant 0 : i32
        %dma_start3A_146 = arith.constant 0 : i32
        %dma_start3A_147 = tpu.memref_slice %arg6[%run_scoped3A_37, %dma_start3A_145, %dma_start3A_146] : memref<16x13x128xf32, #tpu.memory_space<vmem>> -> memref<1x13x128xf32, #tpu.memory_space<vmem>>
        %dma_start3A_148 = tpu.memref_squeeze %dma_start3A_147 : memref<1x13x128xf32, #tpu.memory_space<vmem>> -> memref<13x128xf32, #tpu.memory_space<vmem>>
        %dma_start3A_149 = arith.constant 0 : i32
        %dma_start3A_150 = tpu.memref_slice %arg3[%run_scoped3A_35, %add3A_31, %run_scoped3A_36, %dma_start3A_149] : memref<2x2500x8x128xf32, #tpu.memory_space<hbm>> -> memref<1x13x1x128xf32, #tpu.memory_space<hbm>>
        %dma_start3A_151 = tpu.memref_squeeze %dma_start3A_150 : memref<1x13x1x128xf32, #tpu.memory_space<hbm>> -> memref<13x128xf32, #tpu.memory_space<hbm>>
        tpu.enqueue_dma source(%dma_start3A_151 : memref<13x128xf32, #tpu.memory_space<hbm>>) target(%dma_start3A_148 : memref<13x128xf32, #tpu.memory_space<vmem>>) target_semaphore(%run_scoped3A_138 : memref<!tpu.dma_semaphore, #tpu.memory_space<semaphore_mem>>)
        %dma_wait3A = arith.constant 0 : i32
        %dma_wait3A_152 = arith.constant 0 : i32
        %dma_wait3A_153 = tpu.memref_slice %arg6[%run_scoped3A_37, %dma_wait3A, %dma_wait3A_152] : memref<16x13x128xf32, #tpu.memory_space<vmem>> -> memref<1x13x128xf32, #tpu.memory_space<vmem>>
        %dma_wait3A_154 = tpu.memref_squeeze %dma_wait3A_153 : memref<1x13x128xf32, #tpu.memory_space<vmem>> -> memref<13x128xf32, #tpu.memory_space<vmem>>
        %dma_wait3A_155 = arith.constant 0 : i32
        %dma_wait3A_156 = tpu.memref_slice %arg3[%run_scoped3A_35, %add3A_31, %run_scoped3A_36, %dma_wait3A_155] : memref<2x2500x8x128xf32, #tpu.memory_space<hbm>> -> memref<1x13x1x128xf32, #tpu.memory_space<hbm>>
        %dma_wait3A_157 = tpu.memref_squeeze %dma_wait3A_156 : memref<1x13x1x128xf32, #tpu.memory_space<hbm>> -> memref<13x128xf32, #tpu.memory_space<hbm>>
        %dma_wait3A_158 = arith.constant 0 : i32
        %dma_wait3A_159 = arith.constant 0 : i32
        %dma_wait3A_160 = tpu.memref_slice %arg6[%run_scoped3A_37, %dma_wait3A_158, %dma_wait3A_159] : memref<16x13x128xf32, #tpu.memory_space<vmem>> -> memref<1x13x128xf32, #tpu.memory_space<vmem>>
        %dma_wait3A_161 = tpu.memref_squeeze %dma_wait3A_160 : memref<1x13x128xf32, #tpu.memory_space<vmem>> -> memref<13x128xf32, #tpu.memory_space<vmem>>
        %dma_wait3A_162 = arith.constant 0 : i32
        %dma_wait3A_163 = tpu.memref_slice %arg3[%run_scoped3A_35, %add3A_31, %run_scoped3A_36, %dma_wait3A_162] : memref<2x2500x8x128xf32, #tpu.memory_space<hbm>> -> memref<1x13x1x128xf32, #tpu.memory_space<hbm>>
        %dma_wait3A_164 = tpu.memref_squeeze %dma_wait3A_163 : memref<1x13x1x128xf32, #tpu.memory_space<hbm>> -> memref<13x128xf32, #tpu.memory_space<hbm>>
        tpu.wait_dma2 semaphore(%run_scoped3A_138 : memref<!tpu.dma_semaphore, #tpu.memory_space<semaphore_mem>>) src(%dma_wait3A_164 : memref<13x128xf32, #tpu.memory_space<hbm>>) dst(%dma_wait3A_161 : memref<13x128xf32, #tpu.memory_space<vmem>>)
        tpu.yield
      }) : () -> ()
      %run_scoped3A_38 = arith.constant 0 : i32
      %run_scoped3A_39 = arith.constant 2 : i32
      %run_scoped3A_40 = arith.constant 2 : i32
      "tpu.region"() ({
        %run_scoped3A_138 = tpu.sem_alloc : memref<!tpu.dma_semaphore, #tpu.memory_space<semaphore_mem>>
        %dma_start3A = arith.constant 0 : i32
        %dma_start3A_139 = arith.constant 0 : i32
        %dma_start3A_140 = tpu.memref_slice %arg6[%run_scoped3A_40, %dma_start3A, %dma_start3A_139] : memref<16x13x128xf32, #tpu.memory_space<vmem>> -> memref<1x13x128xf32, #tpu.memory_space<vmem>>
        %dma_start3A_141 = tpu.memref_squeeze %dma_start3A_140 : memref<1x13x128xf32, #tpu.memory_space<vmem>> -> memref<13x128xf32, #tpu.memory_space<vmem>>
        %dma_start3A_142 = arith.constant 0 : i32
        %dma_start3A_143 = tpu.memref_slice %arg3[%run_scoped3A_38, %add3A_31, %run_scoped3A_39, %dma_start3A_142] : memref<2x2500x8x128xf32, #tpu.memory_space<hbm>> -> memref<1x13x1x128xf32, #tpu.memory_space<hbm>>
        %dma_start3A_144 = tpu.memref_squeeze %dma_start3A_143 : memref<1x13x1x128xf32, #tpu.memory_space<hbm>> -> memref<13x128xf32, #tpu.memory_space<hbm>>
        %dma_start3A_145 = arith.constant 0 : i32
        %dma_start3A_146 = arith.constant 0 : i32
        %dma_start3A_147 = tpu.memref_slice %arg6[%run_scoped3A_40, %dma_start3A_145, %dma_start3A_146] : memref<16x13x128xf32, #tpu.memory_space<vmem>> -> memref<1x13x128xf32, #tpu.memory_space<vmem>>
        %dma_start3A_148 = tpu.memref_squeeze %dma_start3A_147 : memref<1x13x128xf32, #tpu.memory_space<vmem>> -> memref<13x128xf32, #tpu.memory_space<vmem>>
        %dma_start3A_149 = arith.constant 0 : i32
        %dma_start3A_150 = tpu.memref_slice %arg3[%run_scoped3A_38, %add3A_31, %run_scoped3A_39, %dma_start3A_149] : memref<2x2500x8x128xf32, #tpu.memory_space<hbm>> -> memref<1x13x1x128xf32, #tpu.memory_space<hbm>>
        %dma_start3A_151 = tpu.memref_squeeze %dma_start3A_150 : memref<1x13x1x128xf32, #tpu.memory_space<hbm>> -> memref<13x128xf32, #tpu.memory_space<hbm>>
        tpu.enqueue_dma source(%dma_start3A_151 : memref<13x128xf32, #tpu.memory_space<hbm>>) target(%dma_start3A_148 : memref<13x128xf32, #tpu.memory_space<vmem>>) target_semaphore(%run_scoped3A_138 : memref<!tpu.dma_semaphore, #tpu.memory_space<semaphore_mem>>)
        %dma_wait3A = arith.constant 0 : i32
        %dma_wait3A_152 = arith.constant 0 : i32
        %dma_wait3A_153 = tpu.memref_slice %arg6[%run_scoped3A_40, %dma_wait3A, %dma_wait3A_152] : memref<16x13x128xf32, #tpu.memory_space<vmem>> -> memref<1x13x128xf32, #tpu.memory_space<vmem>>
        %dma_wait3A_154 = tpu.memref_squeeze %dma_wait3A_153 : memref<1x13x128xf32, #tpu.memory_space<vmem>> -> memref<13x128xf32, #tpu.memory_space<vmem>>
        %dma_wait3A_155 = arith.constant 0 : i32
        %dma_wait3A_156 = tpu.memref_slice %arg3[%run_scoped3A_38, %add3A_31, %run_scoped3A_39, %dma_wait3A_155] : memref<2x2500x8x128xf32, #tpu.memory_space<hbm>> -> memref<1x13x1x128xf32, #tpu.memory_space<hbm>>
        %dma_wait3A_157 = tpu.memref_squeeze %dma_wait3A_156 : memref<1x13x1x128xf32, #tpu.memory_space<hbm>> -> memref<13x128xf32, #tpu.memory_space<hbm>>
        %dma_wait3A_158 = arith.constant 0 : i32
        %dma_wait3A_159 = arith.constant 0 : i32
        %dma_wait3A_160 = tpu.memref_slice %arg6[%run_scoped3A_40, %dma_wait3A_158, %dma_wait3A_159] : memref<16x13x128xf32, #tpu.memory_space<vmem>> -> memref<1x13x128xf32, #tpu.memory_space<vmem>>
        %dma_wait3A_161 = tpu.memref_squeeze %dma_wait3A_160 : memref<1x13x128xf32, #tpu.memory_space<vmem>> -> memref<13x128xf32, #tpu.memory_space<vmem>>
        %dma_wait3A_162 = arith.constant 0 : i32
        %dma_wait3A_163 = tpu.memref_slice %arg3[%run_scoped3A_38, %add3A_31, %run_scoped3A_39, %dma_wait3A_162] : memref<2x2500x8x128xf32, #tpu.memory_space<hbm>> -> memref<1x13x1x128xf32, #tpu.memory_space<hbm>>
        %dma_wait3A_164 = tpu.memref_squeeze %dma_wait3A_163 : memref<1x13x1x128xf32, #tpu.memory_space<hbm>> -> memref<13x128xf32, #tpu.memory_space<hbm>>
        tpu.wait_dma2 semaphore(%run_scoped3A_138 : memref<!tpu.dma_semaphore, #tpu.memory_space<semaphore_mem>>) src(%dma_wait3A_164 : memref<13x128xf32, #tpu.memory_space<hbm>>) dst(%dma_wait3A_161 : memref<13x128xf32, #tpu.memory_space<vmem>>)
        tpu.yield
      }) : () -> ()
      %run_scoped3A_41 = arith.constant 0 : i32
      %run_scoped3A_42 = arith.constant 3 : i32
      %run_scoped3A_43 = arith.constant 3 : i32
      "tpu.region"() ({
        %run_scoped3A_138 = tpu.sem_alloc : memref<!tpu.dma_semaphore, #tpu.memory_space<semaphore_mem>>
        %dma_start3A = arith.constant 0 : i32
        %dma_start3A_139 = arith.constant 0 : i32
        %dma_start3A_140 = tpu.memref_slice %arg6[%run_scoped3A_43, %dma_start3A, %dma_start3A_139] : memref<16x13x128xf32, #tpu.memory_space<vmem>> -> memref<1x13x128xf32, #tpu.memory_space<vmem>>
        %dma_start3A_141 = tpu.memref_squeeze %dma_start3A_140 : memref<1x13x128xf32, #tpu.memory_space<vmem>> -> memref<13x128xf32, #tpu.memory_space<vmem>>
        %dma_start3A_142 = arith.constant 0 : i32
        %dma_start3A_143 = tpu.memref_slice %arg3[%run_scoped3A_41, %add3A_31, %run_scoped3A_42, %dma_start3A_142] : memref<2x2500x8x128xf32, #tpu.memory_space<hbm>> -> memref<1x13x1x128xf32, #tpu.memory_space<hbm>>
        %dma_start3A_144 = tpu.memref_squeeze %dma_start3A_143 : memref<1x13x1x128xf32, #tpu.memory_space<hbm>> -> memref<13x128xf32, #tpu.memory_space<hbm>>
        %dma_start3A_145 = arith.constant 0 : i32
        %dma_start3A_146 = arith.constant 0 : i32
        %dma_start3A_147 = tpu.memref_slice %arg6[%run_scoped3A_43, %dma_start3A_145, %dma_start3A_146] : memref<16x13x128xf32, #tpu.memory_space<vmem>> -> memref<1x13x128xf32, #tpu.memory_space<vmem>>
        %dma_start3A_148 = tpu.memref_squeeze %dma_start3A_147 : memref<1x13x128xf32, #tpu.memory_space<vmem>> -> memref<13x128xf32, #tpu.memory_space<vmem>>
        %dma_start3A_149 = arith.constant 0 : i32
        %dma_start3A_150 = tpu.memref_slice %arg3[%run_scoped3A_41, %add3A_31, %run_scoped3A_42, %dma_start3A_149] : memref<2x2500x8x128xf32, #tpu.memory_space<hbm>> -> memref<1x13x1x128xf32, #tpu.memory_space<hbm>>
        %dma_start3A_151 = tpu.memref_squeeze %dma_start3A_150 : memref<1x13x1x128xf32, #tpu.memory_space<hbm>> -> memref<13x128xf32, #tpu.memory_space<hbm>>
        tpu.enqueue_dma source(%dma_start3A_151 : memref<13x128xf32, #tpu.memory_space<hbm>>) target(%dma_start3A_148 : memref<13x128xf32, #tpu.memory_space<vmem>>) target_semaphore(%run_scoped3A_138 : memref<!tpu.dma_semaphore, #tpu.memory_space<semaphore_mem>>)
        %dma_wait3A = arith.constant 0 : i32
        %dma_wait3A_152 = arith.constant 0 : i32
        %dma_wait3A_153 = tpu.memref_slice %arg6[%run_scoped3A_43, %dma_wait3A, %dma_wait3A_152] : memref<16x13x128xf32, #tpu.memory_space<vmem>> -> memref<1x13x128xf32, #tpu.memory_space<vmem>>
        %dma_wait3A_154 = tpu.memref_squeeze %dma_wait3A_153 : memref<1x13x128xf32, #tpu.memory_space<vmem>> -> memref<13x128xf32, #tpu.memory_space<vmem>>
        %dma_wait3A_155 = arith.constant 0 : i32
        %dma_wait3A_156 = tpu.memref_slice %arg3[%run_scoped3A_41, %add3A_31, %run_scoped3A_42, %dma_wait3A_155] : memref<2x2500x8x128xf32, #tpu.memory_space<hbm>> -> memref<1x13x1x128xf32, #tpu.memory_space<hbm>>
        %dma_wait3A_157 = tpu.memref_squeeze %dma_wait3A_156 : memref<1x13x1x128xf32, #tpu.memory_space<hbm>> -> memref<13x128xf32, #tpu.memory_space<hbm>>
        %dma_wait3A_158 = arith.constant 0 : i32
        %dma_wait3A_159 = arith.constant 0 : i32
        %dma_wait3A_160 = tpu.memref_slice %arg6[%run_scoped3A_43, %dma_wait3A_158, %dma_wait3A_159] : memref<16x13x128xf32, #tpu.memory_space<vmem>> -> memref<1x13x128xf32, #tpu.memory_space<vmem>>
        %dma_wait3A_161 = tpu.memref_squeeze %dma_wait3A_160 : memref<1x13x128xf32, #tpu.memory_space<vmem>> -> memref<13x128xf32, #tpu.memory_space<vmem>>
        %dma_wait3A_162 = arith.constant 0 : i32
        %dma_wait3A_163 = tpu.memref_slice %arg3[%run_scoped3A_41, %add3A_31, %run_scoped3A_42, %dma_wait3A_162] : memref<2x2500x8x128xf32, #tpu.memory_space<hbm>> -> memref<1x13x1x128xf32, #tpu.memory_space<hbm>>
        %dma_wait3A_164 = tpu.memref_squeeze %dma_wait3A_163 : memref<1x13x1x128xf32, #tpu.memory_space<hbm>> -> memref<13x128xf32, #tpu.memory_space<hbm>>
        tpu.wait_dma2 semaphore(%run_scoped3A_138 : memref<!tpu.dma_semaphore, #tpu.memory_space<semaphore_mem>>) src(%dma_wait3A_164 : memref<13x128xf32, #tpu.memory_space<hbm>>) dst(%dma_wait3A_161 : memref<13x128xf32, #tpu.memory_space<vmem>>)
        tpu.yield
      }) : () -> ()
      %run_scoped3A_44 = arith.constant 0 : i32
      %run_scoped3A_45 = arith.constant 4 : i32
      %run_scoped3A_46 = arith.constant 4 : i32
      "tpu.region"() ({
        %run_scoped3A_138 = tpu.sem_alloc : memref<!tpu.dma_semaphore, #tpu.memory_space<semaphore_mem>>
        %dma_start3A = arith.constant 0 : i32
        %dma_start3A_139 = arith.constant 0 : i32
        %dma_start3A_140 = tpu.memref_slice %arg6[%run_scoped3A_46, %dma_start3A, %dma_start3A_139] : memref<16x13x128xf32, #tpu.memory_space<vmem>> -> memref<1x13x128xf32, #tpu.memory_space<vmem>>
        %dma_start3A_141 = tpu.memref_squeeze %dma_start3A_140 : memref<1x13x128xf32, #tpu.memory_space<vmem>> -> memref<13x128xf32, #tpu.memory_space<vmem>>
        %dma_start3A_142 = arith.constant 0 : i32
        %dma_start3A_143 = tpu.memref_slice %arg3[%run_scoped3A_44, %add3A_31, %run_scoped3A_45, %dma_start3A_142] : memref<2x2500x8x128xf32, #tpu.memory_space<hbm>> -> memref<1x13x1x128xf32, #tpu.memory_space<hbm>>
        %dma_start3A_144 = tpu.memref_squeeze %dma_start3A_143 : memref<1x13x1x128xf32, #tpu.memory_space<hbm>> -> memref<13x128xf32, #tpu.memory_space<hbm>>
        %dma_start3A_145 = arith.constant 0 : i32
        %dma_start3A_146 = arith.constant 0 : i32
        %dma_start3A_147 = tpu.memref_slice %arg6[%run_scoped3A_46, %dma_start3A_145, %dma_start3A_146] : memref<16x13x128xf32, #tpu.memory_space<vmem>> -> memref<1x13x128xf32, #tpu.memory_space<vmem>>
        %dma_start3A_148 = tpu.memref_squeeze %dma_start3A_147 : memref<1x13x128xf32, #tpu.memory_space<vmem>> -> memref<13x128xf32, #tpu.memory_space<vmem>>
        %dma_start3A_149 = arith.constant 0 : i32
        %dma_start3A_150 = tpu.memref_slice %arg3[%run_scoped3A_44, %add3A_31, %run_scoped3A_45, %dma_start3A_149] : memref<2x2500x8x128xf32, #tpu.memory_space<hbm>> -> memref<1x13x1x128xf32, #tpu.memory_space<hbm>>
        %dma_start3A_151 = tpu.memref_squeeze %dma_start3A_150 : memref<1x13x1x128xf32, #tpu.memory_space<hbm>> -> memref<13x128xf32, #tpu.memory_space<hbm>>
        tpu.enqueue_dma source(%dma_start3A_151 : memref<13x128xf32, #tpu.memory_space<hbm>>) target(%dma_start3A_148 : memref<13x128xf32, #tpu.memory_space<vmem>>) target_semaphore(%run_scoped3A_138 : memref<!tpu.dma_semaphore, #tpu.memory_space<semaphore_mem>>)
        %dma_wait3A = arith.constant 0 : i32
        %dma_wait3A_152 = arith.constant 0 : i32
        %dma_wait3A_153 = tpu.memref_slice %arg6[%run_scoped3A_46, %dma_wait3A, %dma_wait3A_152] : memref<16x13x128xf32, #tpu.memory_space<vmem>> -> memref<1x13x128xf32, #tpu.memory_space<vmem>>
        %dma_wait3A_154 = tpu.memref_squeeze %dma_wait3A_153 : memref<1x13x128xf32, #tpu.memory_space<vmem>> -> memref<13x128xf32, #tpu.memory_space<vmem>>
        %dma_wait3A_155 = arith.constant 0 : i32
        %dma_wait3A_156 = tpu.memref_slice %arg3[%run_scoped3A_44, %add3A_31, %run_scoped3A_45, %dma_wait3A_155] : memref<2x2500x8x128xf32, #tpu.memory_space<hbm>> -> memref<1x13x1x128xf32, #tpu.memory_space<hbm>>
        %dma_wait3A_157 = tpu.memref_squeeze %dma_wait3A_156 : memref<1x13x1x128xf32, #tpu.memory_space<hbm>> -> memref<13x128xf32, #tpu.memory_space<hbm>>
        %dma_wait3A_158 = arith.constant 0 : i32
        %dma_wait3A_159 = arith.constant 0 : i32
        %dma_wait3A_160 = tpu.memref_slice %arg6[%run_scoped3A_46, %dma_wait3A_158, %dma_wait3A_159] : memref<16x13x128xf32, #tpu.memory_space<vmem>> -> memref<1x13x128xf32, #tpu.memory_space<vmem>>
        %dma_wait3A_161 = tpu.memref_squeeze %dma_wait3A_160 : memref<1x13x128xf32, #tpu.memory_space<vmem>> -> memref<13x128xf32, #tpu.memory_space<vmem>>
        %dma_wait3A_162 = arith.constant 0 : i32
        %dma_wait3A_163 = tpu.memref_slice %arg3[%run_scoped3A_44, %add3A_31, %run_scoped3A_45, %dma_wait3A_162] : memref<2x2500x8x128xf32, #tpu.memory_space<hbm>> -> memref<1x13x1x128xf32, #tpu.memory_space<hbm>>
        %dma_wait3A_164 = tpu.memref_squeeze %dma_wait3A_163 : memref<1x13x1x128xf32, #tpu.memory_space<hbm>> -> memref<13x128xf32, #tpu.memory_space<hbm>>
        tpu.wait_dma2 semaphore(%run_scoped3A_138 : memref<!tpu.dma_semaphore, #tpu.memory_space<semaphore_mem>>) src(%dma_wait3A_164 : memref<13x128xf32, #tpu.memory_space<hbm>>) dst(%dma_wait3A_161 : memref<13x128xf32, #tpu.memory_space<vmem>>)
        tpu.yield
      }) : () -> ()
      %run_scoped3A_47 = arith.constant 0 : i32
      %run_scoped3A_48 = arith.constant 5 : i32
      %run_scoped3A_49 = arith.constant 5 : i32
      "tpu.region"() ({
        %run_scoped3A_138 = tpu.sem_alloc : memref<!tpu.dma_semaphore, #tpu.memory_space<semaphore_mem>>
        %dma_start3A = arith.constant 0 : i32
        %dma_start3A_139 = arith.constant 0 : i32
        %dma_start3A_140 = tpu.memref_slice %arg6[%run_scoped3A_49, %dma_start3A, %dma_start3A_139] : memref<16x13x128xf32, #tpu.memory_space<vmem>> -> memref<1x13x128xf32, #tpu.memory_space<vmem>>
        %dma_start3A_141 = tpu.memref_squeeze %dma_start3A_140 : memref<1x13x128xf32, #tpu.memory_space<vmem>> -> memref<13x128xf32, #tpu.memory_space<vmem>>
        %dma_start3A_142 = arith.constant 0 : i32
        %dma_start3A_143 = tpu.memref_slice %arg3[%run_scoped3A_47, %add3A_31, %run_scoped3A_48, %dma_start3A_142] : memref<2x2500x8x128xf32, #tpu.memory_space<hbm>> -> memref<1x13x1x128xf32, #tpu.memory_space<hbm>>
        %dma_start3A_144 = tpu.memref_squeeze %dma_start3A_143 : memref<1x13x1x128xf32, #tpu.memory_space<hbm>> -> memref<13x128xf32, #tpu.memory_space<hbm>>
        %dma_start3A_145 = arith.constant 0 : i32
        %dma_start3A_146 = arith.constant 0 : i32
        %dma_start3A_147 = tpu.memref_slice %arg6[%run_scoped3A_49, %dma_start3A_145, %dma_start3A_146] : memref<16x13x128xf32, #tpu.memory_space<vmem>> -> memref<1x13x128xf32, #tpu.memory_space<vmem>>
        %dma_start3A_148 = tpu.memref_squeeze %dma_start3A_147 : memref<1x13x128xf32, #tpu.memory_space<vmem>> -> memref<13x128xf32, #tpu.memory_space<vmem>>
        %dma_start3A_149 = arith.constant 0 : i32
        %dma_start3A_150 = tpu.memref_slice %arg3[%run_scoped3A_47, %add3A_31, %run_scoped3A_48, %dma_start3A_149] : memref<2x2500x8x128xf32, #tpu.memory_space<hbm>> -> memref<1x13x1x128xf32, #tpu.memory_space<hbm>>
        %dma_start3A_151 = tpu.memref_squeeze %dma_start3A_150 : memref<1x13x1x128xf32, #tpu.memory_space<hbm>> -> memref<13x128xf32, #tpu.memory_space<hbm>>
        tpu.enqueue_dma source(%dma_start3A_151 : memref<13x128xf32, #tpu.memory_space<hbm>>) target(%dma_start3A_148 : memref<13x128xf32, #tpu.memory_space<vmem>>) target_semaphore(%run_scoped3A_138 : memref<!tpu.dma_semaphore, #tpu.memory_space<semaphore_mem>>)
        %dma_wait3A = arith.constant 0 : i32
        %dma_wait3A_152 = arith.constant 0 : i32
        %dma_wait3A_153 = tpu.memref_slice %arg6[%run_scoped3A_49, %dma_wait3A, %dma_wait3A_152] : memref<16x13x128xf32, #tpu.memory_space<vmem>> -> memref<1x13x128xf32, #tpu.memory_space<vmem>>
        %dma_wait3A_154 = tpu.memref_squeeze %dma_wait3A_153 : memref<1x13x128xf32, #tpu.memory_space<vmem>> -> memref<13x128xf32, #tpu.memory_space<vmem>>
        %dma_wait3A_155 = arith.constant 0 : i32
        %dma_wait3A_156 = tpu.memref_slice %arg3[%run_scoped3A_47, %add3A_31, %run_scoped3A_48, %dma_wait3A_155] : memref<2x2500x8x128xf32, #tpu.memory_space<hbm>> -> memref<1x13x1x128xf32, #tpu.memory_space<hbm>>
        %dma_wait3A_157 = tpu.memref_squeeze %dma_wait3A_156 : memref<1x13x1x128xf32, #tpu.memory_space<hbm>> -> memref<13x128xf32, #tpu.memory_space<hbm>>
        %dma_wait3A_158 = arith.constant 0 : i32
        %dma_wait3A_159 = arith.constant 0 : i32
        %dma_wait3A_160 = tpu.memref_slice %arg6[%run_scoped3A_49, %dma_wait3A_158, %dma_wait3A_159] : memref<16x13x128xf32, #tpu.memory_space<vmem>> -> memref<1x13x128xf32, #tpu.memory_space<vmem>>
        %dma_wait3A_161 = tpu.memref_squeeze %dma_wait3A_160 : memref<1x13x128xf32, #tpu.memory_space<vmem>> -> memref<13x128xf32, #tpu.memory_space<vmem>>
        %dma_wait3A_162 = arith.constant 0 : i32
        %dma_wait3A_163 = tpu.memref_slice %arg3[%run_scoped3A_47, %add3A_31, %run_scoped3A_48, %dma_wait3A_162] : memref<2x2500x8x128xf32, #tpu.memory_space<hbm>> -> memref<1x13x1x128xf32, #tpu.memory_space<hbm>>
        %dma_wait3A_164 = tpu.memref_squeeze %dma_wait3A_163 : memref<1x13x1x128xf32, #tpu.memory_space<hbm>> -> memref<13x128xf32, #tpu.memory_space<hbm>>
        tpu.wait_dma2 semaphore(%run_scoped3A_138 : memref<!tpu.dma_semaphore, #tpu.memory_space<semaphore_mem>>) src(%dma_wait3A_164 : memref<13x128xf32, #tpu.memory_space<hbm>>) dst(%dma_wait3A_161 : memref<13x128xf32, #tpu.memory_space<vmem>>)
        tpu.yield
      }) : () -> ()
      %run_scoped3A_50 = arith.constant 0 : i32
      %run_scoped3A_51 = arith.constant 6 : i32
      %run_scoped3A_52 = arith.constant 6 : i32
      "tpu.region"() ({
        %run_scoped3A_138 = tpu.sem_alloc : memref<!tpu.dma_semaphore, #tpu.memory_space<semaphore_mem>>
        %dma_start3A = arith.constant 0 : i32
        %dma_start3A_139 = arith.constant 0 : i32
        %dma_start3A_140 = tpu.memref_slice %arg6[%run_scoped3A_52, %dma_start3A, %dma_start3A_139] : memref<16x13x128xf32, #tpu.memory_space<vmem>> -> memref<1x13x128xf32, #tpu.memory_space<vmem>>
        %dma_start3A_141 = tpu.memref_squeeze %dma_start3A_140 : memref<1x13x128xf32, #tpu.memory_space<vmem>> -> memref<13x128xf32, #tpu.memory_space<vmem>>
        %dma_start3A_142 = arith.constant 0 : i32
        %dma_start3A_143 = tpu.memref_slice %arg3[%run_scoped3A_50, %add3A_31, %run_scoped3A_51, %dma_start3A_142] : memref<2x2500x8x128xf32, #tpu.memory_space<hbm>> -> memref<1x13x1x128xf32, #tpu.memory_space<hbm>>
        %dma_start3A_144 = tpu.memref_squeeze %dma_start3A_143 : memref<1x13x1x128xf32, #tpu.memory_space<hbm>> -> memref<13x128xf32, #tpu.memory_space<hbm>>
        %dma_start3A_145 = arith.constant 0 : i32
        %dma_start3A_146 = arith.constant 0 : i32
        %dma_start3A_147 = tpu.memref_slice %arg6[%run_scoped3A_52, %dma_start3A_145, %dma_start3A_146] : memref<16x13x128xf32, #tpu.memory_space<vmem>> -> memref<1x13x128xf32, #tpu.memory_space<vmem>>
        %dma_start3A_148 = tpu.memref_squeeze %dma_start3A_147 : memref<1x13x128xf32, #tpu.memory_space<vmem>> -> memref<13x128xf32, #tpu.memory_space<vmem>>
        %dma_start3A_149 = arith.constant 0 : i32
        %dma_start3A_150 = tpu.memref_slice %arg3[%run_scoped3A_50, %add3A_31, %run_scoped3A_51, %dma_start3A_149] : memref<2x2500x8x128xf32, #tpu.memory_space<hbm>> -> memref<1x13x1x128xf32, #tpu.memory_space<hbm>>
        %dma_start3A_151 = tpu.memref_squeeze %dma_start3A_150 : memref<1x13x1x128xf32, #tpu.memory_space<hbm>> -> memref<13x128xf32, #tpu.memory_space<hbm>>
        tpu.enqueue_dma source(%dma_start3A_151 : memref<13x128xf32, #tpu.memory_space<hbm>>) target(%dma_start3A_148 : memref<13x128xf32, #tpu.memory_space<vmem>>) target_semaphore(%run_scoped3A_138 : memref<!tpu.dma_semaphore, #tpu.memory_space<semaphore_mem>>)
        %dma_wait3A = arith.constant 0 : i32
        %dma_wait3A_152 = arith.constant 0 : i32
        %dma_wait3A_153 = tpu.memref_slice %arg6[%run_scoped3A_52, %dma_wait3A, %dma_wait3A_152] : memref<16x13x128xf32, #tpu.memory_space<vmem>> -> memref<1x13x128xf32, #tpu.memory_space<vmem>>
        %dma_wait3A_154 = tpu.memref_squeeze %dma_wait3A_153 : memref<1x13x128xf32, #tpu.memory_space<vmem>> -> memref<13x128xf32, #tpu.memory_space<vmem>>
        %dma_wait3A_155 = arith.constant 0 : i32
        %dma_wait3A_156 = tpu.memref_slice %arg3[%run_scoped3A_50, %add3A_31, %run_scoped3A_51, %dma_wait3A_155] : memref<2x2500x8x128xf32, #tpu.memory_space<hbm>> -> memref<1x13x1x128xf32, #tpu.memory_space<hbm>>
        %dma_wait3A_157 = tpu.memref_squeeze %dma_wait3A_156 : memref<1x13x1x128xf32, #tpu.memory_space<hbm>> -> memref<13x128xf32, #tpu.memory_space<hbm>>
        %dma_wait3A_158 = arith.constant 0 : i32
        %dma_wait3A_159 = arith.constant 0 : i32
        %dma_wait3A_160 = tpu.memref_slice %arg6[%run_scoped3A_52, %dma_wait3A_158, %dma_wait3A_159] : memref<16x13x128xf32, #tpu.memory_space<vmem>> -> memref<1x13x128xf32, #tpu.memory_space<vmem>>
        %dma_wait3A_161 = tpu.memref_squeeze %dma_wait3A_160 : memref<1x13x128xf32, #tpu.memory_space<vmem>> -> memref<13x128xf32, #tpu.memory_space<vmem>>
        %dma_wait3A_162 = arith.constant 0 : i32
        %dma_wait3A_163 = tpu.memref_slice %arg3[%run_scoped3A_50, %add3A_31, %run_scoped3A_51, %dma_wait3A_162] : memref<2x2500x8x128xf32, #tpu.memory_space<hbm>> -> memref<1x13x1x128xf32, #tpu.memory_space<hbm>>
        %dma_wait3A_164 = tpu.memref_squeeze %dma_wait3A_163 : memref<1x13x1x128xf32, #tpu.memory_space<hbm>> -> memref<13x128xf32, #tpu.memory_space<hbm>>
        tpu.wait_dma2 semaphore(%run_scoped3A_138 : memref<!tpu.dma_semaphore, #tpu.memory_space<semaphore_mem>>) src(%dma_wait3A_164 : memref<13x128xf32, #tpu.memory_space<hbm>>) dst(%dma_wait3A_161 : memref<13x128xf32, #tpu.memory_space<vmem>>)
        tpu.yield
      }) : () -> ()
      %run_scoped3A_53 = arith.constant 0 : i32
      %run_scoped3A_54 = arith.constant 7 : i32
      %run_scoped3A_55 = arith.constant 7 : i32
      "tpu.region"() ({
        %run_scoped3A_138 = tpu.sem_alloc : memref<!tpu.dma_semaphore, #tpu.memory_space<semaphore_mem>>
        %dma_start3A = arith.constant 0 : i32
        %dma_start3A_139 = arith.constant 0 : i32
        %dma_start3A_140 = tpu.memref_slice %arg6[%run_scoped3A_55, %dma_start3A, %dma_start3A_139] : memref<16x13x128xf32, #tpu.memory_space<vmem>> -> memref<1x13x128xf32, #tpu.memory_space<vmem>>
        %dma_start3A_141 = tpu.memref_squeeze %dma_start3A_140 : memref<1x13x128xf32, #tpu.memory_space<vmem>> -> memref<13x128xf32, #tpu.memory_space<vmem>>
        %dma_start3A_142 = arith.constant 0 : i32
        %dma_start3A_143 = tpu.memref_slice %arg3[%run_scoped3A_53, %add3A_31, %run_scoped3A_54, %dma_start3A_142] : memref<2x2500x8x128xf32, #tpu.memory_space<hbm>> -> memref<1x13x1x128xf32, #tpu.memory_space<hbm>>
        %dma_start3A_144 = tpu.memref_squeeze %dma_start3A_143 : memref<1x13x1x128xf32, #tpu.memory_space<hbm>> -> memref<13x128xf32, #tpu.memory_space<hbm>>
        %dma_start3A_145 = arith.constant 0 : i32
        %dma_start3A_146 = arith.constant 0 : i32
        %dma_start3A_147 = tpu.memref_slice %arg6[%run_scoped3A_55, %dma_start3A_145, %dma_start3A_146] : memref<16x13x128xf32, #tpu.memory_space<vmem>> -> memref<1x13x128xf32, #tpu.memory_space<vmem>>
        %dma_start3A_148 = tpu.memref_squeeze %dma_start3A_147 : memref<1x13x128xf32, #tpu.memory_space<vmem>> -> memref<13x128xf32, #tpu.memory_space<vmem>>
        %dma_start3A_149 = arith.constant 0 : i32
        %dma_start3A_150 = tpu.memref_slice %arg3[%run_scoped3A_53, %add3A_31, %run_scoped3A_54, %dma_start3A_149] : memref<2x2500x8x128xf32, #tpu.memory_space<hbm>> -> memref<1x13x1x128xf32, #tpu.memory_space<hbm>>
        %dma_start3A_151 = tpu.memref_squeeze %dma_start3A_150 : memref<1x13x1x128xf32, #tpu.memory_space<hbm>> -> memref<13x128xf32, #tpu.memory_space<hbm>>
        tpu.enqueue_dma source(%dma_start3A_151 : memref<13x128xf32, #tpu.memory_space<hbm>>) target(%dma_start3A_148 : memref<13x128xf32, #tpu.memory_space<vmem>>) target_semaphore(%run_scoped3A_138 : memref<!tpu.dma_semaphore, #tpu.memory_space<semaphore_mem>>)
        %dma_wait3A = arith.constant 0 : i32
        %dma_wait3A_152 = arith.constant 0 : i32
        %dma_wait3A_153 = tpu.memref_slice %arg6[%run_scoped3A_55, %dma_wait3A, %dma_wait3A_152] : memref<16x13x128xf32, #tpu.memory_space<vmem>> -> memref<1x13x128xf32, #tpu.memory_space<vmem>>
        %dma_wait3A_154 = tpu.memref_squeeze %dma_wait3A_153 : memref<1x13x128xf32, #tpu.memory_space<vmem>> -> memref<13x128xf32, #tpu.memory_space<vmem>>
        %dma_wait3A_155 = arith.constant 0 : i32
        %dma_wait3A_156 = tpu.memref_slice %arg3[%run_scoped3A_53, %add3A_31, %run_scoped3A_54, %dma_wait3A_155] : memref<2x2500x8x128xf32, #tpu.memory_space<hbm>> -> memref<1x13x1x128xf32, #tpu.memory_space<hbm>>
        %dma_wait3A_157 = tpu.memref_squeeze %dma_wait3A_156 : memref<1x13x1x128xf32, #tpu.memory_space<hbm>> -> memref<13x128xf32, #tpu.memory_space<hbm>>
        %dma_wait3A_158 = arith.constant 0 : i32
        %dma_wait3A_159 = arith.constant 0 : i32
        %dma_wait3A_160 = tpu.memref_slice %arg6[%run_scoped3A_55, %dma_wait3A_158, %dma_wait3A_159] : memref<16x13x128xf32, #tpu.memory_space<vmem>> -> memref<1x13x128xf32, #tpu.memory_space<vmem>>
        %dma_wait3A_161 = tpu.memref_squeeze %dma_wait3A_160 : memref<1x13x128xf32, #tpu.memory_space<vmem>> -> memref<13x128xf32, #tpu.memory_space<vmem>>
        %dma_wait3A_162 = arith.constant 0 : i32
        %dma_wait3A_163 = tpu.memref_slice %arg3[%run_scoped3A_53, %add3A_31, %run_scoped3A_54, %dma_wait3A_162] : memref<2x2500x8x128xf32, #tpu.memory_space<hbm>> -> memref<1x13x1x128xf32, #tpu.memory_space<hbm>>
        %dma_wait3A_164 = tpu.memref_squeeze %dma_wait3A_163 : memref<1x13x1x128xf32, #tpu.memory_space<hbm>> -> memref<13x128xf32, #tpu.memory_space<hbm>>
        tpu.wait_dma2 semaphore(%run_scoped3A_138 : memref<!tpu.dma_semaphore, #tpu.memory_space<semaphore_mem>>) src(%dma_wait3A_164 : memref<13x128xf32, #tpu.memory_space<hbm>>) dst(%dma_wait3A_161 : memref<13x128xf32, #tpu.memory_space<vmem>>)
        tpu.yield
      }) : () -> ()
      %run_scoped3A_56 = arith.constant 1 : i32
      %run_scoped3A_57 = arith.constant 0 : i32
      %run_scoped3A_58 = arith.constant 8 : i32
      "tpu.region"() ({
        %run_scoped3A_138 = tpu.sem_alloc : memref<!tpu.dma_semaphore, #tpu.memory_space<semaphore_mem>>
        %dma_start3A = arith.constant 0 : i32
        %dma_start3A_139 = arith.constant 0 : i32
        %dma_start3A_140 = tpu.memref_slice %arg6[%run_scoped3A_58, %dma_start3A, %dma_start3A_139] : memref<16x13x128xf32, #tpu.memory_space<vmem>> -> memref<1x13x128xf32, #tpu.memory_space<vmem>>
        %dma_start3A_141 = tpu.memref_squeeze %dma_start3A_140 : memref<1x13x128xf32, #tpu.memory_space<vmem>> -> memref<13x128xf32, #tpu.memory_space<vmem>>
        %dma_start3A_142 = arith.constant 0 : i32
        %dma_start3A_143 = tpu.memref_slice %arg3[%run_scoped3A_56, %add3A_31, %run_scoped3A_57, %dma_start3A_142] : memref<2x2500x8x128xf32, #tpu.memory_space<hbm>> -> memref<1x13x1x128xf32, #tpu.memory_space<hbm>>
        %dma_start3A_144 = tpu.memref_squeeze %dma_start3A_143 : memref<1x13x1x128xf32, #tpu.memory_space<hbm>> -> memref<13x128xf32, #tpu.memory_space<hbm>>
        %dma_start3A_145 = arith.constant 0 : i32
        %dma_start3A_146 = arith.constant 0 : i32
        %dma_start3A_147 = tpu.memref_slice %arg6[%run_scoped3A_58, %dma_start3A_145, %dma_start3A_146] : memref<16x13x128xf32, #tpu.memory_space<vmem>> -> memref<1x13x128xf32, #tpu.memory_space<vmem>>
        %dma_start3A_148 = tpu.memref_squeeze %dma_start3A_147 : memref<1x13x128xf32, #tpu.memory_space<vmem>> -> memref<13x128xf32, #tpu.memory_space<vmem>>
        %dma_start3A_149 = arith.constant 0 : i32
        %dma_start3A_150 = tpu.memref_slice %arg3[%run_scoped3A_56, %add3A_31, %run_scoped3A_57, %dma_start3A_149] : memref<2x2500x8x128xf32, #tpu.memory_space<hbm>> -> memref<1x13x1x128xf32, #tpu.memory_space<hbm>>
        %dma_start3A_151 = tpu.memref_squeeze %dma_start3A_150 : memref<1x13x1x128xf32, #tpu.memory_space<hbm>> -> memref<13x128xf32, #tpu.memory_space<hbm>>
        tpu.enqueue_dma source(%dma_start3A_151 : memref<13x128xf32, #tpu.memory_space<hbm>>) target(%dma_start3A_148 : memref<13x128xf32, #tpu.memory_space<vmem>>) target_semaphore(%run_scoped3A_138 : memref<!tpu.dma_semaphore, #tpu.memory_space<semaphore_mem>>)
        %dma_wait3A = arith.constant 0 : i32
        %dma_wait3A_152 = arith.constant 0 : i32
        %dma_wait3A_153 = tpu.memref_slice %arg6[%run_scoped3A_58, %dma_wait3A, %dma_wait3A_152] : memref<16x13x128xf32, #tpu.memory_space<vmem>> -> memref<1x13x128xf32, #tpu.memory_space<vmem>>
        %dma_wait3A_154 = tpu.memref_squeeze %dma_wait3A_153 : memref<1x13x128xf32, #tpu.memory_space<vmem>> -> memref<13x128xf32, #tpu.memory_space<vmem>>
        %dma_wait3A_155 = arith.constant 0 : i32
        %dma_wait3A_156 = tpu.memref_slice %arg3[%run_scoped3A_56, %add3A_31, %run_scoped3A_57, %dma_wait3A_155] : memref<2x2500x8x128xf32, #tpu.memory_space<hbm>> -> memref<1x13x1x128xf32, #tpu.memory_space<hbm>>
        %dma_wait3A_157 = tpu.memref_squeeze %dma_wait3A_156 : memref<1x13x1x128xf32, #tpu.memory_space<hbm>> -> memref<13x128xf32, #tpu.memory_space<hbm>>
        %dma_wait3A_158 = arith.constant 0 : i32
        %dma_wait3A_159 = arith.constant 0 : i32
        %dma_wait3A_160 = tpu.memref_slice %arg6[%run_scoped3A_58, %dma_wait3A_158, %dma_wait3A_159] : memref<16x13x128xf32, #tpu.memory_space<vmem>> -> memref<1x13x128xf32, #tpu.memory_space<vmem>>
        %dma_wait3A_161 = tpu.memref_squeeze %dma_wait3A_160 : memref<1x13x128xf32, #tpu.memory_space<vmem>> -> memref<13x128xf32, #tpu.memory_space<vmem>>
        %dma_wait3A_162 = arith.constant 0 : i32
        %dma_wait3A_163 = tpu.memref_slice %arg3[%run_scoped3A_56, %add3A_31, %run_scoped3A_57, %dma_wait3A_162] : memref<2x2500x8x128xf32, #tpu.memory_space<hbm>> -> memref<1x13x1x128xf32, #tpu.memory_space<hbm>>
        %dma_wait3A_164 = tpu.memref_squeeze %dma_wait3A_163 : memref<1x13x1x128xf32, #tpu.memory_space<hbm>> -> memref<13x128xf32, #tpu.memory_space<hbm>>
        tpu.wait_dma2 semaphore(%run_scoped3A_138 : memref<!tpu.dma_semaphore, #tpu.memory_space<semaphore_mem>>) src(%dma_wait3A_164 : memref<13x128xf32, #tpu.memory_space<hbm>>) dst(%dma_wait3A_161 : memref<13x128xf32, #tpu.memory_space<vmem>>)
        tpu.yield
      }) : () -> ()
      %run_scoped3A_59 = arith.constant 1 : i32
      %run_scoped3A_60 = arith.constant 1 : i32
      %run_scoped3A_61 = arith.constant 9 : i32
      "tpu.region"() ({
        %run_scoped3A_138 = tpu.sem_alloc : memref<!tpu.dma_semaphore, #tpu.memory_space<semaphore_mem>>
        %dma_start3A = arith.constant 0 : i32
        %dma_start3A_139 = arith.constant 0 : i32
        %dma_start3A_140 = tpu.memref_slice %arg6[%run_scoped3A_61, %dma_start3A, %dma_start3A_139] : memref<16x13x128xf32, #tpu.memory_space<vmem>> -> memref<1x13x128xf32, #tpu.memory_space<vmem>>
        %dma_start3A_141 = tpu.memref_squeeze %dma_start3A_140 : memref<1x13x128xf32, #tpu.memory_space<vmem>> -> memref<13x128xf32, #tpu.memory_space<vmem>>
        %dma_start3A_142 = arith.constant 0 : i32
        %dma_start3A_143 = tpu.memref_slice %arg3[%run_scoped3A_59, %add3A_31, %run_scoped3A_60, %dma_start3A_142] : memref<2x2500x8x128xf32, #tpu.memory_space<hbm>> -> memref<1x13x1x128xf32, #tpu.memory_space<hbm>>
        %dma_start3A_144 = tpu.memref_squeeze %dma_start3A_143 : memref<1x13x1x128xf32, #tpu.memory_space<hbm>> -> memref<13x128xf32, #tpu.memory_space<hbm>>
        %dma_start3A_145 = arith.constant 0 : i32
        %dma_start3A_146 = arith.constant 0 : i32
        %dma_start3A_147 = tpu.memref_slice %arg6[%run_scoped3A_61, %dma_start3A_145, %dma_start3A_146] : memref<16x13x128xf32, #tpu.memory_space<vmem>> -> memref<1x13x128xf32, #tpu.memory_space<vmem>>
        %dma_start3A_148 = tpu.memref_squeeze %dma_start3A_147 : memref<1x13x128xf32, #tpu.memory_space<vmem>> -> memref<13x128xf32, #tpu.memory_space<vmem>>
        %dma_start3A_149 = arith.constant 0 : i32
        %dma_start3A_150 = tpu.memref_slice %arg3[%run_scoped3A_59, %add3A_31, %run_scoped3A_60, %dma_start3A_149] : memref<2x2500x8x128xf32, #tpu.memory_space<hbm>> -> memref<1x13x1x128xf32, #tpu.memory_space<hbm>>
        %dma_start3A_151 = tpu.memref_squeeze %dma_start3A_150 : memref<1x13x1x128xf32, #tpu.memory_space<hbm>> -> memref<13x128xf32, #tpu.memory_space<hbm>>
        tpu.enqueue_dma source(%dma_start3A_151 : memref<13x128xf32, #tpu.memory_space<hbm>>) target(%dma_start3A_148 : memref<13x128xf32, #tpu.memory_space<vmem>>) target_semaphore(%run_scoped3A_138 : memref<!tpu.dma_semaphore, #tpu.memory_space<semaphore_mem>>)
        %dma_wait3A = arith.constant 0 : i32
        %dma_wait3A_152 = arith.constant 0 : i32
        %dma_wait3A_153 = tpu.memref_slice %arg6[%run_scoped3A_61, %dma_wait3A, %dma_wait3A_152] : memref<16x13x128xf32, #tpu.memory_space<vmem>> -> memref<1x13x128xf32, #tpu.memory_space<vmem>>
        %dma_wait3A_154 = tpu.memref_squeeze %dma_wait3A_153 : memref<1x13x128xf32, #tpu.memory_space<vmem>> -> memref<13x128xf32, #tpu.memory_space<vmem>>
        %dma_wait3A_155 = arith.constant 0 : i32
        %dma_wait3A_156 = tpu.memref_slice %arg3[%run_scoped3A_59, %add3A_31, %run_scoped3A_60, %dma_wait3A_155] : memref<2x2500x8x128xf32, #tpu.memory_space<hbm>> -> memref<1x13x1x128xf32, #tpu.memory_space<hbm>>
        %dma_wait3A_157 = tpu.memref_squeeze %dma_wait3A_156 : memref<1x13x1x128xf32, #tpu.memory_space<hbm>> -> memref<13x128xf32, #tpu.memory_space<hbm>>
        %dma_wait3A_158 = arith.constant 0 : i32
        %dma_wait3A_159 = arith.constant 0 : i32
        %dma_wait3A_160 = tpu.memref_slice %arg6[%run_scoped3A_61, %dma_wait3A_158, %dma_wait3A_159] : memref<16x13x128xf32, #tpu.memory_space<vmem>> -> memref<1x13x128xf32, #tpu.memory_space<vmem>>
        %dma_wait3A_161 = tpu.memref_squeeze %dma_wait3A_160 : memref<1x13x128xf32, #tpu.memory_space<vmem>> -> memref<13x128xf32, #tpu.memory_space<vmem>>
        %dma_wait3A_162 = arith.constant 0 : i32
        %dma_wait3A_163 = tpu.memref_slice %arg3[%run_scoped3A_59, %add3A_31, %run_scoped3A_60, %dma_wait3A_162] : memref<2x2500x8x128xf32, #tpu.memory_space<hbm>> -> memref<1x13x1x128xf32, #tpu.memory_space<hbm>>
        %dma_wait3A_164 = tpu.memref_squeeze %dma_wait3A_163 : memref<1x13x1x128xf32, #tpu.memory_space<hbm>> -> memref<13x128xf32, #tpu.memory_space<hbm>>
        tpu.wait_dma2 semaphore(%run_scoped3A_138 : memref<!tpu.dma_semaphore, #tpu.memory_space<semaphore_mem>>) src(%dma_wait3A_164 : memref<13x128xf32, #tpu.memory_space<hbm>>) dst(%dma_wait3A_161 : memref<13x128xf32, #tpu.memory_space<vmem>>)
        tpu.yield
      }) : () -> ()
      %run_scoped3A_62 = arith.constant 1 : i32
      %run_scoped3A_63 = arith.constant 2 : i32
      %run_scoped3A_64 = arith.constant 10 : i32
      "tpu.region"() ({
        %run_scoped3A_138 = tpu.sem_alloc : memref<!tpu.dma_semaphore, #tpu.memory_space<semaphore_mem>>
        %dma_start3A = arith.constant 0 : i32
        %dma_start3A_139 = arith.constant 0 : i32
        %dma_start3A_140 = tpu.memref_slice %arg6[%run_scoped3A_64, %dma_start3A, %dma_start3A_139] : memref<16x13x128xf32, #tpu.memory_space<vmem>> -> memref<1x13x128xf32, #tpu.memory_space<vmem>>
        %dma_start3A_141 = tpu.memref_squeeze %dma_start3A_140 : memref<1x13x128xf32, #tpu.memory_space<vmem>> -> memref<13x128xf32, #tpu.memory_space<vmem>>
        %dma_start3A_142 = arith.constant 0 : i32
        %dma_start3A_143 = tpu.memref_slice %arg3[%run_scoped3A_62, %add3A_31, %run_scoped3A_63, %dma_start3A_142] : memref<2x2500x8x128xf32, #tpu.memory_space<hbm>> -> memref<1x13x1x128xf32, #tpu.memory_space<hbm>>
        %dma_start3A_144 = tpu.memref_squeeze %dma_start3A_143 : memref<1x13x1x128xf32, #tpu.memory_space<hbm>> -> memref<13x128xf32, #tpu.memory_space<hbm>>
        %dma_start3A_145 = arith.constant 0 : i32
        %dma_start3A_146 = arith.constant 0 : i32
        %dma_start3A_147 = tpu.memref_slice %arg6[%run_scoped3A_64, %dma_start3A_145, %dma_start3A_146] : memref<16x13x128xf32, #tpu.memory_space<vmem>> -> memref<1x13x128xf32, #tpu.memory_space<vmem>>
        %dma_start3A_148 = tpu.memref_squeeze %dma_start3A_147 : memref<1x13x128xf32, #tpu.memory_space<vmem>> -> memref<13x128xf32, #tpu.memory_space<vmem>>
        %dma_start3A_149 = arith.constant 0 : i32
        %dma_start3A_150 = tpu.memref_slice %arg3[%run_scoped3A_62, %add3A_31, %run_scoped3A_63, %dma_start3A_149] : memref<2x2500x8x128xf32, #tpu.memory_space<hbm>> -> memref<1x13x1x128xf32, #tpu.memory_space<hbm>>
        %dma_start3A_151 = tpu.memref_squeeze %dma_start3A_150 : memref<1x13x1x128xf32, #tpu.memory_space<hbm>> -> memref<13x128xf32, #tpu.memory_space<hbm>>
        tpu.enqueue_dma source(%dma_start3A_151 : memref<13x128xf32, #tpu.memory_space<hbm>>) target(%dma_start3A_148 : memref<13x128xf32, #tpu.memory_space<vmem>>) target_semaphore(%run_scoped3A_138 : memref<!tpu.dma_semaphore, #tpu.memory_space<semaphore_mem>>)
        %dma_wait3A = arith.constant 0 : i32
        %dma_wait3A_152 = arith.constant 0 : i32
        %dma_wait3A_153 = tpu.memref_slice %arg6[%run_scoped3A_64, %dma_wait3A, %dma_wait3A_152] : memref<16x13x128xf32, #tpu.memory_space<vmem>> -> memref<1x13x128xf32, #tpu.memory_space<vmem>>
        %dma_wait3A_154 = tpu.memref_squeeze %dma_wait3A_153 : memref<1x13x128xf32, #tpu.memory_space<vmem>> -> memref<13x128xf32, #tpu.memory_space<vmem>>
        %dma_wait3A_155 = arith.constant 0 : i32
        %dma_wait3A_156 = tpu.memref_slice %arg3[%run_scoped3A_62, %add3A_31, %run_scoped3A_63, %dma_wait3A_155] : memref<2x2500x8x128xf32, #tpu.memory_space<hbm>> -> memref<1x13x1x128xf32, #tpu.memory_space<hbm>>
        %dma_wait3A_157 = tpu.memref_squeeze %dma_wait3A_156 : memref<1x13x1x128xf32, #tpu.memory_space<hbm>> -> memref<13x128xf32, #tpu.memory_space<hbm>>
        %dma_wait3A_158 = arith.constant 0 : i32
        %dma_wait3A_159 = arith.constant 0 : i32
        %dma_wait3A_160 = tpu.memref_slice %arg6[%run_scoped3A_64, %dma_wait3A_158, %dma_wait3A_159] : memref<16x13x128xf32, #tpu.memory_space<vmem>> -> memref<1x13x128xf32, #tpu.memory_space<vmem>>
        %dma_wait3A_161 = tpu.memref_squeeze %dma_wait3A_160 : memref<1x13x128xf32, #tpu.memory_space<vmem>> -> memref<13x128xf32, #tpu.memory_space<vmem>>
        %dma_wait3A_162 = arith.constant 0 : i32
        %dma_wait3A_163 = tpu.memref_slice %arg3[%run_scoped3A_62, %add3A_31, %run_scoped3A_63, %dma_wait3A_162] : memref<2x2500x8x128xf32, #tpu.memory_space<hbm>> -> memref<1x13x1x128xf32, #tpu.memory_space<hbm>>
        %dma_wait3A_164 = tpu.memref_squeeze %dma_wait3A_163 : memref<1x13x1x128xf32, #tpu.memory_space<hbm>> -> memref<13x128xf32, #tpu.memory_space<hbm>>
        tpu.wait_dma2 semaphore(%run_scoped3A_138 : memref<!tpu.dma_semaphore, #tpu.memory_space<semaphore_mem>>) src(%dma_wait3A_164 : memref<13x128xf32, #tpu.memory_space<hbm>>) dst(%dma_wait3A_161 : memref<13x128xf32, #tpu.memory_space<vmem>>)
        tpu.yield
      }) : () -> ()
      %run_scoped3A_65 = arith.constant 1 : i32
      %run_scoped3A_66 = arith.constant 3 : i32
      %run_scoped3A_67 = arith.constant 11 : i32
      "tpu.region"() ({
        %run_scoped3A_138 = tpu.sem_alloc : memref<!tpu.dma_semaphore, #tpu.memory_space<semaphore_mem>>
        %dma_start3A = arith.constant 0 : i32
        %dma_start3A_139 = arith.constant 0 : i32
        %dma_start3A_140 = tpu.memref_slice %arg6[%run_scoped3A_67, %dma_start3A, %dma_start3A_139] : memref<16x13x128xf32, #tpu.memory_space<vmem>> -> memref<1x13x128xf32, #tpu.memory_space<vmem>>
        %dma_start3A_141 = tpu.memref_squeeze %dma_start3A_140 : memref<1x13x128xf32, #tpu.memory_space<vmem>> -> memref<13x128xf32, #tpu.memory_space<vmem>>
        %dma_start3A_142 = arith.constant 0 : i32
        %dma_start3A_143 = tpu.memref_slice %arg3[%run_scoped3A_65, %add3A_31, %run_scoped3A_66, %dma_start3A_142] : memref<2x2500x8x128xf32, #tpu.memory_space<hbm>> -> memref<1x13x1x128xf32, #tpu.memory_space<hbm>>
        %dma_start3A_144 = tpu.memref_squeeze %dma_start3A_143 : memref<1x13x1x128xf32, #tpu.memory_space<hbm>> -> memref<13x128xf32, #tpu.memory_space<hbm>>
        %dma_start3A_145 = arith.constant 0 : i32
        %dma_start3A_146 = arith.constant 0 : i32
        %dma_start3A_147 = tpu.memref_slice %arg6[%run_scoped3A_67, %dma_start3A_145, %dma_start3A_146] : memref<16x13x128xf32, #tpu.memory_space<vmem>> -> memref<1x13x128xf32, #tpu.memory_space<vmem>>
        %dma_start3A_148 = tpu.memref_squeeze %dma_start3A_147 : memref<1x13x128xf32, #tpu.memory_space<vmem>> -> memref<13x128xf32, #tpu.memory_space<vmem>>
        %dma_start3A_149 = arith.constant 0 : i32
        %dma_start3A_150 = tpu.memref_slice %arg3[%run_scoped3A_65, %add3A_31, %run_scoped3A_66, %dma_start3A_149] : memref<2x2500x8x128xf32, #tpu.memory_space<hbm>> -> memref<1x13x1x128xf32, #tpu.memory_space<hbm>>
        %dma_start3A_151 = tpu.memref_squeeze %dma_start3A_150 : memref<1x13x1x128xf32, #tpu.memory_space<hbm>> -> memref<13x128xf32, #tpu.memory_space<hbm>>
        tpu.enqueue_dma source(%dma_start3A_151 : memref<13x128xf32, #tpu.memory_space<hbm>>) target(%dma_start3A_148 : memref<13x128xf32, #tpu.memory_space<vmem>>) target_semaphore(%run_scoped3A_138 : memref<!tpu.dma_semaphore, #tpu.memory_space<semaphore_mem>>)
        %dma_wait3A = arith.constant 0 : i32
        %dma_wait3A_152 = arith.constant 0 : i32
        %dma_wait3A_153 = tpu.memref_slice %arg6[%run_scoped3A_67, %dma_wait3A, %dma_wait3A_152] : memref<16x13x128xf32, #tpu.memory_space<vmem>> -> memref<1x13x128xf32, #tpu.memory_space<vmem>>
        %dma_wait3A_154 = tpu.memref_squeeze %dma_wait3A_153 : memref<1x13x128xf32, #tpu.memory_space<vmem>> -> memref<13x128xf32, #tpu.memory_space<vmem>>
        %dma_wait3A_155 = arith.constant 0 : i32
        %dma_wait3A_156 = tpu.memref_slice %arg3[%run_scoped3A_65, %add3A_31, %run_scoped3A_66, %dma_wait3A_155] : memref<2x2500x8x128xf32, #tpu.memory_space<hbm>> -> memref<1x13x1x128xf32, #tpu.memory_space<hbm>>
        %dma_wait3A_157 = tpu.memref_squeeze %dma_wait3A_156 : memref<1x13x1x128xf32, #tpu.memory_space<hbm>> -> memref<13x128xf32, #tpu.memory_space<hbm>>
        %dma_wait3A_158 = arith.constant 0 : i32
        %dma_wait3A_159 = arith.constant 0 : i32
        %dma_wait3A_160 = tpu.memref_slice %arg6[%run_scoped3A_67, %dma_wait3A_158, %dma_wait3A_159] : memref<16x13x128xf32, #tpu.memory_space<vmem>> -> memref<1x13x128xf32, #tpu.memory_space<vmem>>
        %dma_wait3A_161 = tpu.memref_squeeze %dma_wait3A_160 : memref<1x13x128xf32, #tpu.memory_space<vmem>> -> memref<13x128xf32, #tpu.memory_space<vmem>>
        %dma_wait3A_162 = arith.constant 0 : i32
        %dma_wait3A_163 = tpu.memref_slice %arg3[%run_scoped3A_65, %add3A_31, %run_scoped3A_66, %dma_wait3A_162] : memref<2x2500x8x128xf32, #tpu.memory_space<hbm>> -> memref<1x13x1x128xf32, #tpu.memory_space<hbm>>
        %dma_wait3A_164 = tpu.memref_squeeze %dma_wait3A_163 : memref<1x13x1x128xf32, #tpu.memory_space<hbm>> -> memref<13x128xf32, #tpu.memory_space<hbm>>
        tpu.wait_dma2 semaphore(%run_scoped3A_138 : memref<!tpu.dma_semaphore, #tpu.memory_space<semaphore_mem>>) src(%dma_wait3A_164 : memref<13x128xf32, #tpu.memory_space<hbm>>) dst(%dma_wait3A_161 : memref<13x128xf32, #tpu.memory_space<vmem>>)
        tpu.yield
      }) : () -> ()
      %run_scoped3A_68 = arith.constant 1 : i32
      %run_scoped3A_69 = arith.constant 4 : i32
      %run_scoped3A_70 = arith.constant 12 : i32
      "tpu.region"() ({
        %run_scoped3A_138 = tpu.sem_alloc : memref<!tpu.dma_semaphore, #tpu.memory_space<semaphore_mem>>
        %dma_start3A = arith.constant 0 : i32
        %dma_start3A_139 = arith.constant 0 : i32
        %dma_start3A_140 = tpu.memref_slice %arg6[%run_scoped3A_70, %dma_start3A, %dma_start3A_139] : memref<16x13x128xf32, #tpu.memory_space<vmem>> -> memref<1x13x128xf32, #tpu.memory_space<vmem>>
        %dma_start3A_141 = tpu.memref_squeeze %dma_start3A_140 : memref<1x13x128xf32, #tpu.memory_space<vmem>> -> memref<13x128xf32, #tpu.memory_space<vmem>>
        %dma_start3A_142 = arith.constant 0 : i32
        %dma_start3A_143 = tpu.memref_slice %arg3[%run_scoped3A_68, %add3A_31, %run_scoped3A_69, %dma_start3A_142] : memref<2x2500x8x128xf32, #tpu.memory_space<hbm>> -> memref<1x13x1x128xf32, #tpu.memory_space<hbm>>
        %dma_start3A_144 = tpu.memref_squeeze %dma_start3A_143 : memref<1x13x1x128xf32, #tpu.memory_space<hbm>> -> memref<13x128xf32, #tpu.memory_space<hbm>>
        %dma_start3A_145 = arith.constant 0 : i32
        %dma_start3A_146 = arith.constant 0 : i32
        %dma_start3A_147 = tpu.memref_slice %arg6[%run_scoped3A_70, %dma_start3A_145, %dma_start3A_146] : memref<16x13x128xf32, #tpu.memory_space<vmem>> -> memref<1x13x128xf32, #tpu.memory_space<vmem>>
        %dma_start3A_148 = tpu.memref_squeeze %dma_start3A_147 : memref<1x13x128xf32, #tpu.memory_space<vmem>> -> memref<13x128xf32, #tpu.memory_space<vmem>>
        %dma_start3A_149 = arith.constant 0 : i32
        %dma_start3A_150 = tpu.memref_slice %arg3[%run_scoped3A_68, %add3A_31, %run_scoped3A_69, %dma_start3A_149] : memref<2x2500x8x128xf32, #tpu.memory_space<hbm>> -> memref<1x13x1x128xf32, #tpu.memory_space<hbm>>
        %dma_start3A_151 = tpu.memref_squeeze %dma_start3A_150 : memref<1x13x1x128xf32, #tpu.memory_space<hbm>> -> memref<13x128xf32, #tpu.memory_space<hbm>>
        tpu.enqueue_dma source(%dma_start3A_151 : memref<13x128xf32, #tpu.memory_space<hbm>>) target(%dma_start3A_148 : memref<13x128xf32, #tpu.memory_space<vmem>>) target_semaphore(%run_scoped3A_138 : memref<!tpu.dma_semaphore, #tpu.memory_space<semaphore_mem>>)
        %dma_wait3A = arith.constant 0 : i32
        %dma_wait3A_152 = arith.constant 0 : i32
        %dma_wait3A_153 = tpu.memref_slice %arg6[%run_scoped3A_70, %dma_wait3A, %dma_wait3A_152] : memref<16x13x128xf32, #tpu.memory_space<vmem>> -> memref<1x13x128xf32, #tpu.memory_space<vmem>>
        %dma_wait3A_154 = tpu.memref_squeeze %dma_wait3A_153 : memref<1x13x128xf32, #tpu.memory_space<vmem>> -> memref<13x128xf32, #tpu.memory_space<vmem>>
        %dma_wait3A_155 = arith.constant 0 : i32
        %dma_wait3A_156 = tpu.memref_slice %arg3[%run_scoped3A_68, %add3A_31, %run_scoped3A_69, %dma_wait3A_155] : memref<2x2500x8x128xf32, #tpu.memory_space<hbm>> -> memref<1x13x1x128xf32, #tpu.memory_space<hbm>>
        %dma_wait3A_157 = tpu.memref_squeeze %dma_wait3A_156 : memref<1x13x1x128xf32, #tpu.memory_space<hbm>> -> memref<13x128xf32, #tpu.memory_space<hbm>>
        %dma_wait3A_158 = arith.constant 0 : i32
        %dma_wait3A_159 = arith.constant 0 : i32
        %dma_wait3A_160 = tpu.memref_slice %arg6[%run_scoped3A_70, %dma_wait3A_158, %dma_wait3A_159] : memref<16x13x128xf32, #tpu.memory_space<vmem>> -> memref<1x13x128xf32, #tpu.memory_space<vmem>>
        %dma_wait3A_161 = tpu.memref_squeeze %dma_wait3A_160 : memref<1x13x128xf32, #tpu.memory_space<vmem>> -> memref<13x128xf32, #tpu.memory_space<vmem>>
        %dma_wait3A_162 = arith.constant 0 : i32
        %dma_wait3A_163 = tpu.memref_slice %arg3[%run_scoped3A_68, %add3A_31, %run_scoped3A_69, %dma_wait3A_162] : memref<2x2500x8x128xf32, #tpu.memory_space<hbm>> -> memref<1x13x1x128xf32, #tpu.memory_space<hbm>>
        %dma_wait3A_164 = tpu.memref_squeeze %dma_wait3A_163 : memref<1x13x1x128xf32, #tpu.memory_space<hbm>> -> memref<13x128xf32, #tpu.memory_space<hbm>>
        tpu.wait_dma2 semaphore(%run_scoped3A_138 : memref<!tpu.dma_semaphore, #tpu.memory_space<semaphore_mem>>) src(%dma_wait3A_164 : memref<13x128xf32, #tpu.memory_space<hbm>>) dst(%dma_wait3A_161 : memref<13x128xf32, #tpu.memory_space<vmem>>)
        tpu.yield
      }) : () -> ()
      %run_scoped3A_71 = arith.constant 1 : i32
      %run_scoped3A_72 = arith.constant 5 : i32
      %run_scoped3A_73 = arith.constant 13 : i32
      "tpu.region"() ({
        %run_scoped3A_138 = tpu.sem_alloc : memref<!tpu.dma_semaphore, #tpu.memory_space<semaphore_mem>>
        %dma_start3A = arith.constant 0 : i32
        %dma_start3A_139 = arith.constant 0 : i32
        %dma_start3A_140 = tpu.memref_slice %arg6[%run_scoped3A_73, %dma_start3A, %dma_start3A_139] : memref<16x13x128xf32, #tpu.memory_space<vmem>> -> memref<1x13x128xf32, #tpu.memory_space<vmem>>
        %dma_start3A_141 = tpu.memref_squeeze %dma_start3A_140 : memref<1x13x128xf32, #tpu.memory_space<vmem>> -> memref<13x128xf32, #tpu.memory_space<vmem>>
        %dma_start3A_142 = arith.constant 0 : i32
        %dma_start3A_143 = tpu.memref_slice %arg3[%run_scoped3A_71, %add3A_31, %run_scoped3A_72, %dma_start3A_142] : memref<2x2500x8x128xf32, #tpu.memory_space<hbm>> -> memref<1x13x1x128xf32, #tpu.memory_space<hbm>>
        %dma_start3A_144 = tpu.memref_squeeze %dma_start3A_143 : memref<1x13x1x128xf32, #tpu.memory_space<hbm>> -> memref<13x128xf32, #tpu.memory_space<hbm>>
        %dma_start3A_145 = arith.constant 0 : i32
        %dma_start3A_146 = arith.constant 0 : i32
        %dma_start3A_147 = tpu.memref_slice %arg6[%run_scoped3A_73, %dma_start3A_145, %dma_start3A_146] : memref<16x13x128xf32, #tpu.memory_space<vmem>> -> memref<1x13x128xf32, #tpu.memory_space<vmem>>
        %dma_start3A_148 = tpu.memref_squeeze %dma_start3A_147 : memref<1x13x128xf32, #tpu.memory_space<vmem>> -> memref<13x128xf32, #tpu.memory_space<vmem>>
        %dma_start3A_149 = arith.constant 0 : i32
        %dma_start3A_150 = tpu.memref_slice %arg3[%run_scoped3A_71, %add3A_31, %run_scoped3A_72, %dma_start3A_149] : memref<2x2500x8x128xf32, #tpu.memory_space<hbm>> -> memref<1x13x1x128xf32, #tpu.memory_space<hbm>>
        %dma_start3A_151 = tpu.memref_squeeze %dma_start3A_150 : memref<1x13x1x128xf32, #tpu.memory_space<hbm>> -> memref<13x128xf32, #tpu.memory_space<hbm>>
        tpu.enqueue_dma source(%dma_start3A_151 : memref<13x128xf32, #tpu.memory_space<hbm>>) target(%dma_start3A_148 : memref<13x128xf32, #tpu.memory_space<vmem>>) target_semaphore(%run_scoped3A_138 : memref<!tpu.dma_semaphore, #tpu.memory_space<semaphore_mem>>)
        %dma_wait3A = arith.constant 0 : i32
        %dma_wait3A_152 = arith.constant 0 : i32
        %dma_wait3A_153 = tpu.memref_slice %arg6[%run_scoped3A_73, %dma_wait3A, %dma_wait3A_152] : memref<16x13x128xf32, #tpu.memory_space<vmem>> -> memref<1x13x128xf32, #tpu.memory_space<vmem>>
        %dma_wait3A_154 = tpu.memref_squeeze %dma_wait3A_153 : memref<1x13x128xf32, #tpu.memory_space<vmem>> -> memref<13x128xf32, #tpu.memory_space<vmem>>
        %dma_wait3A_155 = arith.constant 0 : i32
        %dma_wait3A_156 = tpu.memref_slice %arg3[%run_scoped3A_71, %add3A_31, %run_scoped3A_72, %dma_wait3A_155] : memref<2x2500x8x128xf32, #tpu.memory_space<hbm>> -> memref<1x13x1x128xf32, #tpu.memory_space<hbm>>
        %dma_wait3A_157 = tpu.memref_squeeze %dma_wait3A_156 : memref<1x13x1x128xf32, #tpu.memory_space<hbm>> -> memref<13x128xf32, #tpu.memory_space<hbm>>
        %dma_wait3A_158 = arith.constant 0 : i32
        %dma_wait3A_159 = arith.constant 0 : i32
        %dma_wait3A_160 = tpu.memref_slice %arg6[%run_scoped3A_73, %dma_wait3A_158, %dma_wait3A_159] : memref<16x13x128xf32, #tpu.memory_space<vmem>> -> memref<1x13x128xf32, #tpu.memory_space<vmem>>
        %dma_wait3A_161 = tpu.memref_squeeze %dma_wait3A_160 : memref<1x13x128xf32, #tpu.memory_space<vmem>> -> memref<13x128xf32, #tpu.memory_space<vmem>>
        %dma_wait3A_162 = arith.constant 0 : i32
        %dma_wait3A_163 = tpu.memref_slice %arg3[%run_scoped3A_71, %add3A_31, %run_scoped3A_72, %dma_wait3A_162] : memref<2x2500x8x128xf32, #tpu.memory_space<hbm>> -> memref<1x13x1x128xf32, #tpu.memory_space<hbm>>
        %dma_wait3A_164 = tpu.memref_squeeze %dma_wait3A_163 : memref<1x13x1x128xf32, #tpu.memory_space<hbm>> -> memref<13x128xf32, #tpu.memory_space<hbm>>
        tpu.wait_dma2 semaphore(%run_scoped3A_138 : memref<!tpu.dma_semaphore, #tpu.memory_space<semaphore_mem>>) src(%dma_wait3A_164 : memref<13x128xf32, #tpu.memory_space<hbm>>) dst(%dma_wait3A_161 : memref<13x128xf32, #tpu.memory_space<vmem>>)
        tpu.yield
      }) : () -> ()
      %run_scoped3A_74 = arith.constant 1 : i32
      %run_scoped3A_75 = arith.constant 6 : i32
      %run_scoped3A_76 = arith.constant 14 : i32
      "tpu.region"() ({
        %run_scoped3A_138 = tpu.sem_alloc : memref<!tpu.dma_semaphore, #tpu.memory_space<semaphore_mem>>
        %dma_start3A = arith.constant 0 : i32
        %dma_start3A_139 = arith.constant 0 : i32
        %dma_start3A_140 = tpu.memref_slice %arg6[%run_scoped3A_76, %dma_start3A, %dma_start3A_139] : memref<16x13x128xf32, #tpu.memory_space<vmem>> -> memref<1x13x128xf32, #tpu.memory_space<vmem>>
        %dma_start3A_141 = tpu.memref_squeeze %dma_start3A_140 : memref<1x13x128xf32, #tpu.memory_space<vmem>> -> memref<13x128xf32, #tpu.memory_space<vmem>>
        %dma_start3A_142 = arith.constant 0 : i32
        %dma_start3A_143 = tpu.memref_slice %arg3[%run_scoped3A_74, %add3A_31, %run_scoped3A_75, %dma_start3A_142] : memref<2x2500x8x128xf32, #tpu.memory_space<hbm>> -> memref<1x13x1x128xf32, #tpu.memory_space<hbm>>
        %dma_start3A_144 = tpu.memref_squeeze %dma_start3A_143 : memref<1x13x1x128xf32, #tpu.memory_space<hbm>> -> memref<13x128xf32, #tpu.memory_space<hbm>>
        %dma_start3A_145 = arith.constant 0 : i32
        %dma_start3A_146 = arith.constant 0 : i32
        %dma_start3A_147 = tpu.memref_slice %arg6[%run_scoped3A_76, %dma_start3A_145, %dma_start3A_146] : memref<16x13x128xf32, #tpu.memory_space<vmem>> -> memref<1x13x128xf32, #tpu.memory_space<vmem>>
        %dma_start3A_148 = tpu.memref_squeeze %dma_start3A_147 : memref<1x13x128xf32, #tpu.memory_space<vmem>> -> memref<13x128xf32, #tpu.memory_space<vmem>>
        %dma_start3A_149 = arith.constant 0 : i32
        %dma_start3A_150 = tpu.memref_slice %arg3[%run_scoped3A_74, %add3A_31, %run_scoped3A_75, %dma_start3A_149] : memref<2x2500x8x128xf32, #tpu.memory_space<hbm>> -> memref<1x13x1x128xf32, #tpu.memory_space<hbm>>
        %dma_start3A_151 = tpu.memref_squeeze %dma_start3A_150 : memref<1x13x1x128xf32, #tpu.memory_space<hbm>> -> memref<13x128xf32, #tpu.memory_space<hbm>>
        tpu.enqueue_dma source(%dma_start3A_151 : memref<13x128xf32, #tpu.memory_space<hbm>>) target(%dma_start3A_148 : memref<13x128xf32, #tpu.memory_space<vmem>>) target_semaphore(%run_scoped3A_138 : memref<!tpu.dma_semaphore, #tpu.memory_space<semaphore_mem>>)
        %dma_wait3A = arith.constant 0 : i32
        %dma_wait3A_152 = arith.constant 0 : i32
        %dma_wait3A_153 = tpu.memref_slice %arg6[%run_scoped3A_76, %dma_wait3A, %dma_wait3A_152] : memref<16x13x128xf32, #tpu.memory_space<vmem>> -> memref<1x13x128xf32, #tpu.memory_space<vmem>>
        %dma_wait3A_154 = tpu.memref_squeeze %dma_wait3A_153 : memref<1x13x128xf32, #tpu.memory_space<vmem>> -> memref<13x128xf32, #tpu.memory_space<vmem>>
        %dma_wait3A_155 = arith.constant 0 : i32
        %dma_wait3A_156 = tpu.memref_slice %arg3[%run_scoped3A_74, %add3A_31, %run_scoped3A_75, %dma_wait3A_155] : memref<2x2500x8x128xf32, #tpu.memory_space<hbm>> -> memref<1x13x1x128xf32, #tpu.memory_space<hbm>>
        %dma_wait3A_157 = tpu.memref_squeeze %dma_wait3A_156 : memref<1x13x1x128xf32, #tpu.memory_space<hbm>> -> memref<13x128xf32, #tpu.memory_space<hbm>>
        %dma_wait3A_158 = arith.constant 0 : i32
        %dma_wait3A_159 = arith.constant 0 : i32
        %dma_wait3A_160 = tpu.memref_slice %arg6[%run_scoped3A_76, %dma_wait3A_158, %dma_wait3A_159] : memref<16x13x128xf32, #tpu.memory_space<vmem>> -> memref<1x13x128xf32, #tpu.memory_space<vmem>>
        %dma_wait3A_161 = tpu.memref_squeeze %dma_wait3A_160 : memref<1x13x128xf32, #tpu.memory_space<vmem>> -> memref<13x128xf32, #tpu.memory_space<vmem>>
        %dma_wait3A_162 = arith.constant 0 : i32
        %dma_wait3A_163 = tpu.memref_slice %arg3[%run_scoped3A_74, %add3A_31, %run_scoped3A_75, %dma_wait3A_162] : memref<2x2500x8x128xf32, #tpu.memory_space<hbm>> -> memref<1x13x1x128xf32, #tpu.memory_space<hbm>>
        %dma_wait3A_164 = tpu.memref_squeeze %dma_wait3A_163 : memref<1x13x1x128xf32, #tpu.memory_space<hbm>> -> memref<13x128xf32, #tpu.memory_space<hbm>>
        tpu.wait_dma2 semaphore(%run_scoped3A_138 : memref<!tpu.dma_semaphore, #tpu.memory_space<semaphore_mem>>) src(%dma_wait3A_164 : memref<13x128xf32, #tpu.memory_space<hbm>>) dst(%dma_wait3A_161 : memref<13x128xf32, #tpu.memory_space<vmem>>)
        tpu.yield
      }) : () -> ()
      %run_scoped3A_77 = arith.constant 1 : i32
      %run_scoped3A_78 = arith.constant 7 : i32
      %run_scoped3A_79 = arith.constant 15 : i32
      "tpu.region"() ({
        %run_scoped3A_138 = tpu.sem_alloc : memref<!tpu.dma_semaphore, #tpu.memory_space<semaphore_mem>>
        %dma_start3A = arith.constant 0 : i32
        %dma_start3A_139 = arith.constant 0 : i32
        %dma_start3A_140 = tpu.memref_slice %arg6[%run_scoped3A_79, %dma_start3A, %dma_start3A_139] : memref<16x13x128xf32, #tpu.memory_space<vmem>> -> memref<1x13x128xf32, #tpu.memory_space<vmem>>
        %dma_start3A_141 = tpu.memref_squeeze %dma_start3A_140 : memref<1x13x128xf32, #tpu.memory_space<vmem>> -> memref<13x128xf32, #tpu.memory_space<vmem>>
        %dma_start3A_142 = arith.constant 0 : i32
        %dma_start3A_143 = tpu.memref_slice %arg3[%run_scoped3A_77, %add3A_31, %run_scoped3A_78, %dma_start3A_142] : memref<2x2500x8x128xf32, #tpu.memory_space<hbm>> -> memref<1x13x1x128xf32, #tpu.memory_space<hbm>>
        %dma_start3A_144 = tpu.memref_squeeze %dma_start3A_143 : memref<1x13x1x128xf32, #tpu.memory_space<hbm>> -> memref<13x128xf32, #tpu.memory_space<hbm>>
        %dma_start3A_145 = arith.constant 0 : i32
        %dma_start3A_146 = arith.constant 0 : i32
        %dma_start3A_147 = tpu.memref_slice %arg6[%run_scoped3A_79, %dma_start3A_145, %dma_start3A_146] : memref<16x13x128xf32, #tpu.memory_space<vmem>> -> memref<1x13x128xf32, #tpu.memory_space<vmem>>
        %dma_start3A_148 = tpu.memref_squeeze %dma_start3A_147 : memref<1x13x128xf32, #tpu.memory_space<vmem>> -> memref<13x128xf32, #tpu.memory_space<vmem>>
        %dma_start3A_149 = arith.constant 0 : i32
        %dma_start3A_150 = tpu.memref_slice %arg3[%run_scoped3A_77, %add3A_31, %run_scoped3A_78, %dma_start3A_149] : memref<2x2500x8x128xf32, #tpu.memory_space<hbm>> -> memref<1x13x1x128xf32, #tpu.memory_space<hbm>>
        %dma_start3A_151 = tpu.memref_squeeze %dma_start3A_150 : memref<1x13x1x128xf32, #tpu.memory_space<hbm>> -> memref<13x128xf32, #tpu.memory_space<hbm>>
        tpu.enqueue_dma source(%dma_start3A_151 : memref<13x128xf32, #tpu.memory_space<hbm>>) target(%dma_start3A_148 : memref<13x128xf32, #tpu.memory_space<vmem>>) target_semaphore(%run_scoped3A_138 : memref<!tpu.dma_semaphore, #tpu.memory_space<semaphore_mem>>)
        %dma_wait3A = arith.constant 0 : i32
        %dma_wait3A_152 = arith.constant 0 : i32
        %dma_wait3A_153 = tpu.memref_slice %arg6[%run_scoped3A_79, %dma_wait3A, %dma_wait3A_152] : memref<16x13x128xf32, #tpu.memory_space<vmem>> -> memref<1x13x128xf32, #tpu.memory_space<vmem>>
        %dma_wait3A_154 = tpu.memref_squeeze %dma_wait3A_153 : memref<1x13x128xf32, #tpu.memory_space<vmem>> -> memref<13x128xf32, #tpu.memory_space<vmem>>
        %dma_wait3A_155 = arith.constant 0 : i32
        %dma_wait3A_156 = tpu.memref_slice %arg3[%run_scoped3A_77, %add3A_31, %run_scoped3A_78, %dma_wait3A_155] : memref<2x2500x8x128xf32, #tpu.memory_space<hbm>> -> memref<1x13x1x128xf32, #tpu.memory_space<hbm>>
        %dma_wait3A_157 = tpu.memref_squeeze %dma_wait3A_156 : memref<1x13x1x128xf32, #tpu.memory_space<hbm>> -> memref<13x128xf32, #tpu.memory_space<hbm>>
        %dma_wait3A_158 = arith.constant 0 : i32
        %dma_wait3A_159 = arith.constant 0 : i32
        %dma_wait3A_160 = tpu.memref_slice %arg6[%run_scoped3A_79, %dma_wait3A_158, %dma_wait3A_159] : memref<16x13x128xf32, #tpu.memory_space<vmem>> -> memref<1x13x128xf32, #tpu.memory_space<vmem>>
        %dma_wait3A_161 = tpu.memref_squeeze %dma_wait3A_160 : memref<1x13x128xf32, #tpu.memory_space<vmem>> -> memref<13x128xf32, #tpu.memory_space<vmem>>
        %dma_wait3A_162 = arith.constant 0 : i32
        %dma_wait3A_163 = tpu.memref_slice %arg3[%run_scoped3A_77, %add3A_31, %run_scoped3A_78, %dma_wait3A_162] : memref<2x2500x8x128xf32, #tpu.memory_space<hbm>> -> memref<1x13x1x128xf32, #tpu.memory_space<hbm>>
        %dma_wait3A_164 = tpu.memref_squeeze %dma_wait3A_163 : memref<1x13x1x128xf32, #tpu.memory_space<hbm>> -> memref<13x128xf32, #tpu.memory_space<hbm>>
        tpu.wait_dma2 semaphore(%run_scoped3A_138 : memref<!tpu.dma_semaphore, #tpu.memory_space<semaphore_mem>>) src(%dma_wait3A_164 : memref<13x128xf32, #tpu.memory_space<hbm>>) dst(%dma_wait3A_161 : memref<13x128xf32, #tpu.memory_space<vmem>>)
        tpu.yield
      }) : () -> ()
      %scan3A_80 = arith.constant 0 : i32
      %scan3A_81 = arith.constant 0 : i32
      %scan3A_82 = arith.constant 104 : i32
      %scan3A_83 = arith.addi %scan3A_81, %scan3A_82 : i32
      %scan3A_84 = arith.constant 1 : i32
      scf.for %scan3A_138 = %scan3A_81 to %scan3A_83 step %scan3A_84  : i32 {
        %jit3A = arith.constant 8 : i32
        %div3A = arith.divsi %scan3A_138, %jit3A : i32
        %sign3A = arith.constant 0 : i32
        %sign3A_139 = arith.cmpi sgt, %scan3A_138, %sign3A : i32
        %sign3A_140 = arith.extui %sign3A_139 : i1 to i32
        %sign3A_141 = arith.constant 0 : i32
        %sign3A_142 = arith.cmpi slt, %scan3A_138, %sign3A_141 : i32
        %sign3A_143 = arith.extui %sign3A_142 : i1 to i32
        %sign3A_144 = arith.subi %sign3A_140, %sign3A_143 : i32
        %sign3A_145 = arith.constant 0 : i32
        %sign3A_146 = arith.cmpi sgt, %jit3A, %sign3A_145 : i32
        %sign3A_147 = arith.extui %sign3A_146 : i1 to i32
        %sign3A_148 = arith.constant 0 : i32
        %sign3A_149 = arith.cmpi slt, %jit3A, %sign3A_148 : i32
        %sign3A_150 = arith.extui %sign3A_149 : i1 to i32
        %sign3A_151 = arith.subi %sign3A_147, %sign3A_150 : i32
        %ne3A = arith.cmpi ne, %sign3A_144, %sign3A_151 : i32
        %rem3A = arith.remsi %scan3A_138, %jit3A : i32
        %ne3A_152 = arith.constant 0 : i32
        %ne3A_153 = arith.cmpi ne, %rem3A, %ne3A_152 : i32
        %and3A = arith.andi %ne3A, %ne3A_153 : i1
        %sub3A = arith.constant 1 : i32
        %sub3A_154 = arith.subi %div3A, %sub3A : i32
        %select_n3A = arith.select %and3A, %sub3A_154, %div3A : i32
        %jit3A_155 = arith.constant 8 : i32
        %eq3A = arith.constant 0 : i32
        %eq3A_156 = arith.cmpi eq, %jit3A_155, %eq3A : i32
        %jit3A_157 = arith.constant 1 : i32
        %select_n3A_158 = arith.select %eq3A_156, %jit3A_157, %jit3A_155 : i32
        %rem3A_159 = arith.remsi %scan3A_138, %select_n3A_158 : i32
        %ne3A_160 = arith.constant 0 : i32
        %ne3A_161 = arith.cmpi ne, %rem3A_159, %ne3A_160 : i32
        %lt3A_162 = arith.constant 0 : i32
        %lt3A_163 = arith.cmpi slt, %rem3A_159, %lt3A_162 : i32
        %lt3A_164 = arith.constant 0 : i32
        %lt3A_165 = arith.cmpi slt, %select_n3A_158, %lt3A_164 : i32
        %ne3A_166 = arith.xori %lt3A_163, %lt3A_165 : i1
        %and3A_167 = arith.andi %ne3A_166, %ne3A_161 : i1
        %add3A_168 = arith.addi %rem3A_159, %select_n3A_158 : i32
        %select_n3A_169 = arith.select %and3A_167, %add3A_168, %rem3A_159 : i32
        %mul3A_170 = arith.constant 16 : i32
        %mul3A_171 = arith.muli %select_n3A_169, %mul3A_170 : i32
        %mul3A_172 = arith.constant 16 : i32
        %mul3A_173 = arith.muli %scan3A_138, %mul3A_172 : i32
        %add3A_174 = vector.broadcast %mul3A_173 : i32 to vector<16xi32>
        %add3A_175 = arith.addi %add3A_174, %iota3A : vector<16xi32>
        %get3A = arith.constant 0 : i32
        %get3A_176 = arith.index_cast %get3A : i32 to index
        %get3A_177 = arith.index_cast %select_n3A : i32 to index
        %get3A_178 = arith.index_cast %mul3A_171 : i32 to index
        %get3A_179 = tpu.vector_load %arg6[%get3A_176, %get3A_177, %get3A_178] {strides = array<i32>} : memref<16x13x128xf32, #tpu.memory_space<vmem>>, vector<16xf32>,
        %broadcast_in_dim3A = arith.constant 0 : i32
        %broadcast_in_dim3A_180 = vector.broadcast %broadcast_in_dim3A : i32 to vector<16xi32>
        tpu.vector_store_idx %arg7[%add3A_175, %broadcast_in_dim3A_180], %get3A_179 : memref<1664x16xf32, #tpu.memory_space<vmem>>[vector<16xi32>, vector<16xi32>], vector<16xf32>,
        %get3A_181 = arith.constant 1 : i32
        %get3A_182 = arith.index_cast %get3A_181 : i32 to index
        %get3A_183 = arith.index_cast %select_n3A : i32 to index
        %get3A_184 = arith.index_cast %mul3A_171 : i32 to index
        %get3A_185 = tpu.vector_load %arg6[%get3A_182, %get3A_183, %get3A_184] {strides = array<i32>} : memref<16x13x128xf32, #tpu.memory_space<vmem>>, vector<16xf32>,
        %broadcast_in_dim3A_186 = arith.constant 1 : i32
        %broadcast_in_dim3A_187 = vector.broadcast %broadcast_in_dim3A_186 : i32 to vector<16xi32>
        tpu.vector_store_idx %arg7[%add3A_175, %broadcast_in_dim3A_187], %get3A_185 : memref<1664x16xf32, #tpu.memory_space<vmem>>[vector<16xi32>, vector<16xi32>], vector<16xf32>,
        %get3A_188 = arith.constant 2 : i32
        %get3A_189 = arith.index_cast %get3A_188 : i32 to index
        %get3A_190 = arith.index_cast %select_n3A : i32 to index
        %get3A_191 = arith.index_cast %mul3A_171 : i32 to index
        %get3A_192 = tpu.vector_load %arg6[%get3A_189, %get3A_190, %get3A_191] {strides = array<i32>} : memref<16x13x128xf32, #tpu.memory_space<vmem>>, vector<16xf32>,
        %broadcast_in_dim3A_193 = arith.constant 2 : i32
        %broadcast_in_dim3A_194 = vector.broadcast %broadcast_in_dim3A_193 : i32 to vector<16xi32>
        tpu.vector_store_idx %arg7[%add3A_175, %broadcast_in_dim3A_194], %get3A_192 : memref<1664x16xf32, #tpu.memory_space<vmem>>[vector<16xi32>, vector<16xi32>], vector<16xf32>,
        %get3A_195 = arith.constant 3 : i32
        %get3A_196 = arith.index_cast %get3A_195 : i32 to index
        %get3A_197 = arith.index_cast %select_n3A : i32 to index
        %get3A_198 = arith.index_cast %mul3A_171 : i32 to index
        %get3A_199 = tpu.vector_load %arg6[%get3A_196, %get3A_197, %get3A_198] {strides = array<i32>} : memref<16x13x128xf32, #tpu.memory_space<vmem>>, vector<16xf32>,
        %broadcast_in_dim3A_200 = arith.constant 3 : i32
        %broadcast_in_dim3A_201 = vector.broadcast %broadcast_in_dim3A_200 : i32 to vector<16xi32>
        tpu.vector_store_idx %arg7[%add3A_175, %broadcast_in_dim3A_201], %get3A_199 : memref<1664x16xf32, #tpu.memory_space<vmem>>[vector<16xi32>, vector<16xi32>], vector<16xf32>,
        %get3A_202 = arith.constant 4 : i32
        %get3A_203 = arith.index_cast %get3A_202 : i32 to index
        %get3A_204 = arith.index_cast %select_n3A : i32 to index
        %get3A_205 = arith.index_cast %mul3A_171 : i32 to index
        %get3A_206 = tpu.vector_load %arg6[%get3A_203, %get3A_204, %get3A_205] {strides = array<i32>} : memref<16x13x128xf32, #tpu.memory_space<vmem>>, vector<16xf32>,
        %broadcast_in_dim3A_207 = arith.constant 4 : i32
        %broadcast_in_dim3A_208 = vector.broadcast %broadcast_in_dim3A_207 : i32 to vector<16xi32>
        tpu.vector_store_idx %arg7[%add3A_175, %broadcast_in_dim3A_208], %get3A_206 : memref<1664x16xf32, #tpu.memory_space<vmem>>[vector<16xi32>, vector<16xi32>], vector<16xf32>,
        %get3A_209 = arith.constant 5 : i32
        %get3A_210 = arith.index_cast %get3A_209 : i32 to index
        %get3A_211 = arith.index_cast %select_n3A : i32 to index
        %get3A_212 = arith.index_cast %mul3A_171 : i32 to index
        %get3A_213 = tpu.vector_load %arg6[%get3A_210, %get3A_211, %get3A_212] {strides = array<i32>} : memref<16x13x128xf32, #tpu.memory_space<vmem>>, vector<16xf32>,
        %broadcast_in_dim3A_214 = arith.constant 5 : i32
        %broadcast_in_dim3A_215 = vector.broadcast %broadcast_in_dim3A_214 : i32 to vector<16xi32>
        tpu.vector_store_idx %arg7[%add3A_175, %broadcast_in_dim3A_215], %get3A_213 : memref<1664x16xf32, #tpu.memory_space<vmem>>[vector<16xi32>, vector<16xi32>], vector<16xf32>,
        %get3A_216 = arith.constant 6 : i32
        %get3A_217 = arith.index_cast %get3A_216 : i32 to index
        %get3A_218 = arith.index_cast %select_n3A : i32 to index
        %get3A_219 = arith.index_cast %mul3A_171 : i32 to index
        %get3A_220 = tpu.vector_load %arg6[%get3A_217, %get3A_218, %get3A_219] {strides = array<i32>} : memref<16x13x128xf32, #tpu.memory_space<vmem>>, vector<16xf32>,
        %broadcast_in_dim3A_221 = arith.constant 6 : i32
        %broadcast_in_dim3A_222 = vector.broadcast %broadcast_in_dim3A_221 : i32 to vector<16xi32>
        tpu.vector_store_idx %arg7[%add3A_175, %broadcast_in_dim3A_222], %get3A_220 : memref<1664x16xf32, #tpu.memory_space<vmem>>[vector<16xi32>, vector<16xi32>], vector<16xf32>,
        %get3A_223 = arith.constant 7 : i32
        %get3A_224 = arith.index_cast %get3A_223 : i32 to index
        %get3A_225 = arith.index_cast %select_n3A : i32 to index
        %get3A_226 = arith.index_cast %mul3A_171 : i32 to index
        %get3A_227 = tpu.vector_load %arg6[%get3A_224, %get3A_225, %get3A_226] {strides = array<i32>} : memref<16x13x128xf32, #tpu.memory_space<vmem>>, vector<16xf32>,
        %broadcast_in_dim3A_228 = arith.constant 7 : i32
        %broadcast_in_dim3A_229 = vector.broadcast %broadcast_in_dim3A_228 : i32 to vector<16xi32>
        tpu.vector_store_idx %arg7[%add3A_175, %broadcast_in_dim3A_229], %get3A_227 : memref<1664x16xf32, #tpu.memory_space<vmem>>[vector<16xi32>, vector<16xi32>], vector<16xf32>,
        %get3A_230 = arith.constant 8 : i32
        %get3A_231 = arith.index_cast %get3A_230 : i32 to index
        %get3A_232 = arith.index_cast %select_n3A : i32 to index
        %get3A_233 = arith.index_cast %mul3A_171 : i32 to index
        %get3A_234 = tpu.vector_load %arg6[%get3A_231, %get3A_232, %get3A_233] {strides = array<i32>} : memref<16x13x128xf32, #tpu.memory_space<vmem>>, vector<16xf32>,
        %broadcast_in_dim3A_235 = arith.constant 8 : i32
        %broadcast_in_dim3A_236 = vector.broadcast %broadcast_in_dim3A_235 : i32 to vector<16xi32>
        tpu.vector_store_idx %arg7[%add3A_175, %broadcast_in_dim3A_236], %get3A_234 : memref<1664x16xf32, #tpu.memory_space<vmem>>[vector<16xi32>, vector<16xi32>], vector<16xf32>,
        %get3A_237 = arith.constant 9 : i32
        %get3A_238 = arith.index_cast %get3A_237 : i32 to index
        %get3A_239 = arith.index_cast %select_n3A : i32 to index
        %get3A_240 = arith.index_cast %mul3A_171 : i32 to index
        %get3A_241 = tpu.vector_load %arg6[%get3A_238, %get3A_239, %get3A_240] {strides = array<i32>} : memref<16x13x128xf32, #tpu.memory_space<vmem>>, vector<16xf32>,
        %broadcast_in_dim3A_242 = arith.constant 9 : i32
        %broadcast_in_dim3A_243 = vector.broadcast %broadcast_in_dim3A_242 : i32 to vector<16xi32>
        tpu.vector_store_idx %arg7[%add3A_175, %broadcast_in_dim3A_243], %get3A_241 : memref<1664x16xf32, #tpu.memory_space<vmem>>[vector<16xi32>, vector<16xi32>], vector<16xf32>,
        %get3A_244 = arith.constant 10 : i32
        %get3A_245 = arith.index_cast %get3A_244 : i32 to index
        %get3A_246 = arith.index_cast %select_n3A : i32 to index
        %get3A_247 = arith.index_cast %mul3A_171 : i32 to index
        %get3A_248 = tpu.vector_load %arg6[%get3A_245, %get3A_246, %get3A_247] {strides = array<i32>} : memref<16x13x128xf32, #tpu.memory_space<vmem>>, vector<16xf32>,
        %broadcast_in_dim3A_249 = arith.constant 10 : i32
        %broadcast_in_dim3A_250 = vector.broadcast %broadcast_in_dim3A_249 : i32 to vector<16xi32>
        tpu.vector_store_idx %arg7[%add3A_175, %broadcast_in_dim3A_250], %get3A_248 : memref<1664x16xf32, #tpu.memory_space<vmem>>[vector<16xi32>, vector<16xi32>], vector<16xf32>,
        %get3A_251 = arith.constant 11 : i32
        %get3A_252 = arith.index_cast %get3A_251 : i32 to index
        %get3A_253 = arith.index_cast %select_n3A : i32 to index
        %get3A_254 = arith.index_cast %mul3A_171 : i32 to index
        %get3A_255 = tpu.vector_load %arg6[%get3A_252, %get3A_253, %get3A_254] {strides = array<i32>} : memref<16x13x128xf32, #tpu.memory_space<vmem>>, vector<16xf32>,
        %broadcast_in_dim3A_256 = arith.constant 11 : i32
        %broadcast_in_dim3A_257 = vector.broadcast %broadcast_in_dim3A_256 : i32 to vector<16xi32>
        tpu.vector_store_idx %arg7[%add3A_175, %broadcast_in_dim3A_257], %get3A_255 : memref<1664x16xf32, #tpu.memory_space<vmem>>[vector<16xi32>, vector<16xi32>], vector<16xf32>,
        %get3A_258 = arith.constant 12 : i32
        %get3A_259 = arith.index_cast %get3A_258 : i32 to index
        %get3A_260 = arith.index_cast %select_n3A : i32 to index
        %get3A_261 = arith.index_cast %mul3A_171 : i32 to index
        %get3A_262 = tpu.vector_load %arg6[%get3A_259, %get3A_260, %get3A_261] {strides = array<i32>} : memref<16x13x128xf32, #tpu.memory_space<vmem>>, vector<16xf32>,
        %broadcast_in_dim3A_263 = arith.constant 12 : i32
        %broadcast_in_dim3A_264 = vector.broadcast %broadcast_in_dim3A_263 : i32 to vector<16xi32>
        tpu.vector_store_idx %arg7[%add3A_175, %broadcast_in_dim3A_264], %get3A_262 : memref<1664x16xf32, #tpu.memory_space<vmem>>[vector<16xi32>, vector<16xi32>], vector<16xf32>,
        %get3A_265 = arith.constant 13 : i32
        %get3A_266 = arith.index_cast %get3A_265 : i32 to index
        %get3A_267 = arith.index_cast %select_n3A : i32 to index
        %get3A_268 = arith.index_cast %mul3A_171 : i32 to index
        %get3A_269 = tpu.vector_load %arg6[%get3A_266, %get3A_267, %get3A_268] {strides = array<i32>} : memref<16x13x128xf32, #tpu.memory_space<vmem>>, vector<16xf32>,
        %broadcast_in_dim3A_270 = arith.constant 13 : i32
        %broadcast_in_dim3A_271 = vector.broadcast %broadcast_in_dim3A_270 : i32 to vector<16xi32>
        tpu.vector_store_idx %arg7[%add3A_175, %broadcast_in_dim3A_271], %get3A_269 : memref<1664x16xf32, #tpu.memory_space<vmem>>[vector<16xi32>, vector<16xi32>], vector<16xf32>,
        %get3A_272 = arith.constant 14 : i32
        %get3A_273 = arith.index_cast %get3A_272 : i32 to index
        %get3A_274 = arith.index_cast %select_n3A : i32 to index
        %get3A_275 = arith.index_cast %mul3A_171 : i32 to index
        %get3A_276 = tpu.vector_load %arg6[%get3A_273, %get3A_274, %get3A_275] {strides = array<i32>} : memref<16x13x128xf32, #tpu.memory_space<vmem>>, vector<16xf32>,
        %broadcast_in_dim3A_277 = arith.constant 14 : i32
        %broadcast_in_dim3A_278 = vector.broadcast %broadcast_in_dim3A_277 : i32 to vector<16xi32>
        tpu.vector_store_idx %arg7[%add3A_175, %broadcast_in_dim3A_278], %get3A_276 : memref<1664x16xf32, #tpu.memory_space<vmem>>[vector<16xi32>, vector<16xi32>], vector<16xf32>,
        %get3A_279 = arith.constant 15 : i32
        %get3A_280 = arith.index_cast %get3A_279 : i32 to index
        %get3A_281 = arith.index_cast %select_n3A : i32 to index
        %get3A_282 = arith.index_cast %mul3A_171 : i32 to index
        %get3A_283 = tpu.vector_load %arg6[%get3A_280, %get3A_281, %get3A_282] {strides = array<i32>} : memref<16x13x128xf32, #tpu.memory_space<vmem>>, vector<16xf32>,
        %broadcast_in_dim3A_284 = arith.constant 15 : i32
        %broadcast_in_dim3A_285 = vector.broadcast %broadcast_in_dim3A_284 : i32 to vector<16xi32>
        tpu.vector_store_idx %arg7[%add3A_175, %broadcast_in_dim3A_285], %get3A_283 : memref<1664x16xf32, #tpu.memory_space<vmem>>[vector<16xi32>, vector<16xi32>], vector<16xf32>,
      }
      %scan3A_85 = arith.constant 104 : i32
      %mul3A_86 = arith.constant 13 : i32
      %mul3A_87 = arith.muli %scan3A_28, %mul3A_86 : i32
      %add3A_88 = arith.constant 0 : i32
      %add3A_89 = arith.addi %mul3A_87, %add3A_88 : i32
      "tpu.region"() ({
        %run_scoped3A_138 = tpu.sem_alloc : memref<!tpu.dma_semaphore, #tpu.memory_space<semaphore_mem>>
        %dma_start3A = arith.constant 0 : i32
        %dma_start3A_139 = arith.constant 0 : i32
        %dma_start3A_140 = tpu.memref_slice %arg7[%dma_start3A, %dma_start3A_139] : memref<1664x16xf32, #tpu.memory_space<vmem>> -> memref<128x16xf32, #tpu.memory_space<vmem>>
        %dma_start3A_141 = arith.constant 0 : i32
        %dma_start3A_142 = tpu.memref_slice %arg5[%add3A_89, %dma_start3A_141] : memref<80x128xi32, #tpu.memory_space<vmem>> -> memref<1x128xi32, #tpu.memory_space<vmem>>
        %dma_start3A_143 = tpu.memref_squeeze %dma_start3A_142 : memref<1x128xi32, #tpu.memory_space<vmem>> -> memref<128xi32, #tpu.memory_space<vmem>>
        %dma_start3A_144 = arith.constant 0 : i32
        %dma_start3A_145 = arith.constant 0 : i32
        %dma_start3A_146 = tpu.memref_slice %arg9[%dma_start3A_144, %dma_start3A_145] : memref<10240x16xf32, #tpu.memory_space<vmem_shared>> -> memref<10240x16xf32, #tpu.memory_space<vmem_shared>>
        tpu.enqueue_indirect_dma source(%dma_start3A_140 : memref<128x16xf32, #tpu.memory_space<vmem>>) target(%dma_start3A_146 : memref<10240x16xf32, #tpu.memory_space<vmem_shared>>) offsets(%dma_start3A_143 : memref<128xi32, #tpu.memory_space<vmem>>) semaphore(%run_scoped3A_138 : memref<!tpu.dma_semaphore, #tpu.memory_space<semaphore_mem>>) {add = true}
        %dma_wait3A = arith.constant 0 : i32
        %dma_wait3A_147 = arith.constant 0 : i32
        %dma_wait3A_148 = tpu.memref_slice %arg7[%dma_wait3A, %dma_wait3A_147] : memref<1664x16xf32, #tpu.memory_space<vmem>> -> memref<128x16xf32, #tpu.memory_space<vmem>>
        %dma_wait3A_149 = arith.constant 0 : i32
        %dma_wait3A_150 = tpu.memref_slice %arg5[%add3A_89, %dma_wait3A_149] : memref<80x128xi32, #tpu.memory_space<vmem>> -> memref<1x128xi32, #tpu.memory_space<vmem>>
        %dma_wait3A_151 = tpu.memref_squeeze %dma_wait3A_150 : memref<1x128xi32, #tpu.memory_space<vmem>> -> memref<128xi32, #tpu.memory_space<vmem>>
        %dma_wait3A_152 = arith.constant 0 : i32
        %dma_wait3A_153 = arith.constant 0 : i32
        %dma_wait3A_154 = tpu.memref_slice %arg9[%dma_wait3A_152, %dma_wait3A_153] : memref<10240x16xf32, #tpu.memory_space<vmem_shared>> -> memref<10240x16xf32, #tpu.memory_space<vmem_shared>>
        tpu.wait_indirect_dma semaphore(%run_scoped3A_138 : memref<!tpu.dma_semaphore, #tpu.memory_space<semaphore_mem>>) src(%dma_wait3A_148 : memref<128x16xf32, #tpu.memory_space<vmem>>) dst(%dma_wait3A_154 : memref<10240x16xf32, #tpu.memory_space<vmem_shared>>)
        tpu.yield
      }) : () -> ()
      %mul3A_90 = arith.constant 13 : i32
      %mul3A_91 = arith.muli %scan3A_28, %mul3A_90 : i32
      %add3A_92 = arith.constant 1 : i32
      %add3A_93 = arith.addi %mul3A_91, %add3A_92 : i32
      "tpu.region"() ({
        %run_scoped3A_138 = tpu.sem_alloc : memref<!tpu.dma_semaphore, #tpu.memory_space<semaphore_mem>>
        %dma_start3A = arith.constant 128 : i32
        %dma_start3A_139 = arith.constant 0 : i32
        %dma_start3A_140 = tpu.memref_slice %arg7[%dma_start3A, %dma_start3A_139] : memref<1664x16xf32, #tpu.memory_space<vmem>> -> memref<128x16xf32, #tpu.memory_space<vmem>>
        %dma_start3A_141 = arith.constant 0 : i32
        %dma_start3A_142 = tpu.memref_slice %arg5[%add3A_93, %dma_start3A_141] : memref<80x128xi32, #tpu.memory_space<vmem>> -> memref<1x128xi32, #tpu.memory_space<vmem>>
        %dma_start3A_143 = tpu.memref_squeeze %dma_start3A_142 : memref<1x128xi32, #tpu.memory_space<vmem>> -> memref<128xi32, #tpu.memory_space<vmem>>
        %dma_start3A_144 = arith.constant 0 : i32
        %dma_start3A_145 = arith.constant 0 : i32
        %dma_start3A_146 = tpu.memref_slice %arg9[%dma_start3A_144, %dma_start3A_145] : memref<10240x16xf32, #tpu.memory_space<vmem_shared>> -> memref<10240x16xf32, #tpu.memory_space<vmem_shared>>
        tpu.enqueue_indirect_dma source(%dma_start3A_140 : memref<128x16xf32, #tpu.memory_space<vmem>>) target(%dma_start3A_146 : memref<10240x16xf32, #tpu.memory_space<vmem_shared>>) offsets(%dma_start3A_143 : memref<128xi32, #tpu.memory_space<vmem>>) semaphore(%run_scoped3A_138 : memref<!tpu.dma_semaphore, #tpu.memory_space<semaphore_mem>>) {add = true}
        %dma_wait3A = arith.constant 128 : i32
        %dma_wait3A_147 = arith.constant 0 : i32
        %dma_wait3A_148 = tpu.memref_slice %arg7[%dma_wait3A, %dma_wait3A_147] : memref<1664x16xf32, #tpu.memory_space<vmem>> -> memref<128x16xf32, #tpu.memory_space<vmem>>
        %dma_wait3A_149 = arith.constant 0 : i32
        %dma_wait3A_150 = tpu.memref_slice %arg5[%add3A_93, %dma_wait3A_149] : memref<80x128xi32, #tpu.memory_space<vmem>> -> memref<1x128xi32, #tpu.memory_space<vmem>>
        %dma_wait3A_151 = tpu.memref_squeeze %dma_wait3A_150 : memref<1x128xi32, #tpu.memory_space<vmem>> -> memref<128xi32, #tpu.memory_space<vmem>>
        %dma_wait3A_152 = arith.constant 0 : i32
        %dma_wait3A_153 = arith.constant 0 : i32
        %dma_wait3A_154 = tpu.memref_slice %arg9[%dma_wait3A_152, %dma_wait3A_153] : memref<10240x16xf32, #tpu.memory_space<vmem_shared>> -> memref<10240x16xf32, #tpu.memory_space<vmem_shared>>
        tpu.wait_indirect_dma semaphore(%run_scoped3A_138 : memref<!tpu.dma_semaphore, #tpu.memory_space<semaphore_mem>>) src(%dma_wait3A_148 : memref<128x16xf32, #tpu.memory_space<vmem>>) dst(%dma_wait3A_154 : memref<10240x16xf32, #tpu.memory_space<vmem_shared>>)
        tpu.yield
      }) : () -> ()
      %mul3A_94 = arith.constant 13 : i32
      %mul3A_95 = arith.muli %scan3A_28, %mul3A_94 : i32
      %add3A_96 = arith.constant 2 : i32
      %add3A_97 = arith.addi %mul3A_95, %add3A_96 : i32
      "tpu.region"() ({
        %run_scoped3A_138 = tpu.sem_alloc : memref<!tpu.dma_semaphore, #tpu.memory_space<semaphore_mem>>
        %dma_start3A = arith.constant 256 : i32
        %dma_start3A_139 = arith.constant 0 : i32
        %dma_start3A_140 = tpu.memref_slice %arg7[%dma_start3A, %dma_start3A_139] : memref<1664x16xf32, #tpu.memory_space<vmem>> -> memref<128x16xf32, #tpu.memory_space<vmem>>
        %dma_start3A_141 = arith.constant 0 : i32
        %dma_start3A_142 = tpu.memref_slice %arg5[%add3A_97, %dma_start3A_141] : memref<80x128xi32, #tpu.memory_space<vmem>> -> memref<1x128xi32, #tpu.memory_space<vmem>>
        %dma_start3A_143 = tpu.memref_squeeze %dma_start3A_142 : memref<1x128xi32, #tpu.memory_space<vmem>> -> memref<128xi32, #tpu.memory_space<vmem>>
        %dma_start3A_144 = arith.constant 0 : i32
        %dma_start3A_145 = arith.constant 0 : i32
        %dma_start3A_146 = tpu.memref_slice %arg9[%dma_start3A_144, %dma_start3A_145] : memref<10240x16xf32, #tpu.memory_space<vmem_shared>> -> memref<10240x16xf32, #tpu.memory_space<vmem_shared>>
        tpu.enqueue_indirect_dma source(%dma_start3A_140 : memref<128x16xf32, #tpu.memory_space<vmem>>) target(%dma_start3A_146 : memref<10240x16xf32, #tpu.memory_space<vmem_shared>>) offsets(%dma_start3A_143 : memref<128xi32, #tpu.memory_space<vmem>>) semaphore(%run_scoped3A_138 : memref<!tpu.dma_semaphore, #tpu.memory_space<semaphore_mem>>) {add = true}
        %dma_wait3A = arith.constant 256 : i32
        %dma_wait3A_147 = arith.constant 0 : i32
        %dma_wait3A_148 = tpu.memref_slice %arg7[%dma_wait3A, %dma_wait3A_147] : memref<1664x16xf32, #tpu.memory_space<vmem>> -> memref<128x16xf32, #tpu.memory_space<vmem>>
        %dma_wait3A_149 = arith.constant 0 : i32
        %dma_wait3A_150 = tpu.memref_slice %arg5[%add3A_97, %dma_wait3A_149] : memref<80x128xi32, #tpu.memory_space<vmem>> -> memref<1x128xi32, #tpu.memory_space<vmem>>
        %dma_wait3A_151 = tpu.memref_squeeze %dma_wait3A_150 : memref<1x128xi32, #tpu.memory_space<vmem>> -> memref<128xi32, #tpu.memory_space<vmem>>
        %dma_wait3A_152 = arith.constant 0 : i32
        %dma_wait3A_153 = arith.constant 0 : i32
        %dma_wait3A_154 = tpu.memref_slice %arg9[%dma_wait3A_152, %dma_wait3A_153] : memref<10240x16xf32, #tpu.memory_space<vmem_shared>> -> memref<10240x16xf32, #tpu.memory_space<vmem_shared>>
        tpu.wait_indirect_dma semaphore(%run_scoped3A_138 : memref<!tpu.dma_semaphore, #tpu.memory_space<semaphore_mem>>) src(%dma_wait3A_148 : memref<128x16xf32, #tpu.memory_space<vmem>>) dst(%dma_wait3A_154 : memref<10240x16xf32, #tpu.memory_space<vmem_shared>>)
        tpu.yield
      }) : () -> ()
      %mul3A_98 = arith.constant 13 : i32
      %mul3A_99 = arith.muli %scan3A_28, %mul3A_98 : i32
      %add3A_100 = arith.constant 3 : i32
      %add3A_101 = arith.addi %mul3A_99, %add3A_100 : i32
      "tpu.region"() ({
        %run_scoped3A_138 = tpu.sem_alloc : memref<!tpu.dma_semaphore, #tpu.memory_space<semaphore_mem>>
        %dma_start3A = arith.constant 384 : i32
        %dma_start3A_139 = arith.constant 0 : i32
        %dma_start3A_140 = tpu.memref_slice %arg7[%dma_start3A, %dma_start3A_139] : memref<1664x16xf32, #tpu.memory_space<vmem>> -> memref<128x16xf32, #tpu.memory_space<vmem>>
        %dma_start3A_141 = arith.constant 0 : i32
        %dma_start3A_142 = tpu.memref_slice %arg5[%add3A_101, %dma_start3A_141] : memref<80x128xi32, #tpu.memory_space<vmem>> -> memref<1x128xi32, #tpu.memory_space<vmem>>
        %dma_start3A_143 = tpu.memref_squeeze %dma_start3A_142 : memref<1x128xi32, #tpu.memory_space<vmem>> -> memref<128xi32, #tpu.memory_space<vmem>>
        %dma_start3A_144 = arith.constant 0 : i32
        %dma_start3A_145 = arith.constant 0 : i32
        %dma_start3A_146 = tpu.memref_slice %arg9[%dma_start3A_144, %dma_start3A_145] : memref<10240x16xf32, #tpu.memory_space<vmem_shared>> -> memref<10240x16xf32, #tpu.memory_space<vmem_shared>>
        tpu.enqueue_indirect_dma source(%dma_start3A_140 : memref<128x16xf32, #tpu.memory_space<vmem>>) target(%dma_start3A_146 : memref<10240x16xf32, #tpu.memory_space<vmem_shared>>) offsets(%dma_start3A_143 : memref<128xi32, #tpu.memory_space<vmem>>) semaphore(%run_scoped3A_138 : memref<!tpu.dma_semaphore, #tpu.memory_space<semaphore_mem>>) {add = true}
        %dma_wait3A = arith.constant 384 : i32
        %dma_wait3A_147 = arith.constant 0 : i32
        %dma_wait3A_148 = tpu.memref_slice %arg7[%dma_wait3A, %dma_wait3A_147] : memref<1664x16xf32, #tpu.memory_space<vmem>> -> memref<128x16xf32, #tpu.memory_space<vmem>>
        %dma_wait3A_149 = arith.constant 0 : i32
        %dma_wait3A_150 = tpu.memref_slice %arg5[%add3A_101, %dma_wait3A_149] : memref<80x128xi32, #tpu.memory_space<vmem>> -> memref<1x128xi32, #tpu.memory_space<vmem>>
        %dma_wait3A_151 = tpu.memref_squeeze %dma_wait3A_150 : memref<1x128xi32, #tpu.memory_space<vmem>> -> memref<128xi32, #tpu.memory_space<vmem>>
        %dma_wait3A_152 = arith.constant 0 : i32
        %dma_wait3A_153 = arith.constant 0 : i32
        %dma_wait3A_154 = tpu.memref_slice %arg9[%dma_wait3A_152, %dma_wait3A_153] : memref<10240x16xf32, #tpu.memory_space<vmem_shared>> -> memref<10240x16xf32, #tpu.memory_space<vmem_shared>>
        tpu.wait_indirect_dma semaphore(%run_scoped3A_138 : memref<!tpu.dma_semaphore, #tpu.memory_space<semaphore_mem>>) src(%dma_wait3A_148 : memref<128x16xf32, #tpu.memory_space<vmem>>) dst(%dma_wait3A_154 : memref<10240x16xf32, #tpu.memory_space<vmem_shared>>)
        tpu.yield
      }) : () -> ()
      %mul3A_102 = arith.constant 13 : i32
      %mul3A_103 = arith.muli %scan3A_28, %mul3A_102 : i32
      %add3A_104 = arith.constant 4 : i32
      %add3A_105 = arith.addi %mul3A_103, %add3A_104 : i32
      "tpu.region"() ({
        %run_scoped3A_138 = tpu.sem_alloc : memref<!tpu.dma_semaphore, #tpu.memory_space<semaphore_mem>>
        %dma_start3A = arith.constant 512 : i32
        %dma_start3A_139 = arith.constant 0 : i32
        %dma_start3A_140 = tpu.memref_slice %arg7[%dma_start3A, %dma_start3A_139] : memref<1664x16xf32, #tpu.memory_space<vmem>> -> memref<128x16xf32, #tpu.memory_space<vmem>>
        %dma_start3A_141 = arith.constant 0 : i32
        %dma_start3A_142 = tpu.memref_slice %arg5[%add3A_105, %dma_start3A_141] : memref<80x128xi32, #tpu.memory_space<vmem>> -> memref<1x128xi32, #tpu.memory_space<vmem>>
        %dma_start3A_143 = tpu.memref_squeeze %dma_start3A_142 : memref<1x128xi32, #tpu.memory_space<vmem>> -> memref<128xi32, #tpu.memory_space<vmem>>
        %dma_start3A_144 = arith.constant 0 : i32
        %dma_start3A_145 = arith.constant 0 : i32
        %dma_start3A_146 = tpu.memref_slice %arg9[%dma_start3A_144, %dma_start3A_145] : memref<10240x16xf32, #tpu.memory_space<vmem_shared>> -> memref<10240x16xf32, #tpu.memory_space<vmem_shared>>
        tpu.enqueue_indirect_dma source(%dma_start3A_140 : memref<128x16xf32, #tpu.memory_space<vmem>>) target(%dma_start3A_146 : memref<10240x16xf32, #tpu.memory_space<vmem_shared>>) offsets(%dma_start3A_143 : memref<128xi32, #tpu.memory_space<vmem>>) semaphore(%run_scoped3A_138 : memref<!tpu.dma_semaphore, #tpu.memory_space<semaphore_mem>>) {add = true}
        %dma_wait3A = arith.constant 512 : i32
        %dma_wait3A_147 = arith.constant 0 : i32
        %dma_wait3A_148 = tpu.memref_slice %arg7[%dma_wait3A, %dma_wait3A_147] : memref<1664x16xf32, #tpu.memory_space<vmem>> -> memref<128x16xf32, #tpu.memory_space<vmem>>
        %dma_wait3A_149 = arith.constant 0 : i32
        %dma_wait3A_150 = tpu.memref_slice %arg5[%add3A_105, %dma_wait3A_149] : memref<80x128xi32, #tpu.memory_space<vmem>> -> memref<1x128xi32, #tpu.memory_space<vmem>>
        %dma_wait3A_151 = tpu.memref_squeeze %dma_wait3A_150 : memref<1x128xi32, #tpu.memory_space<vmem>> -> memref<128xi32, #tpu.memory_space<vmem>>
        %dma_wait3A_152 = arith.constant 0 : i32
        %dma_wait3A_153 = arith.constant 0 : i32
        %dma_wait3A_154 = tpu.memref_slice %arg9[%dma_wait3A_152, %dma_wait3A_153] : memref<10240x16xf32, #tpu.memory_space<vmem_shared>> -> memref<10240x16xf32, #tpu.memory_space<vmem_shared>>
        tpu.wait_indirect_dma semaphore(%run_scoped3A_138 : memref<!tpu.dma_semaphore, #tpu.memory_space<semaphore_mem>>) src(%dma_wait3A_148 : memref<128x16xf32, #tpu.memory_space<vmem>>) dst(%dma_wait3A_154 : memref<10240x16xf32, #tpu.memory_space<vmem_shared>>)
        tpu.yield
      }) : () -> ()
      %mul3A_106 = arith.constant 13 : i32
      %mul3A_107 = arith.muli %scan3A_28, %mul3A_106 : i32
      %add3A_108 = arith.constant 5 : i32
      %add3A_109 = arith.addi %mul3A_107, %add3A_108 : i32
      "tpu.region"() ({
        %run_scoped3A_138 = tpu.sem_alloc : memref<!tpu.dma_semaphore, #tpu.memory_space<semaphore_mem>>
        %dma_start3A = arith.constant 640 : i32
        %dma_start3A_139 = arith.constant 0 : i32
        %dma_start3A_140 = tpu.memref_slice %arg7[%dma_start3A, %dma_start3A_139] : memref<1664x16xf32, #tpu.memory_space<vmem>> -> memref<128x16xf32, #tpu.memory_space<vmem>>
        %dma_start3A_141 = arith.constant 0 : i32
        %dma_start3A_142 = tpu.memref_slice %arg5[%add3A_109, %dma_start3A_141] : memref<80x128xi32, #tpu.memory_space<vmem>> -> memref<1x128xi32, #tpu.memory_space<vmem>>
        %dma_start3A_143 = tpu.memref_squeeze %dma_start3A_142 : memref<1x128xi32, #tpu.memory_space<vmem>> -> memref<128xi32, #tpu.memory_space<vmem>>
        %dma_start3A_144 = arith.constant 0 : i32
        %dma_start3A_145 = arith.constant 0 : i32
        %dma_start3A_146 = tpu.memref_slice %arg9[%dma_start3A_144, %dma_start3A_145] : memref<10240x16xf32, #tpu.memory_space<vmem_shared>> -> memref<10240x16xf32, #tpu.memory_space<vmem_shared>>
        tpu.enqueue_indirect_dma source(%dma_start3A_140 : memref<128x16xf32, #tpu.memory_space<vmem>>) target(%dma_start3A_146 : memref<10240x16xf32, #tpu.memory_space<vmem_shared>>) offsets(%dma_start3A_143 : memref<128xi32, #tpu.memory_space<vmem>>) semaphore(%run_scoped3A_138 : memref<!tpu.dma_semaphore, #tpu.memory_space<semaphore_mem>>) {add = true}
        %dma_wait3A = arith.constant 640 : i32
        %dma_wait3A_147 = arith.constant 0 : i32
        %dma_wait3A_148 = tpu.memref_slice %arg7[%dma_wait3A, %dma_wait3A_147] : memref<1664x16xf32, #tpu.memory_space<vmem>> -> memref<128x16xf32, #tpu.memory_space<vmem>>
        %dma_wait3A_149 = arith.constant 0 : i32
        %dma_wait3A_150 = tpu.memref_slice %arg5[%add3A_109, %dma_wait3A_149] : memref<80x128xi32, #tpu.memory_space<vmem>> -> memref<1x128xi32, #tpu.memory_space<vmem>>
        %dma_wait3A_151 = tpu.memref_squeeze %dma_wait3A_150 : memref<1x128xi32, #tpu.memory_space<vmem>> -> memref<128xi32, #tpu.memory_space<vmem>>
        %dma_wait3A_152 = arith.constant 0 : i32
        %dma_wait3A_153 = arith.constant 0 : i32
        %dma_wait3A_154 = tpu.memref_slice %arg9[%dma_wait3A_152, %dma_wait3A_153] : memref<10240x16xf32, #tpu.memory_space<vmem_shared>> -> memref<10240x16xf32, #tpu.memory_space<vmem_shared>>
        tpu.wait_indirect_dma semaphore(%run_scoped3A_138 : memref<!tpu.dma_semaphore, #tpu.memory_space<semaphore_mem>>) src(%dma_wait3A_148 : memref<128x16xf32, #tpu.memory_space<vmem>>) dst(%dma_wait3A_154 : memref<10240x16xf32, #tpu.memory_space<vmem_shared>>)
        tpu.yield
      }) : () -> ()
      %mul3A_110 = arith.constant 13 : i32
      %mul3A_111 = arith.muli %scan3A_28, %mul3A_110 : i32
      %add3A_112 = arith.constant 6 : i32
      %add3A_113 = arith.addi %mul3A_111, %add3A_112 : i32
      "tpu.region"() ({
        %run_scoped3A_138 = tpu.sem_alloc : memref<!tpu.dma_semaphore, #tpu.memory_space<semaphore_mem>>
        %dma_start3A = arith.constant 768 : i32
        %dma_start3A_139 = arith.constant 0 : i32
        %dma_start3A_140 = tpu.memref_slice %arg7[%dma_start3A, %dma_start3A_139] : memref<1664x16xf32, #tpu.memory_space<vmem>> -> memref<128x16xf32, #tpu.memory_space<vmem>>
        %dma_start3A_141 = arith.constant 0 : i32
        %dma_start3A_142 = tpu.memref_slice %arg5[%add3A_113, %dma_start3A_141] : memref<80x128xi32, #tpu.memory_space<vmem>> -> memref<1x128xi32, #tpu.memory_space<vmem>>
        %dma_start3A_143 = tpu.memref_squeeze %dma_start3A_142 : memref<1x128xi32, #tpu.memory_space<vmem>> -> memref<128xi32, #tpu.memory_space<vmem>>
        %dma_start3A_144 = arith.constant 0 : i32
        %dma_start3A_145 = arith.constant 0 : i32
        %dma_start3A_146 = tpu.memref_slice %arg9[%dma_start3A_144, %dma_start3A_145] : memref<10240x16xf32, #tpu.memory_space<vmem_shared>> -> memref<10240x16xf32, #tpu.memory_space<vmem_shared>>
        tpu.enqueue_indirect_dma source(%dma_start3A_140 : memref<128x16xf32, #tpu.memory_space<vmem>>) target(%dma_start3A_146 : memref<10240x16xf32, #tpu.memory_space<vmem_shared>>) offsets(%dma_start3A_143 : memref<128xi32, #tpu.memory_space<vmem>>) semaphore(%run_scoped3A_138 : memref<!tpu.dma_semaphore, #tpu.memory_space<semaphore_mem>>) {add = true}
        %dma_wait3A = arith.constant 768 : i32
        %dma_wait3A_147 = arith.constant 0 : i32
        %dma_wait3A_148 = tpu.memref_slice %arg7[%dma_wait3A, %dma_wait3A_147] : memref<1664x16xf32, #tpu.memory_space<vmem>> -> memref<128x16xf32, #tpu.memory_space<vmem>>
        %dma_wait3A_149 = arith.constant 0 : i32
        %dma_wait3A_150 = tpu.memref_slice %arg5[%add3A_113, %dma_wait3A_149] : memref<80x128xi32, #tpu.memory_space<vmem>> -> memref<1x128xi32, #tpu.memory_space<vmem>>
        %dma_wait3A_151 = tpu.memref_squeeze %dma_wait3A_150 : memref<1x128xi32, #tpu.memory_space<vmem>> -> memref<128xi32, #tpu.memory_space<vmem>>
        %dma_wait3A_152 = arith.constant 0 : i32
        %dma_wait3A_153 = arith.constant 0 : i32
        %dma_wait3A_154 = tpu.memref_slice %arg9[%dma_wait3A_152, %dma_wait3A_153] : memref<10240x16xf32, #tpu.memory_space<vmem_shared>> -> memref<10240x16xf32, #tpu.memory_space<vmem_shared>>
        tpu.wait_indirect_dma semaphore(%run_scoped3A_138 : memref<!tpu.dma_semaphore, #tpu.memory_space<semaphore_mem>>) src(%dma_wait3A_148 : memref<128x16xf32, #tpu.memory_space<vmem>>) dst(%dma_wait3A_154 : memref<10240x16xf32, #tpu.memory_space<vmem_shared>>)
        tpu.yield
      }) : () -> ()
      %mul3A_114 = arith.constant 13 : i32
      %mul3A_115 = arith.muli %scan3A_28, %mul3A_114 : i32
      %add3A_116 = arith.constant 7 : i32
      %add3A_117 = arith.addi %mul3A_115, %add3A_116 : i32
      "tpu.region"() ({
        %run_scoped3A_138 = tpu.sem_alloc : memref<!tpu.dma_semaphore, #tpu.memory_space<semaphore_mem>>
        %dma_start3A = arith.constant 896 : i32
        %dma_start3A_139 = arith.constant 0 : i32
        %dma_start3A_140 = tpu.memref_slice %arg7[%dma_start3A, %dma_start3A_139] : memref<1664x16xf32, #tpu.memory_space<vmem>> -> memref<128x16xf32, #tpu.memory_space<vmem>>
        %dma_start3A_141 = arith.constant 0 : i32
        %dma_start3A_142 = tpu.memref_slice %arg5[%add3A_117, %dma_start3A_141] : memref<80x128xi32, #tpu.memory_space<vmem>> -> memref<1x128xi32, #tpu.memory_space<vmem>>
        %dma_start3A_143 = tpu.memref_squeeze %dma_start3A_142 : memref<1x128xi32, #tpu.memory_space<vmem>> -> memref<128xi32, #tpu.memory_space<vmem>>
        %dma_start3A_144 = arith.constant 0 : i32
        %dma_start3A_145 = arith.constant 0 : i32
        %dma_start3A_146 = tpu.memref_slice %arg9[%dma_start3A_144, %dma_start3A_145] : memref<10240x16xf32, #tpu.memory_space<vmem_shared>> -> memref<10240x16xf32, #tpu.memory_space<vmem_shared>>
        tpu.enqueue_indirect_dma source(%dma_start3A_140 : memref<128x16xf32, #tpu.memory_space<vmem>>) target(%dma_start3A_146 : memref<10240x16xf32, #tpu.memory_space<vmem_shared>>) offsets(%dma_start3A_143 : memref<128xi32, #tpu.memory_space<vmem>>) semaphore(%run_scoped3A_138 : memref<!tpu.dma_semaphore, #tpu.memory_space<semaphore_mem>>) {add = true}
        %dma_wait3A = arith.constant 896 : i32
        %dma_wait3A_147 = arith.constant 0 : i32
        %dma_wait3A_148 = tpu.memref_slice %arg7[%dma_wait3A, %dma_wait3A_147] : memref<1664x16xf32, #tpu.memory_space<vmem>> -> memref<128x16xf32, #tpu.memory_space<vmem>>
        %dma_wait3A_149 = arith.constant 0 : i32
        %dma_wait3A_150 = tpu.memref_slice %arg5[%add3A_117, %dma_wait3A_149] : memref<80x128xi32, #tpu.memory_space<vmem>> -> memref<1x128xi32, #tpu.memory_space<vmem>>
        %dma_wait3A_151 = tpu.memref_squeeze %dma_wait3A_150 : memref<1x128xi32, #tpu.memory_space<vmem>> -> memref<128xi32, #tpu.memory_space<vmem>>
        %dma_wait3A_152 = arith.constant 0 : i32
        %dma_wait3A_153 = arith.constant 0 : i32
        %dma_wait3A_154 = tpu.memref_slice %arg9[%dma_wait3A_152, %dma_wait3A_153] : memref<10240x16xf32, #tpu.memory_space<vmem_shared>> -> memref<10240x16xf32, #tpu.memory_space<vmem_shared>>
        tpu.wait_indirect_dma semaphore(%run_scoped3A_138 : memref<!tpu.dma_semaphore, #tpu.memory_space<semaphore_mem>>) src(%dma_wait3A_148 : memref<128x16xf32, #tpu.memory_space<vmem>>) dst(%dma_wait3A_154 : memref<10240x16xf32, #tpu.memory_space<vmem_shared>>)
        tpu.yield
      }) : () -> ()
      %mul3A_118 = arith.constant 13 : i32
      %mul3A_119 = arith.muli %scan3A_28, %mul3A_118 : i32
      %add3A_120 = arith.constant 8 : i32
      %add3A_121 = arith.addi %mul3A_119, %add3A_120 : i32
      "tpu.region"() ({
        %run_scoped3A_138 = tpu.sem_alloc : memref<!tpu.dma_semaphore, #tpu.memory_space<semaphore_mem>>
        %dma_start3A = arith.constant 1024 : i32
        %dma_start3A_139 = arith.constant 0 : i32
        %dma_start3A_140 = tpu.memref_slice %arg7[%dma_start3A, %dma_start3A_139] : memref<1664x16xf32, #tpu.memory_space<vmem>> -> memref<128x16xf32, #tpu.memory_space<vmem>>
        %dma_start3A_141 = arith.constant 0 : i32
        %dma_start3A_142 = tpu.memref_slice %arg5[%add3A_121, %dma_start3A_141] : memref<80x128xi32, #tpu.memory_space<vmem>> -> memref<1x128xi32, #tpu.memory_space<vmem>>
        %dma_start3A_143 = tpu.memref_squeeze %dma_start3A_142 : memref<1x128xi32, #tpu.memory_space<vmem>> -> memref<128xi32, #tpu.memory_space<vmem>>
        %dma_start3A_144 = arith.constant 0 : i32
        %dma_start3A_145 = arith.constant 0 : i32
        %dma_start3A_146 = tpu.memref_slice %arg9[%dma_start3A_144, %dma_start3A_145] : memref<10240x16xf32, #tpu.memory_space<vmem_shared>> -> memref<10240x16xf32, #tpu.memory_space<vmem_shared>>
        tpu.enqueue_indirect_dma source(%dma_start3A_140 : memref<128x16xf32, #tpu.memory_space<vmem>>) target(%dma_start3A_146 : memref<10240x16xf32, #tpu.memory_space<vmem_shared>>) offsets(%dma_start3A_143 : memref<128xi32, #tpu.memory_space<vmem>>) semaphore(%run_scoped3A_138 : memref<!tpu.dma_semaphore, #tpu.memory_space<semaphore_mem>>) {add = true}
        %dma_wait3A = arith.constant 1024 : i32
        %dma_wait3A_147 = arith.constant 0 : i32
        %dma_wait3A_148 = tpu.memref_slice %arg7[%dma_wait3A, %dma_wait3A_147] : memref<1664x16xf32, #tpu.memory_space<vmem>> -> memref<128x16xf32, #tpu.memory_space<vmem>>
        %dma_wait3A_149 = arith.constant 0 : i32
        %dma_wait3A_150 = tpu.memref_slice %arg5[%add3A_121, %dma_wait3A_149] : memref<80x128xi32, #tpu.memory_space<vmem>> -> memref<1x128xi32, #tpu.memory_space<vmem>>
        %dma_wait3A_151 = tpu.memref_squeeze %dma_wait3A_150 : memref<1x128xi32, #tpu.memory_space<vmem>> -> memref<128xi32, #tpu.memory_space<vmem>>
        %dma_wait3A_152 = arith.constant 0 : i32
        %dma_wait3A_153 = arith.constant 0 : i32
        %dma_wait3A_154 = tpu.memref_slice %arg9[%dma_wait3A_152, %dma_wait3A_153] : memref<10240x16xf32, #tpu.memory_space<vmem_shared>> -> memref<10240x16xf32, #tpu.memory_space<vmem_shared>>
        tpu.wait_indirect_dma semaphore(%run_scoped3A_138 : memref<!tpu.dma_semaphore, #tpu.memory_space<semaphore_mem>>) src(%dma_wait3A_148 : memref<128x16xf32, #tpu.memory_space<vmem>>) dst(%dma_wait3A_154 : memref<10240x16xf32, #tpu.memory_space<vmem_shared>>)
        tpu.yield
      }) : () -> ()
      %mul3A_122 = arith.constant 13 : i32
      %mul3A_123 = arith.muli %scan3A_28, %mul3A_122 : i32
      %add3A_124 = arith.constant 9 : i32
      %add3A_125 = arith.addi %mul3A_123, %add3A_124 : i32
      "tpu.region"() ({
        %run_scoped3A_138 = tpu.sem_alloc : memref<!tpu.dma_semaphore, #tpu.memory_space<semaphore_mem>>
        %dma_start3A = arith.constant 1152 : i32
        %dma_start3A_139 = arith.constant 0 : i32
        %dma_start3A_140 = tpu.memref_slice %arg7[%dma_start3A, %dma_start3A_139] : memref<1664x16xf32, #tpu.memory_space<vmem>> -> memref<128x16xf32, #tpu.memory_space<vmem>>
        %dma_start3A_141 = arith.constant 0 : i32
        %dma_start3A_142 = tpu.memref_slice %arg5[%add3A_125, %dma_start3A_141] : memref<80x128xi32, #tpu.memory_space<vmem>> -> memref<1x128xi32, #tpu.memory_space<vmem>>
        %dma_start3A_143 = tpu.memref_squeeze %dma_start3A_142 : memref<1x128xi32, #tpu.memory_space<vmem>> -> memref<128xi32, #tpu.memory_space<vmem>>
        %dma_start3A_144 = arith.constant 0 : i32
        %dma_start3A_145 = arith.constant 0 : i32
        %dma_start3A_146 = tpu.memref_slice %arg9[%dma_start3A_144, %dma_start3A_145] : memref<10240x16xf32, #tpu.memory_space<vmem_shared>> -> memref<10240x16xf32, #tpu.memory_space<vmem_shared>>
        tpu.enqueue_indirect_dma source(%dma_start3A_140 : memref<128x16xf32, #tpu.memory_space<vmem>>) target(%dma_start3A_146 : memref<10240x16xf32, #tpu.memory_space<vmem_shared>>) offsets(%dma_start3A_143 : memref<128xi32, #tpu.memory_space<vmem>>) semaphore(%run_scoped3A_138 : memref<!tpu.dma_semaphore, #tpu.memory_space<semaphore_mem>>) {add = true}
        %dma_wait3A = arith.constant 1152 : i32
        %dma_wait3A_147 = arith.constant 0 : i32
        %dma_wait3A_148 = tpu.memref_slice %arg7[%dma_wait3A, %dma_wait3A_147] : memref<1664x16xf32, #tpu.memory_space<vmem>> -> memref<128x16xf32, #tpu.memory_space<vmem>>
        %dma_wait3A_149 = arith.constant 0 : i32
        %dma_wait3A_150 = tpu.memref_slice %arg5[%add3A_125, %dma_wait3A_149] : memref<80x128xi32, #tpu.memory_space<vmem>> -> memref<1x128xi32, #tpu.memory_space<vmem>>
        %dma_wait3A_151 = tpu.memref_squeeze %dma_wait3A_150 : memref<1x128xi32, #tpu.memory_space<vmem>> -> memref<128xi32, #tpu.memory_space<vmem>>
        %dma_wait3A_152 = arith.constant 0 : i32
        %dma_wait3A_153 = arith.constant 0 : i32
        %dma_wait3A_154 = tpu.memref_slice %arg9[%dma_wait3A_152, %dma_wait3A_153] : memref<10240x16xf32, #tpu.memory_space<vmem_shared>> -> memref<10240x16xf32, #tpu.memory_space<vmem_shared>>
        tpu.wait_indirect_dma semaphore(%run_scoped3A_138 : memref<!tpu.dma_semaphore, #tpu.memory_space<semaphore_mem>>) src(%dma_wait3A_148 : memref<128x16xf32, #tpu.memory_space<vmem>>) dst(%dma_wait3A_154 : memref<10240x16xf32, #tpu.memory_space<vmem_shared>>)
        tpu.yield
      }) : () -> ()
      %mul3A_126 = arith.constant 13 : i32
      %mul3A_127 = arith.muli %scan3A_28, %mul3A_126 : i32
      %add3A_128 = arith.constant 10 : i32
      %add3A_129 = arith.addi %mul3A_127, %add3A_128 : i32
      "tpu.region"() ({
        %run_scoped3A_138 = tpu.sem_alloc : memref<!tpu.dma_semaphore, #tpu.memory_space<semaphore_mem>>
        %dma_start3A = arith.constant 1280 : i32
        %dma_start3A_139 = arith.constant 0 : i32
        %dma_start3A_140 = tpu.memref_slice %arg7[%dma_start3A, %dma_start3A_139] : memref<1664x16xf32, #tpu.memory_space<vmem>> -> memref<128x16xf32, #tpu.memory_space<vmem>>
        %dma_start3A_141 = arith.constant 0 : i32
        %dma_start3A_142 = tpu.memref_slice %arg5[%add3A_129, %dma_start3A_141] : memref<80x128xi32, #tpu.memory_space<vmem>> -> memref<1x128xi32, #tpu.memory_space<vmem>>
        %dma_start3A_143 = tpu.memref_squeeze %dma_start3A_142 : memref<1x128xi32, #tpu.memory_space<vmem>> -> memref<128xi32, #tpu.memory_space<vmem>>
        %dma_start3A_144 = arith.constant 0 : i32
        %dma_start3A_145 = arith.constant 0 : i32
        %dma_start3A_146 = tpu.memref_slice %arg9[%dma_start3A_144, %dma_start3A_145] : memref<10240x16xf32, #tpu.memory_space<vmem_shared>> -> memref<10240x16xf32, #tpu.memory_space<vmem_shared>>
        tpu.enqueue_indirect_dma source(%dma_start3A_140 : memref<128x16xf32, #tpu.memory_space<vmem>>) target(%dma_start3A_146 : memref<10240x16xf32, #tpu.memory_space<vmem_shared>>) offsets(%dma_start3A_143 : memref<128xi32, #tpu.memory_space<vmem>>) semaphore(%run_scoped3A_138 : memref<!tpu.dma_semaphore, #tpu.memory_space<semaphore_mem>>) {add = true}
        %dma_wait3A = arith.constant 1280 : i32
        %dma_wait3A_147 = arith.constant 0 : i32
        %dma_wait3A_148 = tpu.memref_slice %arg7[%dma_wait3A, %dma_wait3A_147] : memref<1664x16xf32, #tpu.memory_space<vmem>> -> memref<128x16xf32, #tpu.memory_space<vmem>>
        %dma_wait3A_149 = arith.constant 0 : i32
        %dma_wait3A_150 = tpu.memref_slice %arg5[%add3A_129, %dma_wait3A_149] : memref<80x128xi32, #tpu.memory_space<vmem>> -> memref<1x128xi32, #tpu.memory_space<vmem>>
        %dma_wait3A_151 = tpu.memref_squeeze %dma_wait3A_150 : memref<1x128xi32, #tpu.memory_space<vmem>> -> memref<128xi32, #tpu.memory_space<vmem>>
        %dma_wait3A_152 = arith.constant 0 : i32
        %dma_wait3A_153 = arith.constant 0 : i32
        %dma_wait3A_154 = tpu.memref_slice %arg9[%dma_wait3A_152, %dma_wait3A_153] : memref<10240x16xf32, #tpu.memory_space<vmem_shared>> -> memref<10240x16xf32, #tpu.memory_space<vmem_shared>>
        tpu.wait_indirect_dma semaphore(%run_scoped3A_138 : memref<!tpu.dma_semaphore, #tpu.memory_space<semaphore_mem>>) src(%dma_wait3A_148 : memref<128x16xf32, #tpu.memory_space<vmem>>) dst(%dma_wait3A_154 : memref<10240x16xf32, #tpu.memory_space<vmem_shared>>)
        tpu.yield
      }) : () -> ()
      %mul3A_130 = arith.constant 13 : i32
      %mul3A_131 = arith.muli %scan3A_28, %mul3A_130 : i32
      %add3A_132 = arith.constant 11 : i32
      %add3A_133 = arith.addi %mul3A_131, %add3A_132 : i32
      "tpu.region"() ({
        %run_scoped3A_138 = tpu.sem_alloc : memref<!tpu.dma_semaphore, #tpu.memory_space<semaphore_mem>>
        %dma_start3A = arith.constant 1408 : i32
        %dma_start3A_139 = arith.constant 0 : i32
        %dma_start3A_140 = tpu.memref_slice %arg7[%dma_start3A, %dma_start3A_139] : memref<1664x16xf32, #tpu.memory_space<vmem>> -> memref<128x16xf32, #tpu.memory_space<vmem>>
        %dma_start3A_141 = arith.constant 0 : i32
        %dma_start3A_142 = tpu.memref_slice %arg5[%add3A_133, %dma_start3A_141] : memref<80x128xi32, #tpu.memory_space<vmem>> -> memref<1x128xi32, #tpu.memory_space<vmem>>
        %dma_start3A_143 = tpu.memref_squeeze %dma_start3A_142 : memref<1x128xi32, #tpu.memory_space<vmem>> -> memref<128xi32, #tpu.memory_space<vmem>>
        %dma_start3A_144 = arith.constant 0 : i32
        %dma_start3A_145 = arith.constant 0 : i32
        %dma_start3A_146 = tpu.memref_slice %arg9[%dma_start3A_144, %dma_start3A_145] : memref<10240x16xf32, #tpu.memory_space<vmem_shared>> -> memref<10240x16xf32, #tpu.memory_space<vmem_shared>>
        tpu.enqueue_indirect_dma source(%dma_start3A_140 : memref<128x16xf32, #tpu.memory_space<vmem>>) target(%dma_start3A_146 : memref<10240x16xf32, #tpu.memory_space<vmem_shared>>) offsets(%dma_start3A_143 : memref<128xi32, #tpu.memory_space<vmem>>) semaphore(%run_scoped3A_138 : memref<!tpu.dma_semaphore, #tpu.memory_space<semaphore_mem>>) {add = true}
        %dma_wait3A = arith.constant 1408 : i32
        %dma_wait3A_147 = arith.constant 0 : i32
        %dma_wait3A_148 = tpu.memref_slice %arg7[%dma_wait3A, %dma_wait3A_147] : memref<1664x16xf32, #tpu.memory_space<vmem>> -> memref<128x16xf32, #tpu.memory_space<vmem>>
        %dma_wait3A_149 = arith.constant 0 : i32
        %dma_wait3A_150 = tpu.memref_slice %arg5[%add3A_133, %dma_wait3A_149] : memref<80x128xi32, #tpu.memory_space<vmem>> -> memref<1x128xi32, #tpu.memory_space<vmem>>
        %dma_wait3A_151 = tpu.memref_squeeze %dma_wait3A_150 : memref<1x128xi32, #tpu.memory_space<vmem>> -> memref<128xi32, #tpu.memory_space<vmem>>
        %dma_wait3A_152 = arith.constant 0 : i32
        %dma_wait3A_153 = arith.constant 0 : i32
        %dma_wait3A_154 = tpu.memref_slice %arg9[%dma_wait3A_152, %dma_wait3A_153] : memref<10240x16xf32, #tpu.memory_space<vmem_shared>> -> memref<10240x16xf32, #tpu.memory_space<vmem_shared>>
        tpu.wait_indirect_dma semaphore(%run_scoped3A_138 : memref<!tpu.dma_semaphore, #tpu.memory_space<semaphore_mem>>) src(%dma_wait3A_148 : memref<128x16xf32, #tpu.memory_space<vmem>>) dst(%dma_wait3A_154 : memref<10240x16xf32, #tpu.memory_space<vmem_shared>>)
        tpu.yield
      }) : () -> ()
      %mul3A_134 = arith.constant 13 : i32
      %mul3A_135 = arith.muli %scan3A_28, %mul3A_134 : i32
      %add3A_136 = arith.constant 12 : i32
      %add3A_137 = arith.addi %mul3A_135, %add3A_136 : i32
      "tpu.region"() ({
        %run_scoped3A_138 = tpu.sem_alloc : memref<!tpu.dma_semaphore, #tpu.memory_space<semaphore_mem>>
        %dma_start3A = arith.constant 1536 : i32
        %dma_start3A_139 = arith.constant 0 : i32
        %dma_start3A_140 = tpu.memref_slice %arg7[%dma_start3A, %dma_start3A_139] : memref<1664x16xf32, #tpu.memory_space<vmem>> -> memref<128x16xf32, #tpu.memory_space<vmem>>
        %dma_start3A_141 = arith.constant 0 : i32
        %dma_start3A_142 = tpu.memref_slice %arg5[%add3A_137, %dma_start3A_141] : memref<80x128xi32, #tpu.memory_space<vmem>> -> memref<1x128xi32, #tpu.memory_space<vmem>>
        %dma_start3A_143 = tpu.memref_squeeze %dma_start3A_142 : memref<1x128xi32, #tpu.memory_space<vmem>> -> memref<128xi32, #tpu.memory_space<vmem>>
        %dma_start3A_144 = arith.constant 0 : i32
        %dma_start3A_145 = arith.constant 0 : i32
        %dma_start3A_146 = tpu.memref_slice %arg9[%dma_start3A_144, %dma_start3A_145] : memref<10240x16xf32, #tpu.memory_space<vmem_shared>> -> memref<10240x16xf32, #tpu.memory_space<vmem_shared>>
        tpu.enqueue_indirect_dma source(%dma_start3A_140 : memref<128x16xf32, #tpu.memory_space<vmem>>) target(%dma_start3A_146 : memref<10240x16xf32, #tpu.memory_space<vmem_shared>>) offsets(%dma_start3A_143 : memref<128xi32, #tpu.memory_space<vmem>>) semaphore(%run_scoped3A_138 : memref<!tpu.dma_semaphore, #tpu.memory_space<semaphore_mem>>) {add = true}
        %dma_wait3A = arith.constant 1536 : i32
        %dma_wait3A_147 = arith.constant 0 : i32
        %dma_wait3A_148 = tpu.memref_slice %arg7[%dma_wait3A, %dma_wait3A_147] : memref<1664x16xf32, #tpu.memory_space<vmem>> -> memref<128x16xf32, #tpu.memory_space<vmem>>
        %dma_wait3A_149 = arith.constant 0 : i32
        %dma_wait3A_150 = tpu.memref_slice %arg5[%add3A_137, %dma_wait3A_149] : memref<80x128xi32, #tpu.memory_space<vmem>> -> memref<1x128xi32, #tpu.memory_space<vmem>>
        %dma_wait3A_151 = tpu.memref_squeeze %dma_wait3A_150 : memref<1x128xi32, #tpu.memory_space<vmem>> -> memref<128xi32, #tpu.memory_space<vmem>>
        %dma_wait3A_152 = arith.constant 0 : i32
        %dma_wait3A_153 = arith.constant 0 : i32
        %dma_wait3A_154 = tpu.memref_slice %arg9[%dma_wait3A_152, %dma_wait3A_153] : memref<10240x16xf32, #tpu.memory_space<vmem_shared>> -> memref<10240x16xf32, #tpu.memory_space<vmem_shared>>
        tpu.wait_indirect_dma semaphore(%run_scoped3A_138 : memref<!tpu.dma_semaphore, #tpu.memory_space<semaphore_mem>>) src(%dma_wait3A_148 : memref<128x16xf32, #tpu.memory_space<vmem>>) dst(%dma_wait3A_154 : memref<10240x16xf32, #tpu.memory_space<vmem_shared>>)
        tpu.yield
      }) : () -> ()
    }
    %scan3A_17 = arith.constant 6 : i32
    %lt3A_18 = arith.constant 4 : i32
    %lt3A_19 = arith.cmpi slt, %add3A, %lt3A_18 : i32
    %convert_element_type3A_20 = arith.extui %lt3A_19 : i1 to i32
    %cond3A_21 = arith.constant 0 : i32
    %cond3A_22 = arith.cmpi ne, %convert_element_type3A_20, %cond3A_21 : i32
    scf.if %cond3A_22 {
      %add3A_28 = arith.constant 2496 : i32
      %add3A_29 = arith.addi %add3A_28, %add3A : i32
      %run_scoped3A_30 = arith.constant 0 : i32
      %run_scoped3A_31 = arith.constant 0 : i32
      %run_scoped3A_32 = arith.constant 0 : i32
      "tpu.region"() ({
        %run_scoped3A_85 = tpu.sem_alloc : memref<!tpu.dma_semaphore, #tpu.memory_space<semaphore_mem>>
        %dma_start3A = arith.constant 0 : i32
        %dma_start3A_86 = arith.constant 0 : i32
        %dma_start3A_87 = tpu.memref_slice %arg6[%run_scoped3A_32, %dma_start3A, %dma_start3A_86] : memref<16x13x128xf32, #tpu.memory_space<vmem>> -> memref<1x1x128xf32, #tpu.memory_space<vmem>>
        %dma_start3A_88 = tpu.memref_squeeze %dma_start3A_87 : memref<1x1x128xf32, #tpu.memory_space<vmem>> -> memref<1x128xf32, #tpu.memory_space<vmem>>
        %dma_start3A_89 = arith.constant 0 : i32
        %dma_start3A_90 = tpu.memref_slice %arg3[%run_scoped3A_30, %add3A_29, %run_scoped3A_31, %dma_start3A_89] : memref<2x2500x8x128xf32, #tpu.memory_space<hbm>> -> memref<1x1x1x128xf32, #tpu.memory_space<hbm>>
        %dma_start3A_91 = tpu.memref_squeeze %dma_start3A_90 : memref<1x1x1x128xf32, #tpu.memory_space<hbm>> -> memref<1x128xf32, #tpu.memory_space<hbm>>
        %dma_start3A_92 = arith.constant 0 : i32
        %dma_start3A_93 = arith.constant 0 : i32
        %dma_start3A_94 = tpu.memref_slice %arg6[%run_scoped3A_32, %dma_start3A_92, %dma_start3A_93] : memref<16x13x128xf32, #tpu.memory_space<vmem>> -> memref<1x1x128xf32, #tpu.memory_space<vmem>>
        %dma_start3A_95 = tpu.memref_squeeze %dma_start3A_94 : memref<1x1x128xf32, #tpu.memory_space<vmem>> -> memref<1x128xf32, #tpu.memory_space<vmem>>
        %dma_start3A_96 = arith.constant 0 : i32
        %dma_start3A_97 = tpu.memref_slice %arg3[%run_scoped3A_30, %add3A_29, %run_scoped3A_31, %dma_start3A_96] : memref<2x2500x8x128xf32, #tpu.memory_space<hbm>> -> memref<1x1x1x128xf32, #tpu.memory_space<hbm>>
        %dma_start3A_98 = tpu.memref_squeeze %dma_start3A_97 : memref<1x1x1x128xf32, #tpu.memory_space<hbm>> -> memref<1x128xf32, #tpu.memory_space<hbm>>
        tpu.enqueue_dma source(%dma_start3A_98 : memref<1x128xf32, #tpu.memory_space<hbm>>) target(%dma_start3A_95 : memref<1x128xf32, #tpu.memory_space<vmem>>) target_semaphore(%run_scoped3A_85 : memref<!tpu.dma_semaphore, #tpu.memory_space<semaphore_mem>>)
        %dma_wait3A = arith.constant 0 : i32
        %dma_wait3A_99 = arith.constant 0 : i32
        %dma_wait3A_100 = tpu.memref_slice %arg6[%run_scoped3A_32, %dma_wait3A, %dma_wait3A_99] : memref<16x13x128xf32, #tpu.memory_space<vmem>> -> memref<1x1x128xf32, #tpu.memory_space<vmem>>
        %dma_wait3A_101 = tpu.memref_squeeze %dma_wait3A_100 : memref<1x1x128xf32, #tpu.memory_space<vmem>> -> memref<1x128xf32, #tpu.memory_space<vmem>>
        %dma_wait3A_102 = arith.constant 0 : i32
        %dma_wait3A_103 = tpu.memref_slice %arg3[%run_scoped3A_30, %add3A_29, %run_scoped3A_31, %dma_wait3A_102] : memref<2x2500x8x128xf32, #tpu.memory_space<hbm>> -> memref<1x1x1x128xf32, #tpu.memory_space<hbm>>
        %dma_wait3A_104 = tpu.memref_squeeze %dma_wait3A_103 : memref<1x1x1x128xf32, #tpu.memory_space<hbm>> -> memref<1x128xf32, #tpu.memory_space<hbm>>
        %dma_wait3A_105 = arith.constant 0 : i32
        %dma_wait3A_106 = arith.constant 0 : i32
        %dma_wait3A_107 = tpu.memref_slice %arg6[%run_scoped3A_32, %dma_wait3A_105, %dma_wait3A_106] : memref<16x13x128xf32, #tpu.memory_space<vmem>> -> memref<1x1x128xf32, #tpu.memory_space<vmem>>
        %dma_wait3A_108 = tpu.memref_squeeze %dma_wait3A_107 : memref<1x1x128xf32, #tpu.memory_space<vmem>> -> memref<1x128xf32, #tpu.memory_space<vmem>>
        %dma_wait3A_109 = arith.constant 0 : i32
        %dma_wait3A_110 = tpu.memref_slice %arg3[%run_scoped3A_30, %add3A_29, %run_scoped3A_31, %dma_wait3A_109] : memref<2x2500x8x128xf32, #tpu.memory_space<hbm>> -> memref<1x1x1x128xf32, #tpu.memory_space<hbm>>
        %dma_wait3A_111 = tpu.memref_squeeze %dma_wait3A_110 : memref<1x1x1x128xf32, #tpu.memory_space<hbm>> -> memref<1x128xf32, #tpu.memory_space<hbm>>
        tpu.wait_dma2 semaphore(%run_scoped3A_85 : memref<!tpu.dma_semaphore, #tpu.memory_space<semaphore_mem>>) src(%dma_wait3A_111 : memref<1x128xf32, #tpu.memory_space<hbm>>) dst(%dma_wait3A_108 : memref<1x128xf32, #tpu.memory_space<vmem>>)
        tpu.yield
      }) : () -> ()
      %run_scoped3A_33 = arith.constant 0 : i32
      %run_scoped3A_34 = arith.constant 1 : i32
      %run_scoped3A_35 = arith.constant 1 : i32
      "tpu.region"() ({
        %run_scoped3A_85 = tpu.sem_alloc : memref<!tpu.dma_semaphore, #tpu.memory_space<semaphore_mem>>
        %dma_start3A = arith.constant 0 : i32
        %dma_start3A_86 = arith.constant 0 : i32
        %dma_start3A_87 = tpu.memref_slice %arg6[%run_scoped3A_35, %dma_start3A, %dma_start3A_86] : memref<16x13x128xf32, #tpu.memory_space<vmem>> -> memref<1x1x128xf32, #tpu.memory_space<vmem>>
        %dma_start3A_88 = tpu.memref_squeeze %dma_start3A_87 : memref<1x1x128xf32, #tpu.memory_space<vmem>> -> memref<1x128xf32, #tpu.memory_space<vmem>>
        %dma_start3A_89 = arith.constant 0 : i32
        %dma_start3A_90 = tpu.memref_slice %arg3[%run_scoped3A_33, %add3A_29, %run_scoped3A_34, %dma_start3A_89] : memref<2x2500x8x128xf32, #tpu.memory_space<hbm>> -> memref<1x1x1x128xf32, #tpu.memory_space<hbm>>
        %dma_start3A_91 = tpu.memref_squeeze %dma_start3A_90 : memref<1x1x1x128xf32, #tpu.memory_space<hbm>> -> memref<1x128xf32, #tpu.memory_space<hbm>>
        %dma_start3A_92 = arith.constant 0 : i32
        %dma_start3A_93 = arith.constant 0 : i32
        %dma_start3A_94 = tpu.memref_slice %arg6[%run_scoped3A_35, %dma_start3A_92, %dma_start3A_93] : memref<16x13x128xf32, #tpu.memory_space<vmem>> -> memref<1x1x128xf32, #tpu.memory_space<vmem>>
        %dma_start3A_95 = tpu.memref_squeeze %dma_start3A_94 : memref<1x1x128xf32, #tpu.memory_space<vmem>> -> memref<1x128xf32, #tpu.memory_space<vmem>>
        %dma_start3A_96 = arith.constant 0 : i32
        %dma_start3A_97 = tpu.memref_slice %arg3[%run_scoped3A_33, %add3A_29, %run_scoped3A_34, %dma_start3A_96] : memref<2x2500x8x128xf32, #tpu.memory_space<hbm>> -> memref<1x1x1x128xf32, #tpu.memory_space<hbm>>
        %dma_start3A_98 = tpu.memref_squeeze %dma_start3A_97 : memref<1x1x1x128xf32, #tpu.memory_space<hbm>> -> memref<1x128xf32, #tpu.memory_space<hbm>>
        tpu.enqueue_dma source(%dma_start3A_98 : memref<1x128xf32, #tpu.memory_space<hbm>>) target(%dma_start3A_95 : memref<1x128xf32, #tpu.memory_space<vmem>>) target_semaphore(%run_scoped3A_85 : memref<!tpu.dma_semaphore, #tpu.memory_space<semaphore_mem>>)
        %dma_wait3A = arith.constant 0 : i32
        %dma_wait3A_99 = arith.constant 0 : i32
        %dma_wait3A_100 = tpu.memref_slice %arg6[%run_scoped3A_35, %dma_wait3A, %dma_wait3A_99] : memref<16x13x128xf32, #tpu.memory_space<vmem>> -> memref<1x1x128xf32, #tpu.memory_space<vmem>>
        %dma_wait3A_101 = tpu.memref_squeeze %dma_wait3A_100 : memref<1x1x128xf32, #tpu.memory_space<vmem>> -> memref<1x128xf32, #tpu.memory_space<vmem>>
        %dma_wait3A_102 = arith.constant 0 : i32
        %dma_wait3A_103 = tpu.memref_slice %arg3[%run_scoped3A_33, %add3A_29, %run_scoped3A_34, %dma_wait3A_102] : memref<2x2500x8x128xf32, #tpu.memory_space<hbm>> -> memref<1x1x1x128xf32, #tpu.memory_space<hbm>>
        %dma_wait3A_104 = tpu.memref_squeeze %dma_wait3A_103 : memref<1x1x1x128xf32, #tpu.memory_space<hbm>> -> memref<1x128xf32, #tpu.memory_space<hbm>>
        %dma_wait3A_105 = arith.constant 0 : i32
        %dma_wait3A_106 = arith.constant 0 : i32
        %dma_wait3A_107 = tpu.memref_slice %arg6[%run_scoped3A_35, %dma_wait3A_105, %dma_wait3A_106] : memref<16x13x128xf32, #tpu.memory_space<vmem>> -> memref<1x1x128xf32, #tpu.memory_space<vmem>>
        %dma_wait3A_108 = tpu.memref_squeeze %dma_wait3A_107 : memref<1x1x128xf32, #tpu.memory_space<vmem>> -> memref<1x128xf32, #tpu.memory_space<vmem>>
        %dma_wait3A_109 = arith.constant 0 : i32
        %dma_wait3A_110 = tpu.memref_slice %arg3[%run_scoped3A_33, %add3A_29, %run_scoped3A_34, %dma_wait3A_109] : memref<2x2500x8x128xf32, #tpu.memory_space<hbm>> -> memref<1x1x1x128xf32, #tpu.memory_space<hbm>>
        %dma_wait3A_111 = tpu.memref_squeeze %dma_wait3A_110 : memref<1x1x1x128xf32, #tpu.memory_space<hbm>> -> memref<1x128xf32, #tpu.memory_space<hbm>>
        tpu.wait_dma2 semaphore(%run_scoped3A_85 : memref<!tpu.dma_semaphore, #tpu.memory_space<semaphore_mem>>) src(%dma_wait3A_111 : memref<1x128xf32, #tpu.memory_space<hbm>>) dst(%dma_wait3A_108 : memref<1x128xf32, #tpu.memory_space<vmem>>)
        tpu.yield
      }) : () -> ()
      %run_scoped3A_36 = arith.constant 0 : i32
      %run_scoped3A_37 = arith.constant 2 : i32
      %run_scoped3A_38 = arith.constant 2 : i32
      "tpu.region"() ({
        %run_scoped3A_85 = tpu.sem_alloc : memref<!tpu.dma_semaphore, #tpu.memory_space<semaphore_mem>>
        %dma_start3A = arith.constant 0 : i32
        %dma_start3A_86 = arith.constant 0 : i32
        %dma_start3A_87 = tpu.memref_slice %arg6[%run_scoped3A_38, %dma_start3A, %dma_start3A_86] : memref<16x13x128xf32, #tpu.memory_space<vmem>> -> memref<1x1x128xf32, #tpu.memory_space<vmem>>
        %dma_start3A_88 = tpu.memref_squeeze %dma_start3A_87 : memref<1x1x128xf32, #tpu.memory_space<vmem>> -> memref<1x128xf32, #tpu.memory_space<vmem>>
        %dma_start3A_89 = arith.constant 0 : i32
        %dma_start3A_90 = tpu.memref_slice %arg3[%run_scoped3A_36, %add3A_29, %run_scoped3A_37, %dma_start3A_89] : memref<2x2500x8x128xf32, #tpu.memory_space<hbm>> -> memref<1x1x1x128xf32, #tpu.memory_space<hbm>>
        %dma_start3A_91 = tpu.memref_squeeze %dma_start3A_90 : memref<1x1x1x128xf32, #tpu.memory_space<hbm>> -> memref<1x128xf32, #tpu.memory_space<hbm>>
        %dma_start3A_92 = arith.constant 0 : i32
        %dma_start3A_93 = arith.constant 0 : i32
        %dma_start3A_94 = tpu.memref_slice %arg6[%run_scoped3A_38, %dma_start3A_92, %dma_start3A_93] : memref<16x13x128xf32, #tpu.memory_space<vmem>> -> memref<1x1x128xf32, #tpu.memory_space<vmem>>
        %dma_start3A_95 = tpu.memref_squeeze %dma_start3A_94 : memref<1x1x128xf32, #tpu.memory_space<vmem>> -> memref<1x128xf32, #tpu.memory_space<vmem>>
        %dma_start3A_96 = arith.constant 0 : i32
        %dma_start3A_97 = tpu.memref_slice %arg3[%run_scoped3A_36, %add3A_29, %run_scoped3A_37, %dma_start3A_96] : memref<2x2500x8x128xf32, #tpu.memory_space<hbm>> -> memref<1x1x1x128xf32, #tpu.memory_space<hbm>>
        %dma_start3A_98 = tpu.memref_squeeze %dma_start3A_97 : memref<1x1x1x128xf32, #tpu.memory_space<hbm>> -> memref<1x128xf32, #tpu.memory_space<hbm>>
        tpu.enqueue_dma source(%dma_start3A_98 : memref<1x128xf32, #tpu.memory_space<hbm>>) target(%dma_start3A_95 : memref<1x128xf32, #tpu.memory_space<vmem>>) target_semaphore(%run_scoped3A_85 : memref<!tpu.dma_semaphore, #tpu.memory_space<semaphore_mem>>)
        %dma_wait3A = arith.constant 0 : i32
        %dma_wait3A_99 = arith.constant 0 : i32
        %dma_wait3A_100 = tpu.memref_slice %arg6[%run_scoped3A_38, %dma_wait3A, %dma_wait3A_99] : memref<16x13x128xf32, #tpu.memory_space<vmem>> -> memref<1x1x128xf32, #tpu.memory_space<vmem>>
        %dma_wait3A_101 = tpu.memref_squeeze %dma_wait3A_100 : memref<1x1x128xf32, #tpu.memory_space<vmem>> -> memref<1x128xf32, #tpu.memory_space<vmem>>
        %dma_wait3A_102 = arith.constant 0 : i32
        %dma_wait3A_103 = tpu.memref_slice %arg3[%run_scoped3A_36, %add3A_29, %run_scoped3A_37, %dma_wait3A_102] : memref<2x2500x8x128xf32, #tpu.memory_space<hbm>> -> memref<1x1x1x128xf32, #tpu.memory_space<hbm>>
        %dma_wait3A_104 = tpu.memref_squeeze %dma_wait3A_103 : memref<1x1x1x128xf32, #tpu.memory_space<hbm>> -> memref<1x128xf32, #tpu.memory_space<hbm>>
        %dma_wait3A_105 = arith.constant 0 : i32
        %dma_wait3A_106 = arith.constant 0 : i32
        %dma_wait3A_107 = tpu.memref_slice %arg6[%run_scoped3A_38, %dma_wait3A_105, %dma_wait3A_106] : memref<16x13x128xf32, #tpu.memory_space<vmem>> -> memref<1x1x128xf32, #tpu.memory_space<vmem>>
        %dma_wait3A_108 = tpu.memref_squeeze %dma_wait3A_107 : memref<1x1x128xf32, #tpu.memory_space<vmem>> -> memref<1x128xf32, #tpu.memory_space<vmem>>
        %dma_wait3A_109 = arith.constant 0 : i32
        %dma_wait3A_110 = tpu.memref_slice %arg3[%run_scoped3A_36, %add3A_29, %run_scoped3A_37, %dma_wait3A_109] : memref<2x2500x8x128xf32, #tpu.memory_space<hbm>> -> memref<1x1x1x128xf32, #tpu.memory_space<hbm>>
        %dma_wait3A_111 = tpu.memref_squeeze %dma_wait3A_110 : memref<1x1x1x128xf32, #tpu.memory_space<hbm>> -> memref<1x128xf32, #tpu.memory_space<hbm>>
        tpu.wait_dma2 semaphore(%run_scoped3A_85 : memref<!tpu.dma_semaphore, #tpu.memory_space<semaphore_mem>>) src(%dma_wait3A_111 : memref<1x128xf32, #tpu.memory_space<hbm>>) dst(%dma_wait3A_108 : memref<1x128xf32, #tpu.memory_space<vmem>>)
        tpu.yield
      }) : () -> ()
      %run_scoped3A_39 = arith.constant 0 : i32
      %run_scoped3A_40 = arith.constant 3 : i32
      %run_scoped3A_41 = arith.constant 3 : i32
      "tpu.region"() ({
        %run_scoped3A_85 = tpu.sem_alloc : memref<!tpu.dma_semaphore, #tpu.memory_space<semaphore_mem>>
        %dma_start3A = arith.constant 0 : i32
        %dma_start3A_86 = arith.constant 0 : i32
        %dma_start3A_87 = tpu.memref_slice %arg6[%run_scoped3A_41, %dma_start3A, %dma_start3A_86] : memref<16x13x128xf32, #tpu.memory_space<vmem>> -> memref<1x1x128xf32, #tpu.memory_space<vmem>>
        %dma_start3A_88 = tpu.memref_squeeze %dma_start3A_87 : memref<1x1x128xf32, #tpu.memory_space<vmem>> -> memref<1x128xf32, #tpu.memory_space<vmem>>
        %dma_start3A_89 = arith.constant 0 : i32
        %dma_start3A_90 = tpu.memref_slice %arg3[%run_scoped3A_39, %add3A_29, %run_scoped3A_40, %dma_start3A_89] : memref<2x2500x8x128xf32, #tpu.memory_space<hbm>> -> memref<1x1x1x128xf32, #tpu.memory_space<hbm>>
        %dma_start3A_91 = tpu.memref_squeeze %dma_start3A_90 : memref<1x1x1x128xf32, #tpu.memory_space<hbm>> -> memref<1x128xf32, #tpu.memory_space<hbm>>
        %dma_start3A_92 = arith.constant 0 : i32
        %dma_start3A_93 = arith.constant 0 : i32
        %dma_start3A_94 = tpu.memref_slice %arg6[%run_scoped3A_41, %dma_start3A_92, %dma_start3A_93] : memref<16x13x128xf32, #tpu.memory_space<vmem>> -> memref<1x1x128xf32, #tpu.memory_space<vmem>>
        %dma_start3A_95 = tpu.memref_squeeze %dma_start3A_94 : memref<1x1x128xf32, #tpu.memory_space<vmem>> -> memref<1x128xf32, #tpu.memory_space<vmem>>
        %dma_start3A_96 = arith.constant 0 : i32
        %dma_start3A_97 = tpu.memref_slice %arg3[%run_scoped3A_39, %add3A_29, %run_scoped3A_40, %dma_start3A_96] : memref<2x2500x8x128xf32, #tpu.memory_space<hbm>> -> memref<1x1x1x128xf32, #tpu.memory_space<hbm>>
        %dma_start3A_98 = tpu.memref_squeeze %dma_start3A_97 : memref<1x1x1x128xf32, #tpu.memory_space<hbm>> -> memref<1x128xf32, #tpu.memory_space<hbm>>
        tpu.enqueue_dma source(%dma_start3A_98 : memref<1x128xf32, #tpu.memory_space<hbm>>) target(%dma_start3A_95 : memref<1x128xf32, #tpu.memory_space<vmem>>) target_semaphore(%run_scoped3A_85 : memref<!tpu.dma_semaphore, #tpu.memory_space<semaphore_mem>>)
        %dma_wait3A = arith.constant 0 : i32
        %dma_wait3A_99 = arith.constant 0 : i32
        %dma_wait3A_100 = tpu.memref_slice %arg6[%run_scoped3A_41, %dma_wait3A, %dma_wait3A_99] : memref<16x13x128xf32, #tpu.memory_space<vmem>> -> memref<1x1x128xf32, #tpu.memory_space<vmem>>
        %dma_wait3A_101 = tpu.memref_squeeze %dma_wait3A_100 : memref<1x1x128xf32, #tpu.memory_space<vmem>> -> memref<1x128xf32, #tpu.memory_space<vmem>>
        %dma_wait3A_102 = arith.constant 0 : i32
        %dma_wait3A_103 = tpu.memref_slice %arg3[%run_scoped3A_39, %add3A_29, %run_scoped3A_40, %dma_wait3A_102] : memref<2x2500x8x128xf32, #tpu.memory_space<hbm>> -> memref<1x1x1x128xf32, #tpu.memory_space<hbm>>
        %dma_wait3A_104 = tpu.memref_squeeze %dma_wait3A_103 : memref<1x1x1x128xf32, #tpu.memory_space<hbm>> -> memref<1x128xf32, #tpu.memory_space<hbm>>
        %dma_wait3A_105 = arith.constant 0 : i32
        %dma_wait3A_106 = arith.constant 0 : i32
        %dma_wait3A_107 = tpu.memref_slice %arg6[%run_scoped3A_41, %dma_wait3A_105, %dma_wait3A_106] : memref<16x13x128xf32, #tpu.memory_space<vmem>> -> memref<1x1x128xf32, #tpu.memory_space<vmem>>
        %dma_wait3A_108 = tpu.memref_squeeze %dma_wait3A_107 : memref<1x1x128xf32, #tpu.memory_space<vmem>> -> memref<1x128xf32, #tpu.memory_space<vmem>>
        %dma_wait3A_109 = arith.constant 0 : i32
        %dma_wait3A_110 = tpu.memref_slice %arg3[%run_scoped3A_39, %add3A_29, %run_scoped3A_40, %dma_wait3A_109] : memref<2x2500x8x128xf32, #tpu.memory_space<hbm>> -> memref<1x1x1x128xf32, #tpu.memory_space<hbm>>
        %dma_wait3A_111 = tpu.memref_squeeze %dma_wait3A_110 : memref<1x1x1x128xf32, #tpu.memory_space<hbm>> -> memref<1x128xf32, #tpu.memory_space<hbm>>
        tpu.wait_dma2 semaphore(%run_scoped3A_85 : memref<!tpu.dma_semaphore, #tpu.memory_space<semaphore_mem>>) src(%dma_wait3A_111 : memref<1x128xf32, #tpu.memory_space<hbm>>) dst(%dma_wait3A_108 : memref<1x128xf32, #tpu.memory_space<vmem>>)
        tpu.yield
      }) : () -> ()
      %run_scoped3A_42 = arith.constant 0 : i32
      %run_scoped3A_43 = arith.constant 4 : i32
      %run_scoped3A_44 = arith.constant 4 : i32
      "tpu.region"() ({
        %run_scoped3A_85 = tpu.sem_alloc : memref<!tpu.dma_semaphore, #tpu.memory_space<semaphore_mem>>
        %dma_start3A = arith.constant 0 : i32
        %dma_start3A_86 = arith.constant 0 : i32
        %dma_start3A_87 = tpu.memref_slice %arg6[%run_scoped3A_44, %dma_start3A, %dma_start3A_86] : memref<16x13x128xf32, #tpu.memory_space<vmem>> -> memref<1x1x128xf32, #tpu.memory_space<vmem>>
        %dma_start3A_88 = tpu.memref_squeeze %dma_start3A_87 : memref<1x1x128xf32, #tpu.memory_space<vmem>> -> memref<1x128xf32, #tpu.memory_space<vmem>>
        %dma_start3A_89 = arith.constant 0 : i32
        %dma_start3A_90 = tpu.memref_slice %arg3[%run_scoped3A_42, %add3A_29, %run_scoped3A_43, %dma_start3A_89] : memref<2x2500x8x128xf32, #tpu.memory_space<hbm>> -> memref<1x1x1x128xf32, #tpu.memory_space<hbm>>
        %dma_start3A_91 = tpu.memref_squeeze %dma_start3A_90 : memref<1x1x1x128xf32, #tpu.memory_space<hbm>> -> memref<1x128xf32, #tpu.memory_space<hbm>>
        %dma_start3A_92 = arith.constant 0 : i32
        %dma_start3A_93 = arith.constant 0 : i32
        %dma_start3A_94 = tpu.memref_slice %arg6[%run_scoped3A_44, %dma_start3A_92, %dma_start3A_93] : memref<16x13x128xf32, #tpu.memory_space<vmem>> -> memref<1x1x128xf32, #tpu.memory_space<vmem>>
        %dma_start3A_95 = tpu.memref_squeeze %dma_start3A_94 : memref<1x1x128xf32, #tpu.memory_space<vmem>> -> memref<1x128xf32, #tpu.memory_space<vmem>>
        %dma_start3A_96 = arith.constant 0 : i32
        %dma_start3A_97 = tpu.memref_slice %arg3[%run_scoped3A_42, %add3A_29, %run_scoped3A_43, %dma_start3A_96] : memref<2x2500x8x128xf32, #tpu.memory_space<hbm>> -> memref<1x1x1x128xf32, #tpu.memory_space<hbm>>
        %dma_start3A_98 = tpu.memref_squeeze %dma_start3A_97 : memref<1x1x1x128xf32, #tpu.memory_space<hbm>> -> memref<1x128xf32, #tpu.memory_space<hbm>>
        tpu.enqueue_dma source(%dma_start3A_98 : memref<1x128xf32, #tpu.memory_space<hbm>>) target(%dma_start3A_95 : memref<1x128xf32, #tpu.memory_space<vmem>>) target_semaphore(%run_scoped3A_85 : memref<!tpu.dma_semaphore, #tpu.memory_space<semaphore_mem>>)
        %dma_wait3A = arith.constant 0 : i32
        %dma_wait3A_99 = arith.constant 0 : i32
        %dma_wait3A_100 = tpu.memref_slice %arg6[%run_scoped3A_44, %dma_wait3A, %dma_wait3A_99] : memref<16x13x128xf32, #tpu.memory_space<vmem>> -> memref<1x1x128xf32, #tpu.memory_space<vmem>>
        %dma_wait3A_101 = tpu.memref_squeeze %dma_wait3A_100 : memref<1x1x128xf32, #tpu.memory_space<vmem>> -> memref<1x128xf32, #tpu.memory_space<vmem>>
        %dma_wait3A_102 = arith.constant 0 : i32
        %dma_wait3A_103 = tpu.memref_slice %arg3[%run_scoped3A_42, %add3A_29, %run_scoped3A_43, %dma_wait3A_102] : memref<2x2500x8x128xf32, #tpu.memory_space<hbm>> -> memref<1x1x1x128xf32, #tpu.memory_space<hbm>>
        %dma_wait3A_104 = tpu.memref_squeeze %dma_wait3A_103 : memref<1x1x1x128xf32, #tpu.memory_space<hbm>> -> memref<1x128xf32, #tpu.memory_space<hbm>>
        %dma_wait3A_105 = arith.constant 0 : i32
        %dma_wait3A_106 = arith.constant 0 : i32
        %dma_wait3A_107 = tpu.memref_slice %arg6[%run_scoped3A_44, %dma_wait3A_105, %dma_wait3A_106] : memref<16x13x128xf32, #tpu.memory_space<vmem>> -> memref<1x1x128xf32, #tpu.memory_space<vmem>>
        %dma_wait3A_108 = tpu.memref_squeeze %dma_wait3A_107 : memref<1x1x128xf32, #tpu.memory_space<vmem>> -> memref<1x128xf32, #tpu.memory_space<vmem>>
        %dma_wait3A_109 = arith.constant 0 : i32
        %dma_wait3A_110 = tpu.memref_slice %arg3[%run_scoped3A_42, %add3A_29, %run_scoped3A_43, %dma_wait3A_109] : memref<2x2500x8x128xf32, #tpu.memory_space<hbm>> -> memref<1x1x1x128xf32, #tpu.memory_space<hbm>>
        %dma_wait3A_111 = tpu.memref_squeeze %dma_wait3A_110 : memref<1x1x1x128xf32, #tpu.memory_space<hbm>> -> memref<1x128xf32, #tpu.memory_space<hbm>>
        tpu.wait_dma2 semaphore(%run_scoped3A_85 : memref<!tpu.dma_semaphore, #tpu.memory_space<semaphore_mem>>) src(%dma_wait3A_111 : memref<1x128xf32, #tpu.memory_space<hbm>>) dst(%dma_wait3A_108 : memref<1x128xf32, #tpu.memory_space<vmem>>)
        tpu.yield
      }) : () -> ()
      %run_scoped3A_45 = arith.constant 0 : i32
      %run_scoped3A_46 = arith.constant 5 : i32
      %run_scoped3A_47 = arith.constant 5 : i32
      "tpu.region"() ({
        %run_scoped3A_85 = tpu.sem_alloc : memref<!tpu.dma_semaphore, #tpu.memory_space<semaphore_mem>>
        %dma_start3A = arith.constant 0 : i32
        %dma_start3A_86 = arith.constant 0 : i32
        %dma_start3A_87 = tpu.memref_slice %arg6[%run_scoped3A_47, %dma_start3A, %dma_start3A_86] : memref<16x13x128xf32, #tpu.memory_space<vmem>> -> memref<1x1x128xf32, #tpu.memory_space<vmem>>
        %dma_start3A_88 = tpu.memref_squeeze %dma_start3A_87 : memref<1x1x128xf32, #tpu.memory_space<vmem>> -> memref<1x128xf32, #tpu.memory_space<vmem>>
        %dma_start3A_89 = arith.constant 0 : i32
        %dma_start3A_90 = tpu.memref_slice %arg3[%run_scoped3A_45, %add3A_29, %run_scoped3A_46, %dma_start3A_89] : memref<2x2500x8x128xf32, #tpu.memory_space<hbm>> -> memref<1x1x1x128xf32, #tpu.memory_space<hbm>>
        %dma_start3A_91 = tpu.memref_squeeze %dma_start3A_90 : memref<1x1x1x128xf32, #tpu.memory_space<hbm>> -> memref<1x128xf32, #tpu.memory_space<hbm>>
        %dma_start3A_92 = arith.constant 0 : i32
        %dma_start3A_93 = arith.constant 0 : i32
        %dma_start3A_94 = tpu.memref_slice %arg6[%run_scoped3A_47, %dma_start3A_92, %dma_start3A_93] : memref<16x13x128xf32, #tpu.memory_space<vmem>> -> memref<1x1x128xf32, #tpu.memory_space<vmem>>
        %dma_start3A_95 = tpu.memref_squeeze %dma_start3A_94 : memref<1x1x128xf32, #tpu.memory_space<vmem>> -> memref<1x128xf32, #tpu.memory_space<vmem>>
        %dma_start3A_96 = arith.constant 0 : i32
        %dma_start3A_97 = tpu.memref_slice %arg3[%run_scoped3A_45, %add3A_29, %run_scoped3A_46, %dma_start3A_96] : memref<2x2500x8x128xf32, #tpu.memory_space<hbm>> -> memref<1x1x1x128xf32, #tpu.memory_space<hbm>>
        %dma_start3A_98 = tpu.memref_squeeze %dma_start3A_97 : memref<1x1x1x128xf32, #tpu.memory_space<hbm>> -> memref<1x128xf32, #tpu.memory_space<hbm>>
        tpu.enqueue_dma source(%dma_start3A_98 : memref<1x128xf32, #tpu.memory_space<hbm>>) target(%dma_start3A_95 : memref<1x128xf32, #tpu.memory_space<vmem>>) target_semaphore(%run_scoped3A_85 : memref<!tpu.dma_semaphore, #tpu.memory_space<semaphore_mem>>)
        %dma_wait3A = arith.constant 0 : i32
        %dma_wait3A_99 = arith.constant 0 : i32
        %dma_wait3A_100 = tpu.memref_slice %arg6[%run_scoped3A_47, %dma_wait3A, %dma_wait3A_99] : memref<16x13x128xf32, #tpu.memory_space<vmem>> -> memref<1x1x128xf32, #tpu.memory_space<vmem>>
        %dma_wait3A_101 = tpu.memref_squeeze %dma_wait3A_100 : memref<1x1x128xf32, #tpu.memory_space<vmem>> -> memref<1x128xf32, #tpu.memory_space<vmem>>
        %dma_wait3A_102 = arith.constant 0 : i32
        %dma_wait3A_103 = tpu.memref_slice %arg3[%run_scoped3A_45, %add3A_29, %run_scoped3A_46, %dma_wait3A_102] : memref<2x2500x8x128xf32, #tpu.memory_space<hbm>> -> memref<1x1x1x128xf32, #tpu.memory_space<hbm>>
        %dma_wait3A_104 = tpu.memref_squeeze %dma_wait3A_103 : memref<1x1x1x128xf32, #tpu.memory_space<hbm>> -> memref<1x128xf32, #tpu.memory_space<hbm>>
        %dma_wait3A_105 = arith.constant 0 : i32
        %dma_wait3A_106 = arith.constant 0 : i32
        %dma_wait3A_107 = tpu.memref_slice %arg6[%run_scoped3A_47, %dma_wait3A_105, %dma_wait3A_106] : memref<16x13x128xf32, #tpu.memory_space<vmem>> -> memref<1x1x128xf32, #tpu.memory_space<vmem>>
        %dma_wait3A_108 = tpu.memref_squeeze %dma_wait3A_107 : memref<1x1x128xf32, #tpu.memory_space<vmem>> -> memref<1x128xf32, #tpu.memory_space<vmem>>
        %dma_wait3A_109 = arith.constant 0 : i32
        %dma_wait3A_110 = tpu.memref_slice %arg3[%run_scoped3A_45, %add3A_29, %run_scoped3A_46, %dma_wait3A_109] : memref<2x2500x8x128xf32, #tpu.memory_space<hbm>> -> memref<1x1x1x128xf32, #tpu.memory_space<hbm>>
        %dma_wait3A_111 = tpu.memref_squeeze %dma_wait3A_110 : memref<1x1x1x128xf32, #tpu.memory_space<hbm>> -> memref<1x128xf32, #tpu.memory_space<hbm>>
        tpu.wait_dma2 semaphore(%run_scoped3A_85 : memref<!tpu.dma_semaphore, #tpu.memory_space<semaphore_mem>>) src(%dma_wait3A_111 : memref<1x128xf32, #tpu.memory_space<hbm>>) dst(%dma_wait3A_108 : memref<1x128xf32, #tpu.memory_space<vmem>>)
        tpu.yield
      }) : () -> ()
      %run_scoped3A_48 = arith.constant 0 : i32
      %run_scoped3A_49 = arith.constant 6 : i32
      %run_scoped3A_50 = arith.constant 6 : i32
      "tpu.region"() ({
        %run_scoped3A_85 = tpu.sem_alloc : memref<!tpu.dma_semaphore, #tpu.memory_space<semaphore_mem>>
        %dma_start3A = arith.constant 0 : i32
        %dma_start3A_86 = arith.constant 0 : i32
        %dma_start3A_87 = tpu.memref_slice %arg6[%run_scoped3A_50, %dma_start3A, %dma_start3A_86] : memref<16x13x128xf32, #tpu.memory_space<vmem>> -> memref<1x1x128xf32, #tpu.memory_space<vmem>>
        %dma_start3A_88 = tpu.memref_squeeze %dma_start3A_87 : memref<1x1x128xf32, #tpu.memory_space<vmem>> -> memref<1x128xf32, #tpu.memory_space<vmem>>
        %dma_start3A_89 = arith.constant 0 : i32
        %dma_start3A_90 = tpu.memref_slice %arg3[%run_scoped3A_48, %add3A_29, %run_scoped3A_49, %dma_start3A_89] : memref<2x2500x8x128xf32, #tpu.memory_space<hbm>> -> memref<1x1x1x128xf32, #tpu.memory_space<hbm>>
        %dma_start3A_91 = tpu.memref_squeeze %dma_start3A_90 : memref<1x1x1x128xf32, #tpu.memory_space<hbm>> -> memref<1x128xf32, #tpu.memory_space<hbm>>
        %dma_start3A_92 = arith.constant 0 : i32
        %dma_start3A_93 = arith.constant 0 : i32
        %dma_start3A_94 = tpu.memref_slice %arg6[%run_scoped3A_50, %dma_start3A_92, %dma_start3A_93] : memref<16x13x128xf32, #tpu.memory_space<vmem>> -> memref<1x1x128xf32, #tpu.memory_space<vmem>>
        %dma_start3A_95 = tpu.memref_squeeze %dma_start3A_94 : memref<1x1x128xf32, #tpu.memory_space<vmem>> -> memref<1x128xf32, #tpu.memory_space<vmem>>
        %dma_start3A_96 = arith.constant 0 : i32
        %dma_start3A_97 = tpu.memref_slice %arg3[%run_scoped3A_48, %add3A_29, %run_scoped3A_49, %dma_start3A_96] : memref<2x2500x8x128xf32, #tpu.memory_space<hbm>> -> memref<1x1x1x128xf32, #tpu.memory_space<hbm>>
        %dma_start3A_98 = tpu.memref_squeeze %dma_start3A_97 : memref<1x1x1x128xf32, #tpu.memory_space<hbm>> -> memref<1x128xf32, #tpu.memory_space<hbm>>
        tpu.enqueue_dma source(%dma_start3A_98 : memref<1x128xf32, #tpu.memory_space<hbm>>) target(%dma_start3A_95 : memref<1x128xf32, #tpu.memory_space<vmem>>) target_semaphore(%run_scoped3A_85 : memref<!tpu.dma_semaphore, #tpu.memory_space<semaphore_mem>>)
        %dma_wait3A = arith.constant 0 : i32
        %dma_wait3A_99 = arith.constant 0 : i32
        %dma_wait3A_100 = tpu.memref_slice %arg6[%run_scoped3A_50, %dma_wait3A, %dma_wait3A_99] : memref<16x13x128xf32, #tpu.memory_space<vmem>> -> memref<1x1x128xf32, #tpu.memory_space<vmem>>
        %dma_wait3A_101 = tpu.memref_squeeze %dma_wait3A_100 : memref<1x1x128xf32, #tpu.memory_space<vmem>> -> memref<1x128xf32, #tpu.memory_space<vmem>>
        %dma_wait3A_102 = arith.constant 0 : i32
        %dma_wait3A_103 = tpu.memref_slice %arg3[%run_scoped3A_48, %add3A_29, %run_scoped3A_49, %dma_wait3A_102] : memref<2x2500x8x128xf32, #tpu.memory_space<hbm>> -> memref<1x1x1x128xf32, #tpu.memory_space<hbm>>
        %dma_wait3A_104 = tpu.memref_squeeze %dma_wait3A_103 : memref<1x1x1x128xf32, #tpu.memory_space<hbm>> -> memref<1x128xf32, #tpu.memory_space<hbm>>
        %dma_wait3A_105 = arith.constant 0 : i32
        %dma_wait3A_106 = arith.constant 0 : i32
        %dma_wait3A_107 = tpu.memref_slice %arg6[%run_scoped3A_50, %dma_wait3A_105, %dma_wait3A_106] : memref<16x13x128xf32, #tpu.memory_space<vmem>> -> memref<1x1x128xf32, #tpu.memory_space<vmem>>
        %dma_wait3A_108 = tpu.memref_squeeze %dma_wait3A_107 : memref<1x1x128xf32, #tpu.memory_space<vmem>> -> memref<1x128xf32, #tpu.memory_space<vmem>>
        %dma_wait3A_109 = arith.constant 0 : i32
        %dma_wait3A_110 = tpu.memref_slice %arg3[%run_scoped3A_48, %add3A_29, %run_scoped3A_49, %dma_wait3A_109] : memref<2x2500x8x128xf32, #tpu.memory_space<hbm>> -> memref<1x1x1x128xf32, #tpu.memory_space<hbm>>
        %dma_wait3A_111 = tpu.memref_squeeze %dma_wait3A_110 : memref<1x1x1x128xf32, #tpu.memory_space<hbm>> -> memref<1x128xf32, #tpu.memory_space<hbm>>
        tpu.wait_dma2 semaphore(%run_scoped3A_85 : memref<!tpu.dma_semaphore, #tpu.memory_space<semaphore_mem>>) src(%dma_wait3A_111 : memref<1x128xf32, #tpu.memory_space<hbm>>) dst(%dma_wait3A_108 : memref<1x128xf32, #tpu.memory_space<vmem>>)
        tpu.yield
      }) : () -> ()
      %run_scoped3A_51 = arith.constant 0 : i32
      %run_scoped3A_52 = arith.constant 7 : i32
      %run_scoped3A_53 = arith.constant 7 : i32
      "tpu.region"() ({
        %run_scoped3A_85 = tpu.sem_alloc : memref<!tpu.dma_semaphore, #tpu.memory_space<semaphore_mem>>
        %dma_start3A = arith.constant 0 : i32
        %dma_start3A_86 = arith.constant 0 : i32
        %dma_start3A_87 = tpu.memref_slice %arg6[%run_scoped3A_53, %dma_start3A, %dma_start3A_86] : memref<16x13x128xf32, #tpu.memory_space<vmem>> -> memref<1x1x128xf32, #tpu.memory_space<vmem>>
        %dma_start3A_88 = tpu.memref_squeeze %dma_start3A_87 : memref<1x1x128xf32, #tpu.memory_space<vmem>> -> memref<1x128xf32, #tpu.memory_space<vmem>>
        %dma_start3A_89 = arith.constant 0 : i32
        %dma_start3A_90 = tpu.memref_slice %arg3[%run_scoped3A_51, %add3A_29, %run_scoped3A_52, %dma_start3A_89] : memref<2x2500x8x128xf32, #tpu.memory_space<hbm>> -> memref<1x1x1x128xf32, #tpu.memory_space<hbm>>
        %dma_start3A_91 = tpu.memref_squeeze %dma_start3A_90 : memref<1x1x1x128xf32, #tpu.memory_space<hbm>> -> memref<1x128xf32, #tpu.memory_space<hbm>>
        %dma_start3A_92 = arith.constant 0 : i32
        %dma_start3A_93 = arith.constant 0 : i32
        %dma_start3A_94 = tpu.memref_slice %arg6[%run_scoped3A_53, %dma_start3A_92, %dma_start3A_93] : memref<16x13x128xf32, #tpu.memory_space<vmem>> -> memref<1x1x128xf32, #tpu.memory_space<vmem>>
        %dma_start3A_95 = tpu.memref_squeeze %dma_start3A_94 : memref<1x1x128xf32, #tpu.memory_space<vmem>> -> memref<1x128xf32, #tpu.memory_space<vmem>>
        %dma_start3A_96 = arith.constant 0 : i32
        %dma_start3A_97 = tpu.memref_slice %arg3[%run_scoped3A_51, %add3A_29, %run_scoped3A_52, %dma_start3A_96] : memref<2x2500x8x128xf32, #tpu.memory_space<hbm>> -> memref<1x1x1x128xf32, #tpu.memory_space<hbm>>
        %dma_start3A_98 = tpu.memref_squeeze %dma_start3A_97 : memref<1x1x1x128xf32, #tpu.memory_space<hbm>> -> memref<1x128xf32, #tpu.memory_space<hbm>>
        tpu.enqueue_dma source(%dma_start3A_98 : memref<1x128xf32, #tpu.memory_space<hbm>>) target(%dma_start3A_95 : memref<1x128xf32, #tpu.memory_space<vmem>>) target_semaphore(%run_scoped3A_85 : memref<!tpu.dma_semaphore, #tpu.memory_space<semaphore_mem>>)
        %dma_wait3A = arith.constant 0 : i32
        %dma_wait3A_99 = arith.constant 0 : i32
        %dma_wait3A_100 = tpu.memref_slice %arg6[%run_scoped3A_53, %dma_wait3A, %dma_wait3A_99] : memref<16x13x128xf32, #tpu.memory_space<vmem>> -> memref<1x1x128xf32, #tpu.memory_space<vmem>>
        %dma_wait3A_101 = tpu.memref_squeeze %dma_wait3A_100 : memref<1x1x128xf32, #tpu.memory_space<vmem>> -> memref<1x128xf32, #tpu.memory_space<vmem>>
        %dma_wait3A_102 = arith.constant 0 : i32
        %dma_wait3A_103 = tpu.memref_slice %arg3[%run_scoped3A_51, %add3A_29, %run_scoped3A_52, %dma_wait3A_102] : memref<2x2500x8x128xf32, #tpu.memory_space<hbm>> -> memref<1x1x1x128xf32, #tpu.memory_space<hbm>>
        %dma_wait3A_104 = tpu.memref_squeeze %dma_wait3A_103 : memref<1x1x1x128xf32, #tpu.memory_space<hbm>> -> memref<1x128xf32, #tpu.memory_space<hbm>>
        %dma_wait3A_105 = arith.constant 0 : i32
        %dma_wait3A_106 = arith.constant 0 : i32
        %dma_wait3A_107 = tpu.memref_slice %arg6[%run_scoped3A_53, %dma_wait3A_105, %dma_wait3A_106] : memref<16x13x128xf32, #tpu.memory_space<vmem>> -> memref<1x1x128xf32, #tpu.memory_space<vmem>>
        %dma_wait3A_108 = tpu.memref_squeeze %dma_wait3A_107 : memref<1x1x128xf32, #tpu.memory_space<vmem>> -> memref<1x128xf32, #tpu.memory_space<vmem>>
        %dma_wait3A_109 = arith.constant 0 : i32
        %dma_wait3A_110 = tpu.memref_slice %arg3[%run_scoped3A_51, %add3A_29, %run_scoped3A_52, %dma_wait3A_109] : memref<2x2500x8x128xf32, #tpu.memory_space<hbm>> -> memref<1x1x1x128xf32, #tpu.memory_space<hbm>>
        %dma_wait3A_111 = tpu.memref_squeeze %dma_wait3A_110 : memref<1x1x1x128xf32, #tpu.memory_space<hbm>> -> memref<1x128xf32, #tpu.memory_space<hbm>>
        tpu.wait_dma2 semaphore(%run_scoped3A_85 : memref<!tpu.dma_semaphore, #tpu.memory_space<semaphore_mem>>) src(%dma_wait3A_111 : memref<1x128xf32, #tpu.memory_space<hbm>>) dst(%dma_wait3A_108 : memref<1x128xf32, #tpu.memory_space<vmem>>)
        tpu.yield
      }) : () -> ()
      %run_scoped3A_54 = arith.constant 1 : i32
      %run_scoped3A_55 = arith.constant 0 : i32
      %run_scoped3A_56 = arith.constant 8 : i32
      "tpu.region"() ({
        %run_scoped3A_85 = tpu.sem_alloc : memref<!tpu.dma_semaphore, #tpu.memory_space<semaphore_mem>>
        %dma_start3A = arith.constant 0 : i32
        %dma_start3A_86 = arith.constant 0 : i32
        %dma_start3A_87 = tpu.memref_slice %arg6[%run_scoped3A_56, %dma_start3A, %dma_start3A_86] : memref<16x13x128xf32, #tpu.memory_space<vmem>> -> memref<1x1x128xf32, #tpu.memory_space<vmem>>
        %dma_start3A_88 = tpu.memref_squeeze %dma_start3A_87 : memref<1x1x128xf32, #tpu.memory_space<vmem>> -> memref<1x128xf32, #tpu.memory_space<vmem>>
        %dma_start3A_89 = arith.constant 0 : i32
        %dma_start3A_90 = tpu.memref_slice %arg3[%run_scoped3A_54, %add3A_29, %run_scoped3A_55, %dma_start3A_89] : memref<2x2500x8x128xf32, #tpu.memory_space<hbm>> -> memref<1x1x1x128xf32, #tpu.memory_space<hbm>>
        %dma_start3A_91 = tpu.memref_squeeze %dma_start3A_90 : memref<1x1x1x128xf32, #tpu.memory_space<hbm>> -> memref<1x128xf32, #tpu.memory_space<hbm>>
        %dma_start3A_92 = arith.constant 0 : i32
        %dma_start3A_93 = arith.constant 0 : i32
        %dma_start3A_94 = tpu.memref_slice %arg6[%run_scoped3A_56, %dma_start3A_92, %dma_start3A_93] : memref<16x13x128xf32, #tpu.memory_space<vmem>> -> memref<1x1x128xf32, #tpu.memory_space<vmem>>
        %dma_start3A_95 = tpu.memref_squeeze %dma_start3A_94 : memref<1x1x128xf32, #tpu.memory_space<vmem>> -> memref<1x128xf32, #tpu.memory_space<vmem>>
        %dma_start3A_96 = arith.constant 0 : i32
        %dma_start3A_97 = tpu.memref_slice %arg3[%run_scoped3A_54, %add3A_29, %run_scoped3A_55, %dma_start3A_96] : memref<2x2500x8x128xf32, #tpu.memory_space<hbm>> -> memref<1x1x1x128xf32, #tpu.memory_space<hbm>>
        %dma_start3A_98 = tpu.memref_squeeze %dma_start3A_97 : memref<1x1x1x128xf32, #tpu.memory_space<hbm>> -> memref<1x128xf32, #tpu.memory_space<hbm>>
        tpu.enqueue_dma source(%dma_start3A_98 : memref<1x128xf32, #tpu.memory_space<hbm>>) target(%dma_start3A_95 : memref<1x128xf32, #tpu.memory_space<vmem>>) target_semaphore(%run_scoped3A_85 : memref<!tpu.dma_semaphore, #tpu.memory_space<semaphore_mem>>)
        %dma_wait3A = arith.constant 0 : i32
        %dma_wait3A_99 = arith.constant 0 : i32
        %dma_wait3A_100 = tpu.memref_slice %arg6[%run_scoped3A_56, %dma_wait3A, %dma_wait3A_99] : memref<16x13x128xf32, #tpu.memory_space<vmem>> -> memref<1x1x128xf32, #tpu.memory_space<vmem>>
        %dma_wait3A_101 = tpu.memref_squeeze %dma_wait3A_100 : memref<1x1x128xf32, #tpu.memory_space<vmem>> -> memref<1x128xf32, #tpu.memory_space<vmem>>
        %dma_wait3A_102 = arith.constant 0 : i32
        %dma_wait3A_103 = tpu.memref_slice %arg3[%run_scoped3A_54, %add3A_29, %run_scoped3A_55, %dma_wait3A_102] : memref<2x2500x8x128xf32, #tpu.memory_space<hbm>> -> memref<1x1x1x128xf32, #tpu.memory_space<hbm>>
        %dma_wait3A_104 = tpu.memref_squeeze %dma_wait3A_103 : memref<1x1x1x128xf32, #tpu.memory_space<hbm>> -> memref<1x128xf32, #tpu.memory_space<hbm>>
        %dma_wait3A_105 = arith.constant 0 : i32
        %dma_wait3A_106 = arith.constant 0 : i32
        %dma_wait3A_107 = tpu.memref_slice %arg6[%run_scoped3A_56, %dma_wait3A_105, %dma_wait3A_106] : memref<16x13x128xf32, #tpu.memory_space<vmem>> -> memref<1x1x128xf32, #tpu.memory_space<vmem>>
        %dma_wait3A_108 = tpu.memref_squeeze %dma_wait3A_107 : memref<1x1x128xf32, #tpu.memory_space<vmem>> -> memref<1x128xf32, #tpu.memory_space<vmem>>
        %dma_wait3A_109 = arith.constant 0 : i32
        %dma_wait3A_110 = tpu.memref_slice %arg3[%run_scoped3A_54, %add3A_29, %run_scoped3A_55, %dma_wait3A_109] : memref<2x2500x8x128xf32, #tpu.memory_space<hbm>> -> memref<1x1x1x128xf32, #tpu.memory_space<hbm>>
        %dma_wait3A_111 = tpu.memref_squeeze %dma_wait3A_110 : memref<1x1x1x128xf32, #tpu.memory_space<hbm>> -> memref<1x128xf32, #tpu.memory_space<hbm>>
        tpu.wait_dma2 semaphore(%run_scoped3A_85 : memref<!tpu.dma_semaphore, #tpu.memory_space<semaphore_mem>>) src(%dma_wait3A_111 : memref<1x128xf32, #tpu.memory_space<hbm>>) dst(%dma_wait3A_108 : memref<1x128xf32, #tpu.memory_space<vmem>>)
        tpu.yield
      }) : () -> ()
      %run_scoped3A_57 = arith.constant 1 : i32
      %run_scoped3A_58 = arith.constant 1 : i32
      %run_scoped3A_59 = arith.constant 9 : i32
      "tpu.region"() ({
        %run_scoped3A_85 = tpu.sem_alloc : memref<!tpu.dma_semaphore, #tpu.memory_space<semaphore_mem>>
        %dma_start3A = arith.constant 0 : i32
        %dma_start3A_86 = arith.constant 0 : i32
        %dma_start3A_87 = tpu.memref_slice %arg6[%run_scoped3A_59, %dma_start3A, %dma_start3A_86] : memref<16x13x128xf32, #tpu.memory_space<vmem>> -> memref<1x1x128xf32, #tpu.memory_space<vmem>>
        %dma_start3A_88 = tpu.memref_squeeze %dma_start3A_87 : memref<1x1x128xf32, #tpu.memory_space<vmem>> -> memref<1x128xf32, #tpu.memory_space<vmem>>
        %dma_start3A_89 = arith.constant 0 : i32
        %dma_start3A_90 = tpu.memref_slice %arg3[%run_scoped3A_57, %add3A_29, %run_scoped3A_58, %dma_start3A_89] : memref<2x2500x8x128xf32, #tpu.memory_space<hbm>> -> memref<1x1x1x128xf32, #tpu.memory_space<hbm>>
        %dma_start3A_91 = tpu.memref_squeeze %dma_start3A_90 : memref<1x1x1x128xf32, #tpu.memory_space<hbm>> -> memref<1x128xf32, #tpu.memory_space<hbm>>
        %dma_start3A_92 = arith.constant 0 : i32
        %dma_start3A_93 = arith.constant 0 : i32
        %dma_start3A_94 = tpu.memref_slice %arg6[%run_scoped3A_59, %dma_start3A_92, %dma_start3A_93] : memref<16x13x128xf32, #tpu.memory_space<vmem>> -> memref<1x1x128xf32, #tpu.memory_space<vmem>>
        %dma_start3A_95 = tpu.memref_squeeze %dma_start3A_94 : memref<1x1x128xf32, #tpu.memory_space<vmem>> -> memref<1x128xf32, #tpu.memory_space<vmem>>
        %dma_start3A_96 = arith.constant 0 : i32
        %dma_start3A_97 = tpu.memref_slice %arg3[%run_scoped3A_57, %add3A_29, %run_scoped3A_58, %dma_start3A_96] : memref<2x2500x8x128xf32, #tpu.memory_space<hbm>> -> memref<1x1x1x128xf32, #tpu.memory_space<hbm>>
        %dma_start3A_98 = tpu.memref_squeeze %dma_start3A_97 : memref<1x1x1x128xf32, #tpu.memory_space<hbm>> -> memref<1x128xf32, #tpu.memory_space<hbm>>
        tpu.enqueue_dma source(%dma_start3A_98 : memref<1x128xf32, #tpu.memory_space<hbm>>) target(%dma_start3A_95 : memref<1x128xf32, #tpu.memory_space<vmem>>) target_semaphore(%run_scoped3A_85 : memref<!tpu.dma_semaphore, #tpu.memory_space<semaphore_mem>>)
        %dma_wait3A = arith.constant 0 : i32
        %dma_wait3A_99 = arith.constant 0 : i32
        %dma_wait3A_100 = tpu.memref_slice %arg6[%run_scoped3A_59, %dma_wait3A, %dma_wait3A_99] : memref<16x13x128xf32, #tpu.memory_space<vmem>> -> memref<1x1x128xf32, #tpu.memory_space<vmem>>
        %dma_wait3A_101 = tpu.memref_squeeze %dma_wait3A_100 : memref<1x1x128xf32, #tpu.memory_space<vmem>> -> memref<1x128xf32, #tpu.memory_space<vmem>>
        %dma_wait3A_102 = arith.constant 0 : i32
        %dma_wait3A_103 = tpu.memref_slice %arg3[%run_scoped3A_57, %add3A_29, %run_scoped3A_58, %dma_wait3A_102] : memref<2x2500x8x128xf32, #tpu.memory_space<hbm>> -> memref<1x1x1x128xf32, #tpu.memory_space<hbm>>
        %dma_wait3A_104 = tpu.memref_squeeze %dma_wait3A_103 : memref<1x1x1x128xf32, #tpu.memory_space<hbm>> -> memref<1x128xf32, #tpu.memory_space<hbm>>
        %dma_wait3A_105 = arith.constant 0 : i32
        %dma_wait3A_106 = arith.constant 0 : i32
        %dma_wait3A_107 = tpu.memref_slice %arg6[%run_scoped3A_59, %dma_wait3A_105, %dma_wait3A_106] : memref<16x13x128xf32, #tpu.memory_space<vmem>> -> memref<1x1x128xf32, #tpu.memory_space<vmem>>
        %dma_wait3A_108 = tpu.memref_squeeze %dma_wait3A_107 : memref<1x1x128xf32, #tpu.memory_space<vmem>> -> memref<1x128xf32, #tpu.memory_space<vmem>>
        %dma_wait3A_109 = arith.constant 0 : i32
        %dma_wait3A_110 = tpu.memref_slice %arg3[%run_scoped3A_57, %add3A_29, %run_scoped3A_58, %dma_wait3A_109] : memref<2x2500x8x128xf32, #tpu.memory_space<hbm>> -> memref<1x1x1x128xf32, #tpu.memory_space<hbm>>
        %dma_wait3A_111 = tpu.memref_squeeze %dma_wait3A_110 : memref<1x1x1x128xf32, #tpu.memory_space<hbm>> -> memref<1x128xf32, #tpu.memory_space<hbm>>
        tpu.wait_dma2 semaphore(%run_scoped3A_85 : memref<!tpu.dma_semaphore, #tpu.memory_space<semaphore_mem>>) src(%dma_wait3A_111 : memref<1x128xf32, #tpu.memory_space<hbm>>) dst(%dma_wait3A_108 : memref<1x128xf32, #tpu.memory_space<vmem>>)
        tpu.yield
      }) : () -> ()
      %run_scoped3A_60 = arith.constant 1 : i32
      %run_scoped3A_61 = arith.constant 2 : i32
      %run_scoped3A_62 = arith.constant 10 : i32
      "tpu.region"() ({
        %run_scoped3A_85 = tpu.sem_alloc : memref<!tpu.dma_semaphore, #tpu.memory_space<semaphore_mem>>
        %dma_start3A = arith.constant 0 : i32
        %dma_start3A_86 = arith.constant 0 : i32
        %dma_start3A_87 = tpu.memref_slice %arg6[%run_scoped3A_62, %dma_start3A, %dma_start3A_86] : memref<16x13x128xf32, #tpu.memory_space<vmem>> -> memref<1x1x128xf32, #tpu.memory_space<vmem>>
        %dma_start3A_88 = tpu.memref_squeeze %dma_start3A_87 : memref<1x1x128xf32, #tpu.memory_space<vmem>> -> memref<1x128xf32, #tpu.memory_space<vmem>>
        %dma_start3A_89 = arith.constant 0 : i32
        %dma_start3A_90 = tpu.memref_slice %arg3[%run_scoped3A_60, %add3A_29, %run_scoped3A_61, %dma_start3A_89] : memref<2x2500x8x128xf32, #tpu.memory_space<hbm>> -> memref<1x1x1x128xf32, #tpu.memory_space<hbm>>
        %dma_start3A_91 = tpu.memref_squeeze %dma_start3A_90 : memref<1x1x1x128xf32, #tpu.memory_space<hbm>> -> memref<1x128xf32, #tpu.memory_space<hbm>>
        %dma_start3A_92 = arith.constant 0 : i32
        %dma_start3A_93 = arith.constant 0 : i32
        %dma_start3A_94 = tpu.memref_slice %arg6[%run_scoped3A_62, %dma_start3A_92, %dma_start3A_93] : memref<16x13x128xf32, #tpu.memory_space<vmem>> -> memref<1x1x128xf32, #tpu.memory_space<vmem>>
        %dma_start3A_95 = tpu.memref_squeeze %dma_start3A_94 : memref<1x1x128xf32, #tpu.memory_space<vmem>> -> memref<1x128xf32, #tpu.memory_space<vmem>>
        %dma_start3A_96 = arith.constant 0 : i32
        %dma_start3A_97 = tpu.memref_slice %arg3[%run_scoped3A_60, %add3A_29, %run_scoped3A_61, %dma_start3A_96] : memref<2x2500x8x128xf32, #tpu.memory_space<hbm>> -> memref<1x1x1x128xf32, #tpu.memory_space<hbm>>
        %dma_start3A_98 = tpu.memref_squeeze %dma_start3A_97 : memref<1x1x1x128xf32, #tpu.memory_space<hbm>> -> memref<1x128xf32, #tpu.memory_space<hbm>>
        tpu.enqueue_dma source(%dma_start3A_98 : memref<1x128xf32, #tpu.memory_space<hbm>>) target(%dma_start3A_95 : memref<1x128xf32, #tpu.memory_space<vmem>>) target_semaphore(%run_scoped3A_85 : memref<!tpu.dma_semaphore, #tpu.memory_space<semaphore_mem>>)
        %dma_wait3A = arith.constant 0 : i32
        %dma_wait3A_99 = arith.constant 0 : i32
        %dma_wait3A_100 = tpu.memref_slice %arg6[%run_scoped3A_62, %dma_wait3A, %dma_wait3A_99] : memref<16x13x128xf32, #tpu.memory_space<vmem>> -> memref<1x1x128xf32, #tpu.memory_space<vmem>>
        %dma_wait3A_101 = tpu.memref_squeeze %dma_wait3A_100 : memref<1x1x128xf32, #tpu.memory_space<vmem>> -> memref<1x128xf32, #tpu.memory_space<vmem>>
        %dma_wait3A_102 = arith.constant 0 : i32
        %dma_wait3A_103 = tpu.memref_slice %arg3[%run_scoped3A_60, %add3A_29, %run_scoped3A_61, %dma_wait3A_102] : memref<2x2500x8x128xf32, #tpu.memory_space<hbm>> -> memref<1x1x1x128xf32, #tpu.memory_space<hbm>>
        %dma_wait3A_104 = tpu.memref_squeeze %dma_wait3A_103 : memref<1x1x1x128xf32, #tpu.memory_space<hbm>> -> memref<1x128xf32, #tpu.memory_space<hbm>>
        %dma_wait3A_105 = arith.constant 0 : i32
        %dma_wait3A_106 = arith.constant 0 : i32
        %dma_wait3A_107 = tpu.memref_slice %arg6[%run_scoped3A_62, %dma_wait3A_105, %dma_wait3A_106] : memref<16x13x128xf32, #tpu.memory_space<vmem>> -> memref<1x1x128xf32, #tpu.memory_space<vmem>>
        %dma_wait3A_108 = tpu.memref_squeeze %dma_wait3A_107 : memref<1x1x128xf32, #tpu.memory_space<vmem>> -> memref<1x128xf32, #tpu.memory_space<vmem>>
        %dma_wait3A_109 = arith.constant 0 : i32
        %dma_wait3A_110 = tpu.memref_slice %arg3[%run_scoped3A_60, %add3A_29, %run_scoped3A_61, %dma_wait3A_109] : memref<2x2500x8x128xf32, #tpu.memory_space<hbm>> -> memref<1x1x1x128xf32, #tpu.memory_space<hbm>>
        %dma_wait3A_111 = tpu.memref_squeeze %dma_wait3A_110 : memref<1x1x1x128xf32, #tpu.memory_space<hbm>> -> memref<1x128xf32, #tpu.memory_space<hbm>>
        tpu.wait_dma2 semaphore(%run_scoped3A_85 : memref<!tpu.dma_semaphore, #tpu.memory_space<semaphore_mem>>) src(%dma_wait3A_111 : memref<1x128xf32, #tpu.memory_space<hbm>>) dst(%dma_wait3A_108 : memref<1x128xf32, #tpu.memory_space<vmem>>)
        tpu.yield
      }) : () -> ()
      %run_scoped3A_63 = arith.constant 1 : i32
      %run_scoped3A_64 = arith.constant 3 : i32
      %run_scoped3A_65 = arith.constant 11 : i32
      "tpu.region"() ({
        %run_scoped3A_85 = tpu.sem_alloc : memref<!tpu.dma_semaphore, #tpu.memory_space<semaphore_mem>>
        %dma_start3A = arith.constant 0 : i32
        %dma_start3A_86 = arith.constant 0 : i32
        %dma_start3A_87 = tpu.memref_slice %arg6[%run_scoped3A_65, %dma_start3A, %dma_start3A_86] : memref<16x13x128xf32, #tpu.memory_space<vmem>> -> memref<1x1x128xf32, #tpu.memory_space<vmem>>
        %dma_start3A_88 = tpu.memref_squeeze %dma_start3A_87 : memref<1x1x128xf32, #tpu.memory_space<vmem>> -> memref<1x128xf32, #tpu.memory_space<vmem>>
        %dma_start3A_89 = arith.constant 0 : i32
        %dma_start3A_90 = tpu.memref_slice %arg3[%run_scoped3A_63, %add3A_29, %run_scoped3A_64, %dma_start3A_89] : memref<2x2500x8x128xf32, #tpu.memory_space<hbm>> -> memref<1x1x1x128xf32, #tpu.memory_space<hbm>>
        %dma_start3A_91 = tpu.memref_squeeze %dma_start3A_90 : memref<1x1x1x128xf32, #tpu.memory_space<hbm>> -> memref<1x128xf32, #tpu.memory_space<hbm>>
        %dma_start3A_92 = arith.constant 0 : i32
        %dma_start3A_93 = arith.constant 0 : i32
        %dma_start3A_94 = tpu.memref_slice %arg6[%run_scoped3A_65, %dma_start3A_92, %dma_start3A_93] : memref<16x13x128xf32, #tpu.memory_space<vmem>> -> memref<1x1x128xf32, #tpu.memory_space<vmem>>
        %dma_start3A_95 = tpu.memref_squeeze %dma_start3A_94 : memref<1x1x128xf32, #tpu.memory_space<vmem>> -> memref<1x128xf32, #tpu.memory_space<vmem>>
        %dma_start3A_96 = arith.constant 0 : i32
        %dma_start3A_97 = tpu.memref_slice %arg3[%run_scoped3A_63, %add3A_29, %run_scoped3A_64, %dma_start3A_96] : memref<2x2500x8x128xf32, #tpu.memory_space<hbm>> -> memref<1x1x1x128xf32, #tpu.memory_space<hbm>>
        %dma_start3A_98 = tpu.memref_squeeze %dma_start3A_97 : memref<1x1x1x128xf32, #tpu.memory_space<hbm>> -> memref<1x128xf32, #tpu.memory_space<hbm>>
        tpu.enqueue_dma source(%dma_start3A_98 : memref<1x128xf32, #tpu.memory_space<hbm>>) target(%dma_start3A_95 : memref<1x128xf32, #tpu.memory_space<vmem>>) target_semaphore(%run_scoped3A_85 : memref<!tpu.dma_semaphore, #tpu.memory_space<semaphore_mem>>)
        %dma_wait3A = arith.constant 0 : i32
        %dma_wait3A_99 = arith.constant 0 : i32
        %dma_wait3A_100 = tpu.memref_slice %arg6[%run_scoped3A_65, %dma_wait3A, %dma_wait3A_99] : memref<16x13x128xf32, #tpu.memory_space<vmem>> -> memref<1x1x128xf32, #tpu.memory_space<vmem>>
        %dma_wait3A_101 = tpu.memref_squeeze %dma_wait3A_100 : memref<1x1x128xf32, #tpu.memory_space<vmem>> -> memref<1x128xf32, #tpu.memory_space<vmem>>
        %dma_wait3A_102 = arith.constant 0 : i32
        %dma_wait3A_103 = tpu.memref_slice %arg3[%run_scoped3A_63, %add3A_29, %run_scoped3A_64, %dma_wait3A_102] : memref<2x2500x8x128xf32, #tpu.memory_space<hbm>> -> memref<1x1x1x128xf32, #tpu.memory_space<hbm>>
        %dma_wait3A_104 = tpu.memref_squeeze %dma_wait3A_103 : memref<1x1x1x128xf32, #tpu.memory_space<hbm>> -> memref<1x128xf32, #tpu.memory_space<hbm>>
        %dma_wait3A_105 = arith.constant 0 : i32
        %dma_wait3A_106 = arith.constant 0 : i32
        %dma_wait3A_107 = tpu.memref_slice %arg6[%run_scoped3A_65, %dma_wait3A_105, %dma_wait3A_106] : memref<16x13x128xf32, #tpu.memory_space<vmem>> -> memref<1x1x128xf32, #tpu.memory_space<vmem>>
        %dma_wait3A_108 = tpu.memref_squeeze %dma_wait3A_107 : memref<1x1x128xf32, #tpu.memory_space<vmem>> -> memref<1x128xf32, #tpu.memory_space<vmem>>
        %dma_wait3A_109 = arith.constant 0 : i32
        %dma_wait3A_110 = tpu.memref_slice %arg3[%run_scoped3A_63, %add3A_29, %run_scoped3A_64, %dma_wait3A_109] : memref<2x2500x8x128xf32, #tpu.memory_space<hbm>> -> memref<1x1x1x128xf32, #tpu.memory_space<hbm>>
        %dma_wait3A_111 = tpu.memref_squeeze %dma_wait3A_110 : memref<1x1x1x128xf32, #tpu.memory_space<hbm>> -> memref<1x128xf32, #tpu.memory_space<hbm>>
        tpu.wait_dma2 semaphore(%run_scoped3A_85 : memref<!tpu.dma_semaphore, #tpu.memory_space<semaphore_mem>>) src(%dma_wait3A_111 : memref<1x128xf32, #tpu.memory_space<hbm>>) dst(%dma_wait3A_108 : memref<1x128xf32, #tpu.memory_space<vmem>>)
        tpu.yield
      }) : () -> ()
      %run_scoped3A_66 = arith.constant 1 : i32
      %run_scoped3A_67 = arith.constant 4 : i32
      %run_scoped3A_68 = arith.constant 12 : i32
      "tpu.region"() ({
        %run_scoped3A_85 = tpu.sem_alloc : memref<!tpu.dma_semaphore, #tpu.memory_space<semaphore_mem>>
        %dma_start3A = arith.constant 0 : i32
        %dma_start3A_86 = arith.constant 0 : i32
        %dma_start3A_87 = tpu.memref_slice %arg6[%run_scoped3A_68, %dma_start3A, %dma_start3A_86] : memref<16x13x128xf32, #tpu.memory_space<vmem>> -> memref<1x1x128xf32, #tpu.memory_space<vmem>>
        %dma_start3A_88 = tpu.memref_squeeze %dma_start3A_87 : memref<1x1x128xf32, #tpu.memory_space<vmem>> -> memref<1x128xf32, #tpu.memory_space<vmem>>
        %dma_start3A_89 = arith.constant 0 : i32
        %dma_start3A_90 = tpu.memref_slice %arg3[%run_scoped3A_66, %add3A_29, %run_scoped3A_67, %dma_start3A_89] : memref<2x2500x8x128xf32, #tpu.memory_space<hbm>> -> memref<1x1x1x128xf32, #tpu.memory_space<hbm>>
        %dma_start3A_91 = tpu.memref_squeeze %dma_start3A_90 : memref<1x1x1x128xf32, #tpu.memory_space<hbm>> -> memref<1x128xf32, #tpu.memory_space<hbm>>
        %dma_start3A_92 = arith.constant 0 : i32
        %dma_start3A_93 = arith.constant 0 : i32
        %dma_start3A_94 = tpu.memref_slice %arg6[%run_scoped3A_68, %dma_start3A_92, %dma_start3A_93] : memref<16x13x128xf32, #tpu.memory_space<vmem>> -> memref<1x1x128xf32, #tpu.memory_space<vmem>>
        %dma_start3A_95 = tpu.memref_squeeze %dma_start3A_94 : memref<1x1x128xf32, #tpu.memory_space<vmem>> -> memref<1x128xf32, #tpu.memory_space<vmem>>
        %dma_start3A_96 = arith.constant 0 : i32
        %dma_start3A_97 = tpu.memref_slice %arg3[%run_scoped3A_66, %add3A_29, %run_scoped3A_67, %dma_start3A_96] : memref<2x2500x8x128xf32, #tpu.memory_space<hbm>> -> memref<1x1x1x128xf32, #tpu.memory_space<hbm>>
        %dma_start3A_98 = tpu.memref_squeeze %dma_start3A_97 : memref<1x1x1x128xf32, #tpu.memory_space<hbm>> -> memref<1x128xf32, #tpu.memory_space<hbm>>
        tpu.enqueue_dma source(%dma_start3A_98 : memref<1x128xf32, #tpu.memory_space<hbm>>) target(%dma_start3A_95 : memref<1x128xf32, #tpu.memory_space<vmem>>) target_semaphore(%run_scoped3A_85 : memref<!tpu.dma_semaphore, #tpu.memory_space<semaphore_mem>>)
        %dma_wait3A = arith.constant 0 : i32
        %dma_wait3A_99 = arith.constant 0 : i32
        %dma_wait3A_100 = tpu.memref_slice %arg6[%run_scoped3A_68, %dma_wait3A, %dma_wait3A_99] : memref<16x13x128xf32, #tpu.memory_space<vmem>> -> memref<1x1x128xf32, #tpu.memory_space<vmem>>
        %dma_wait3A_101 = tpu.memref_squeeze %dma_wait3A_100 : memref<1x1x128xf32, #tpu.memory_space<vmem>> -> memref<1x128xf32, #tpu.memory_space<vmem>>
        %dma_wait3A_102 = arith.constant 0 : i32
        %dma_wait3A_103 = tpu.memref_slice %arg3[%run_scoped3A_66, %add3A_29, %run_scoped3A_67, %dma_wait3A_102] : memref<2x2500x8x128xf32, #tpu.memory_space<hbm>> -> memref<1x1x1x128xf32, #tpu.memory_space<hbm>>
        %dma_wait3A_104 = tpu.memref_squeeze %dma_wait3A_103 : memref<1x1x1x128xf32, #tpu.memory_space<hbm>> -> memref<1x128xf32, #tpu.memory_space<hbm>>
        %dma_wait3A_105 = arith.constant 0 : i32
        %dma_wait3A_106 = arith.constant 0 : i32
        %dma_wait3A_107 = tpu.memref_slice %arg6[%run_scoped3A_68, %dma_wait3A_105, %dma_wait3A_106] : memref<16x13x128xf32, #tpu.memory_space<vmem>> -> memref<1x1x128xf32, #tpu.memory_space<vmem>>
        %dma_wait3A_108 = tpu.memref_squeeze %dma_wait3A_107 : memref<1x1x128xf32, #tpu.memory_space<vmem>> -> memref<1x128xf32, #tpu.memory_space<vmem>>
        %dma_wait3A_109 = arith.constant 0 : i32
        %dma_wait3A_110 = tpu.memref_slice %arg3[%run_scoped3A_66, %add3A_29, %run_scoped3A_67, %dma_wait3A_109] : memref<2x2500x8x128xf32, #tpu.memory_space<hbm>> -> memref<1x1x1x128xf32, #tpu.memory_space<hbm>>
        %dma_wait3A_111 = tpu.memref_squeeze %dma_wait3A_110 : memref<1x1x1x128xf32, #tpu.memory_space<hbm>> -> memref<1x128xf32, #tpu.memory_space<hbm>>
        tpu.wait_dma2 semaphore(%run_scoped3A_85 : memref<!tpu.dma_semaphore, #tpu.memory_space<semaphore_mem>>) src(%dma_wait3A_111 : memref<1x128xf32, #tpu.memory_space<hbm>>) dst(%dma_wait3A_108 : memref<1x128xf32, #tpu.memory_space<vmem>>)
        tpu.yield
      }) : () -> ()
      %run_scoped3A_69 = arith.constant 1 : i32
      %run_scoped3A_70 = arith.constant 5 : i32
      %run_scoped3A_71 = arith.constant 13 : i32
      "tpu.region"() ({
        %run_scoped3A_85 = tpu.sem_alloc : memref<!tpu.dma_semaphore, #tpu.memory_space<semaphore_mem>>
        %dma_start3A = arith.constant 0 : i32
        %dma_start3A_86 = arith.constant 0 : i32
        %dma_start3A_87 = tpu.memref_slice %arg6[%run_scoped3A_71, %dma_start3A, %dma_start3A_86] : memref<16x13x128xf32, #tpu.memory_space<vmem>> -> memref<1x1x128xf32, #tpu.memory_space<vmem>>
        %dma_start3A_88 = tpu.memref_squeeze %dma_start3A_87 : memref<1x1x128xf32, #tpu.memory_space<vmem>> -> memref<1x128xf32, #tpu.memory_space<vmem>>
        %dma_start3A_89 = arith.constant 0 : i32
        %dma_start3A_90 = tpu.memref_slice %arg3[%run_scoped3A_69, %add3A_29, %run_scoped3A_70, %dma_start3A_89] : memref<2x2500x8x128xf32, #tpu.memory_space<hbm>> -> memref<1x1x1x128xf32, #tpu.memory_space<hbm>>
        %dma_start3A_91 = tpu.memref_squeeze %dma_start3A_90 : memref<1x1x1x128xf32, #tpu.memory_space<hbm>> -> memref<1x128xf32, #tpu.memory_space<hbm>>
        %dma_start3A_92 = arith.constant 0 : i32
        %dma_start3A_93 = arith.constant 0 : i32
        %dma_start3A_94 = tpu.memref_slice %arg6[%run_scoped3A_71, %dma_start3A_92, %dma_start3A_93] : memref<16x13x128xf32, #tpu.memory_space<vmem>> -> memref<1x1x128xf32, #tpu.memory_space<vmem>>
        %dma_start3A_95 = tpu.memref_squeeze %dma_start3A_94 : memref<1x1x128xf32, #tpu.memory_space<vmem>> -> memref<1x128xf32, #tpu.memory_space<vmem>>
        %dma_start3A_96 = arith.constant 0 : i32
        %dma_start3A_97 = tpu.memref_slice %arg3[%run_scoped3A_69, %add3A_29, %run_scoped3A_70, %dma_start3A_96] : memref<2x2500x8x128xf32, #tpu.memory_space<hbm>> -> memref<1x1x1x128xf32, #tpu.memory_space<hbm>>
        %dma_start3A_98 = tpu.memref_squeeze %dma_start3A_97 : memref<1x1x1x128xf32, #tpu.memory_space<hbm>> -> memref<1x128xf32, #tpu.memory_space<hbm>>
        tpu.enqueue_dma source(%dma_start3A_98 : memref<1x128xf32, #tpu.memory_space<hbm>>) target(%dma_start3A_95 : memref<1x128xf32, #tpu.memory_space<vmem>>) target_semaphore(%run_scoped3A_85 : memref<!tpu.dma_semaphore, #tpu.memory_space<semaphore_mem>>)
        %dma_wait3A = arith.constant 0 : i32
        %dma_wait3A_99 = arith.constant 0 : i32
        %dma_wait3A_100 = tpu.memref_slice %arg6[%run_scoped3A_71, %dma_wait3A, %dma_wait3A_99] : memref<16x13x128xf32, #tpu.memory_space<vmem>> -> memref<1x1x128xf32, #tpu.memory_space<vmem>>
        %dma_wait3A_101 = tpu.memref_squeeze %dma_wait3A_100 : memref<1x1x128xf32, #tpu.memory_space<vmem>> -> memref<1x128xf32, #tpu.memory_space<vmem>>
        %dma_wait3A_102 = arith.constant 0 : i32
        %dma_wait3A_103 = tpu.memref_slice %arg3[%run_scoped3A_69, %add3A_29, %run_scoped3A_70, %dma_wait3A_102] : memref<2x2500x8x128xf32, #tpu.memory_space<hbm>> -> memref<1x1x1x128xf32, #tpu.memory_space<hbm>>
        %dma_wait3A_104 = tpu.memref_squeeze %dma_wait3A_103 : memref<1x1x1x128xf32, #tpu.memory_space<hbm>> -> memref<1x128xf32, #tpu.memory_space<hbm>>
        %dma_wait3A_105 = arith.constant 0 : i32
        %dma_wait3A_106 = arith.constant 0 : i32
        %dma_wait3A_107 = tpu.memref_slice %arg6[%run_scoped3A_71, %dma_wait3A_105, %dma_wait3A_106] : memref<16x13x128xf32, #tpu.memory_space<vmem>> -> memref<1x1x128xf32, #tpu.memory_space<vmem>>
        %dma_wait3A_108 = tpu.memref_squeeze %dma_wait3A_107 : memref<1x1x128xf32, #tpu.memory_space<vmem>> -> memref<1x128xf32, #tpu.memory_space<vmem>>
        %dma_wait3A_109 = arith.constant 0 : i32
        %dma_wait3A_110 = tpu.memref_slice %arg3[%run_scoped3A_69, %add3A_29, %run_scoped3A_70, %dma_wait3A_109] : memref<2x2500x8x128xf32, #tpu.memory_space<hbm>> -> memref<1x1x1x128xf32, #tpu.memory_space<hbm>>
        %dma_wait3A_111 = tpu.memref_squeeze %dma_wait3A_110 : memref<1x1x1x128xf32, #tpu.memory_space<hbm>> -> memref<1x128xf32, #tpu.memory_space<hbm>>
        tpu.wait_dma2 semaphore(%run_scoped3A_85 : memref<!tpu.dma_semaphore, #tpu.memory_space<semaphore_mem>>) src(%dma_wait3A_111 : memref<1x128xf32, #tpu.memory_space<hbm>>) dst(%dma_wait3A_108 : memref<1x128xf32, #tpu.memory_space<vmem>>)
        tpu.yield
      }) : () -> ()
      %run_scoped3A_72 = arith.constant 1 : i32
      %run_scoped3A_73 = arith.constant 6 : i32
      %run_scoped3A_74 = arith.constant 14 : i32
      "tpu.region"() ({
        %run_scoped3A_85 = tpu.sem_alloc : memref<!tpu.dma_semaphore, #tpu.memory_space<semaphore_mem>>
        %dma_start3A = arith.constant 0 : i32
        %dma_start3A_86 = arith.constant 0 : i32
        %dma_start3A_87 = tpu.memref_slice %arg6[%run_scoped3A_74, %dma_start3A, %dma_start3A_86] : memref<16x13x128xf32, #tpu.memory_space<vmem>> -> memref<1x1x128xf32, #tpu.memory_space<vmem>>
        %dma_start3A_88 = tpu.memref_squeeze %dma_start3A_87 : memref<1x1x128xf32, #tpu.memory_space<vmem>> -> memref<1x128xf32, #tpu.memory_space<vmem>>
        %dma_start3A_89 = arith.constant 0 : i32
        %dma_start3A_90 = tpu.memref_slice %arg3[%run_scoped3A_72, %add3A_29, %run_scoped3A_73, %dma_start3A_89] : memref<2x2500x8x128xf32, #tpu.memory_space<hbm>> -> memref<1x1x1x128xf32, #tpu.memory_space<hbm>>
        %dma_start3A_91 = tpu.memref_squeeze %dma_start3A_90 : memref<1x1x1x128xf32, #tpu.memory_space<hbm>> -> memref<1x128xf32, #tpu.memory_space<hbm>>
        %dma_start3A_92 = arith.constant 0 : i32
        %dma_start3A_93 = arith.constant 0 : i32
        %dma_start3A_94 = tpu.memref_slice %arg6[%run_scoped3A_74, %dma_start3A_92, %dma_start3A_93] : memref<16x13x128xf32, #tpu.memory_space<vmem>> -> memref<1x1x128xf32, #tpu.memory_space<vmem>>
        %dma_start3A_95 = tpu.memref_squeeze %dma_start3A_94 : memref<1x1x128xf32, #tpu.memory_space<vmem>> -> memref<1x128xf32, #tpu.memory_space<vmem>>
        %dma_start3A_96 = arith.constant 0 : i32
        %dma_start3A_97 = tpu.memref_slice %arg3[%run_scoped3A_72, %add3A_29, %run_scoped3A_73, %dma_start3A_96] : memref<2x2500x8x128xf32, #tpu.memory_space<hbm>> -> memref<1x1x1x128xf32, #tpu.memory_space<hbm>>
        %dma_start3A_98 = tpu.memref_squeeze %dma_start3A_97 : memref<1x1x1x128xf32, #tpu.memory_space<hbm>> -> memref<1x128xf32, #tpu.memory_space<hbm>>
        tpu.enqueue_dma source(%dma_start3A_98 : memref<1x128xf32, #tpu.memory_space<hbm>>) target(%dma_start3A_95 : memref<1x128xf32, #tpu.memory_space<vmem>>) target_semaphore(%run_scoped3A_85 : memref<!tpu.dma_semaphore, #tpu.memory_space<semaphore_mem>>)
        %dma_wait3A = arith.constant 0 : i32
        %dma_wait3A_99 = arith.constant 0 : i32
        %dma_wait3A_100 = tpu.memref_slice %arg6[%run_scoped3A_74, %dma_wait3A, %dma_wait3A_99] : memref<16x13x128xf32, #tpu.memory_space<vmem>> -> memref<1x1x128xf32, #tpu.memory_space<vmem>>
        %dma_wait3A_101 = tpu.memref_squeeze %dma_wait3A_100 : memref<1x1x128xf32, #tpu.memory_space<vmem>> -> memref<1x128xf32, #tpu.memory_space<vmem>>
        %dma_wait3A_102 = arith.constant 0 : i32
        %dma_wait3A_103 = tpu.memref_slice %arg3[%run_scoped3A_72, %add3A_29, %run_scoped3A_73, %dma_wait3A_102] : memref<2x2500x8x128xf32, #tpu.memory_space<hbm>> -> memref<1x1x1x128xf32, #tpu.memory_space<hbm>>
        %dma_wait3A_104 = tpu.memref_squeeze %dma_wait3A_103 : memref<1x1x1x128xf32, #tpu.memory_space<hbm>> -> memref<1x128xf32, #tpu.memory_space<hbm>>
        %dma_wait3A_105 = arith.constant 0 : i32
        %dma_wait3A_106 = arith.constant 0 : i32
        %dma_wait3A_107 = tpu.memref_slice %arg6[%run_scoped3A_74, %dma_wait3A_105, %dma_wait3A_106] : memref<16x13x128xf32, #tpu.memory_space<vmem>> -> memref<1x1x128xf32, #tpu.memory_space<vmem>>
        %dma_wait3A_108 = tpu.memref_squeeze %dma_wait3A_107 : memref<1x1x128xf32, #tpu.memory_space<vmem>> -> memref<1x128xf32, #tpu.memory_space<vmem>>
        %dma_wait3A_109 = arith.constant 0 : i32
        %dma_wait3A_110 = tpu.memref_slice %arg3[%run_scoped3A_72, %add3A_29, %run_scoped3A_73, %dma_wait3A_109] : memref<2x2500x8x128xf32, #tpu.memory_space<hbm>> -> memref<1x1x1x128xf32, #tpu.memory_space<hbm>>
        %dma_wait3A_111 = tpu.memref_squeeze %dma_wait3A_110 : memref<1x1x1x128xf32, #tpu.memory_space<hbm>> -> memref<1x128xf32, #tpu.memory_space<hbm>>
        tpu.wait_dma2 semaphore(%run_scoped3A_85 : memref<!tpu.dma_semaphore, #tpu.memory_space<semaphore_mem>>) src(%dma_wait3A_111 : memref<1x128xf32, #tpu.memory_space<hbm>>) dst(%dma_wait3A_108 : memref<1x128xf32, #tpu.memory_space<vmem>>)
        tpu.yield
      }) : () -> ()
      %run_scoped3A_75 = arith.constant 1 : i32
      %run_scoped3A_76 = arith.constant 7 : i32
      %run_scoped3A_77 = arith.constant 15 : i32
      "tpu.region"() ({
        %run_scoped3A_85 = tpu.sem_alloc : memref<!tpu.dma_semaphore, #tpu.memory_space<semaphore_mem>>
        %dma_start3A = arith.constant 0 : i32
        %dma_start3A_86 = arith.constant 0 : i32
        %dma_start3A_87 = tpu.memref_slice %arg6[%run_scoped3A_77, %dma_start3A, %dma_start3A_86] : memref<16x13x128xf32, #tpu.memory_space<vmem>> -> memref<1x1x128xf32, #tpu.memory_space<vmem>>
        %dma_start3A_88 = tpu.memref_squeeze %dma_start3A_87 : memref<1x1x128xf32, #tpu.memory_space<vmem>> -> memref<1x128xf32, #tpu.memory_space<vmem>>
        %dma_start3A_89 = arith.constant 0 : i32
        %dma_start3A_90 = tpu.memref_slice %arg3[%run_scoped3A_75, %add3A_29, %run_scoped3A_76, %dma_start3A_89] : memref<2x2500x8x128xf32, #tpu.memory_space<hbm>> -> memref<1x1x1x128xf32, #tpu.memory_space<hbm>>
        %dma_start3A_91 = tpu.memref_squeeze %dma_start3A_90 : memref<1x1x1x128xf32, #tpu.memory_space<hbm>> -> memref<1x128xf32, #tpu.memory_space<hbm>>
        %dma_start3A_92 = arith.constant 0 : i32
        %dma_start3A_93 = arith.constant 0 : i32
        %dma_start3A_94 = tpu.memref_slice %arg6[%run_scoped3A_77, %dma_start3A_92, %dma_start3A_93] : memref<16x13x128xf32, #tpu.memory_space<vmem>> -> memref<1x1x128xf32, #tpu.memory_space<vmem>>
        %dma_start3A_95 = tpu.memref_squeeze %dma_start3A_94 : memref<1x1x128xf32, #tpu.memory_space<vmem>> -> memref<1x128xf32, #tpu.memory_space<vmem>>
        %dma_start3A_96 = arith.constant 0 : i32
        %dma_start3A_97 = tpu.memref_slice %arg3[%run_scoped3A_75, %add3A_29, %run_scoped3A_76, %dma_start3A_96] : memref<2x2500x8x128xf32, #tpu.memory_space<hbm>> -> memref<1x1x1x128xf32, #tpu.memory_space<hbm>>
        %dma_start3A_98 = tpu.memref_squeeze %dma_start3A_97 : memref<1x1x1x128xf32, #tpu.memory_space<hbm>> -> memref<1x128xf32, #tpu.memory_space<hbm>>
        tpu.enqueue_dma source(%dma_start3A_98 : memref<1x128xf32, #tpu.memory_space<hbm>>) target(%dma_start3A_95 : memref<1x128xf32, #tpu.memory_space<vmem>>) target_semaphore(%run_scoped3A_85 : memref<!tpu.dma_semaphore, #tpu.memory_space<semaphore_mem>>)
        %dma_wait3A = arith.constant 0 : i32
        %dma_wait3A_99 = arith.constant 0 : i32
        %dma_wait3A_100 = tpu.memref_slice %arg6[%run_scoped3A_77, %dma_wait3A, %dma_wait3A_99] : memref<16x13x128xf32, #tpu.memory_space<vmem>> -> memref<1x1x128xf32, #tpu.memory_space<vmem>>
        %dma_wait3A_101 = tpu.memref_squeeze %dma_wait3A_100 : memref<1x1x128xf32, #tpu.memory_space<vmem>> -> memref<1x128xf32, #tpu.memory_space<vmem>>
        %dma_wait3A_102 = arith.constant 0 : i32
        %dma_wait3A_103 = tpu.memref_slice %arg3[%run_scoped3A_75, %add3A_29, %run_scoped3A_76, %dma_wait3A_102] : memref<2x2500x8x128xf32, #tpu.memory_space<hbm>> -> memref<1x1x1x128xf32, #tpu.memory_space<hbm>>
        %dma_wait3A_104 = tpu.memref_squeeze %dma_wait3A_103 : memref<1x1x1x128xf32, #tpu.memory_space<hbm>> -> memref<1x128xf32, #tpu.memory_space<hbm>>
        %dma_wait3A_105 = arith.constant 0 : i32
        %dma_wait3A_106 = arith.constant 0 : i32
        %dma_wait3A_107 = tpu.memref_slice %arg6[%run_scoped3A_77, %dma_wait3A_105, %dma_wait3A_106] : memref<16x13x128xf32, #tpu.memory_space<vmem>> -> memref<1x1x128xf32, #tpu.memory_space<vmem>>
        %dma_wait3A_108 = tpu.memref_squeeze %dma_wait3A_107 : memref<1x1x128xf32, #tpu.memory_space<vmem>> -> memref<1x128xf32, #tpu.memory_space<vmem>>
        %dma_wait3A_109 = arith.constant 0 : i32
        %dma_wait3A_110 = tpu.memref_slice %arg3[%run_scoped3A_75, %add3A_29, %run_scoped3A_76, %dma_wait3A_109] : memref<2x2500x8x128xf32, #tpu.memory_space<hbm>> -> memref<1x1x1x128xf32, #tpu.memory_space<hbm>>
        %dma_wait3A_111 = tpu.memref_squeeze %dma_wait3A_110 : memref<1x1x1x128xf32, #tpu.memory_space<hbm>> -> memref<1x128xf32, #tpu.memory_space<hbm>>
        tpu.wait_dma2 semaphore(%run_scoped3A_85 : memref<!tpu.dma_semaphore, #tpu.memory_space<semaphore_mem>>) src(%dma_wait3A_111 : memref<1x128xf32, #tpu.memory_space<hbm>>) dst(%dma_wait3A_108 : memref<1x128xf32, #tpu.memory_space<vmem>>)
        tpu.yield
      }) : () -> ()
      %scan3A_78 = arith.constant 0 : i32
      %scan3A_79 = arith.constant 0 : i32
      %scan3A_80 = arith.constant 8 : i32
      %scan3A_81 = arith.addi %scan3A_79, %scan3A_80 : i32
      %scan3A_82 = arith.constant 1 : i32
      scf.for %scan3A_85 = %scan3A_79 to %scan3A_81 step %scan3A_82  : i32 {
        %jit3A = arith.constant 8 : i32
        %div3A = arith.divsi %scan3A_85, %jit3A : i32
        %sign3A = arith.constant 0 : i32
        %sign3A_86 = arith.cmpi sgt, %scan3A_85, %sign3A : i32
        %sign3A_87 = arith.extui %sign3A_86 : i1 to i32
        %sign3A_88 = arith.constant 0 : i32
        %sign3A_89 = arith.cmpi slt, %scan3A_85, %sign3A_88 : i32
        %sign3A_90 = arith.extui %sign3A_89 : i1 to i32
        %sign3A_91 = arith.subi %sign3A_87, %sign3A_90 : i32
        %sign3A_92 = arith.constant 0 : i32
        %sign3A_93 = arith.cmpi sgt, %jit3A, %sign3A_92 : i32
        %sign3A_94 = arith.extui %sign3A_93 : i1 to i32
        %sign3A_95 = arith.constant 0 : i32
        %sign3A_96 = arith.cmpi slt, %jit3A, %sign3A_95 : i32
        %sign3A_97 = arith.extui %sign3A_96 : i1 to i32
        %sign3A_98 = arith.subi %sign3A_94, %sign3A_97 : i32
        %ne3A = arith.cmpi ne, %sign3A_91, %sign3A_98 : i32
        %rem3A = arith.remsi %scan3A_85, %jit3A : i32
        %ne3A_99 = arith.constant 0 : i32
        %ne3A_100 = arith.cmpi ne, %rem3A, %ne3A_99 : i32
        %and3A = arith.andi %ne3A, %ne3A_100 : i1
        %sub3A = arith.constant 1 : i32
        %sub3A_101 = arith.subi %div3A, %sub3A : i32
        %select_n3A = arith.select %and3A, %sub3A_101, %div3A : i32
        %jit3A_102 = arith.constant 8 : i32
        %eq3A = arith.constant 0 : i32
        %eq3A_103 = arith.cmpi eq, %jit3A_102, %eq3A : i32
        %jit3A_104 = arith.constant 1 : i32
        %select_n3A_105 = arith.select %eq3A_103, %jit3A_104, %jit3A_102 : i32
        %rem3A_106 = arith.remsi %scan3A_85, %select_n3A_105 : i32
        %ne3A_107 = arith.constant 0 : i32
        %ne3A_108 = arith.cmpi ne, %rem3A_106, %ne3A_107 : i32
        %lt3A_109 = arith.constant 0 : i32
        %lt3A_110 = arith.cmpi slt, %rem3A_106, %lt3A_109 : i32
        %lt3A_111 = arith.constant 0 : i32
        %lt3A_112 = arith.cmpi slt, %select_n3A_105, %lt3A_111 : i32
        %ne3A_113 = arith.xori %lt3A_110, %lt3A_112 : i1
        %and3A_114 = arith.andi %ne3A_113, %ne3A_108 : i1
        %add3A_115 = arith.addi %rem3A_106, %select_n3A_105 : i32
        %select_n3A_116 = arith.select %and3A_114, %add3A_115, %rem3A_106 : i32
        %mul3A_117 = arith.constant 16 : i32
        %mul3A_118 = arith.muli %select_n3A_116, %mul3A_117 : i32
        %mul3A_119 = arith.constant 16 : i32
        %mul3A_120 = arith.muli %scan3A_85, %mul3A_119 : i32
        %add3A_121 = vector.broadcast %mul3A_120 : i32 to vector<16xi32>
        %add3A_122 = arith.addi %add3A_121, %iota3A : vector<16xi32>
        %get3A = arith.constant 0 : i32
        %get3A_123 = arith.index_cast %get3A : i32 to index
        %get3A_124 = arith.index_cast %select_n3A : i32 to index
        %get3A_125 = arith.index_cast %mul3A_118 : i32 to index
        %get3A_126 = tpu.vector_load %arg6[%get3A_123, %get3A_124, %get3A_125] {strides = array<i32>} : memref<16x13x128xf32, #tpu.memory_space<vmem>>, vector<16xf32>,
        %broadcast_in_dim3A = arith.constant 0 : i32
        %broadcast_in_dim3A_127 = vector.broadcast %broadcast_in_dim3A : i32 to vector<16xi32>
        tpu.vector_store_idx %arg7[%add3A_122, %broadcast_in_dim3A_127], %get3A_126 : memref<1664x16xf32, #tpu.memory_space<vmem>>[vector<16xi32>, vector<16xi32>], vector<16xf32>,
        %get3A_128 = arith.constant 1 : i32
        %get3A_129 = arith.index_cast %get3A_128 : i32 to index
        %get3A_130 = arith.index_cast %select_n3A : i32 to index
        %get3A_131 = arith.index_cast %mul3A_118 : i32 to index
        %get3A_132 = tpu.vector_load %arg6[%get3A_129, %get3A_130, %get3A_131] {strides = array<i32>} : memref<16x13x128xf32, #tpu.memory_space<vmem>>, vector<16xf32>,
        %broadcast_in_dim3A_133 = arith.constant 1 : i32
        %broadcast_in_dim3A_134 = vector.broadcast %broadcast_in_dim3A_133 : i32 to vector<16xi32>
        tpu.vector_store_idx %arg7[%add3A_122, %broadcast_in_dim3A_134], %get3A_132 : memref<1664x16xf32, #tpu.memory_space<vmem>>[vector<16xi32>, vector<16xi32>], vector<16xf32>,
        %get3A_135 = arith.constant 2 : i32
        %get3A_136 = arith.index_cast %get3A_135 : i32 to index
        %get3A_137 = arith.index_cast %select_n3A : i32 to index
        %get3A_138 = arith.index_cast %mul3A_118 : i32 to index
        %get3A_139 = tpu.vector_load %arg6[%get3A_136, %get3A_137, %get3A_138] {strides = array<i32>} : memref<16x13x128xf32, #tpu.memory_space<vmem>>, vector<16xf32>,
        %broadcast_in_dim3A_140 = arith.constant 2 : i32
        %broadcast_in_dim3A_141 = vector.broadcast %broadcast_in_dim3A_140 : i32 to vector<16xi32>
        tpu.vector_store_idx %arg7[%add3A_122, %broadcast_in_dim3A_141], %get3A_139 : memref<1664x16xf32, #tpu.memory_space<vmem>>[vector<16xi32>, vector<16xi32>], vector<16xf32>,
        %get3A_142 = arith.constant 3 : i32
        %get3A_143 = arith.index_cast %get3A_142 : i32 to index
        %get3A_144 = arith.index_cast %select_n3A : i32 to index
        %get3A_145 = arith.index_cast %mul3A_118 : i32 to index
        %get3A_146 = tpu.vector_load %arg6[%get3A_143, %get3A_144, %get3A_145] {strides = array<i32>} : memref<16x13x128xf32, #tpu.memory_space<vmem>>, vector<16xf32>,
        %broadcast_in_dim3A_147 = arith.constant 3 : i32
        %broadcast_in_dim3A_148 = vector.broadcast %broadcast_in_dim3A_147 : i32 to vector<16xi32>
        tpu.vector_store_idx %arg7[%add3A_122, %broadcast_in_dim3A_148], %get3A_146 : memref<1664x16xf32, #tpu.memory_space<vmem>>[vector<16xi32>, vector<16xi32>], vector<16xf32>,
        %get3A_149 = arith.constant 4 : i32
        %get3A_150 = arith.index_cast %get3A_149 : i32 to index
        %get3A_151 = arith.index_cast %select_n3A : i32 to index
        %get3A_152 = arith.index_cast %mul3A_118 : i32 to index
        %get3A_153 = tpu.vector_load %arg6[%get3A_150, %get3A_151, %get3A_152] {strides = array<i32>} : memref<16x13x128xf32, #tpu.memory_space<vmem>>, vector<16xf32>,
        %broadcast_in_dim3A_154 = arith.constant 4 : i32
        %broadcast_in_dim3A_155 = vector.broadcast %broadcast_in_dim3A_154 : i32 to vector<16xi32>
        tpu.vector_store_idx %arg7[%add3A_122, %broadcast_in_dim3A_155], %get3A_153 : memref<1664x16xf32, #tpu.memory_space<vmem>>[vector<16xi32>, vector<16xi32>], vector<16xf32>,
        %get3A_156 = arith.constant 5 : i32
        %get3A_157 = arith.index_cast %get3A_156 : i32 to index
        %get3A_158 = arith.index_cast %select_n3A : i32 to index
        %get3A_159 = arith.index_cast %mul3A_118 : i32 to index
        %get3A_160 = tpu.vector_load %arg6[%get3A_157, %get3A_158, %get3A_159] {strides = array<i32>} : memref<16x13x128xf32, #tpu.memory_space<vmem>>, vector<16xf32>,
        %broadcast_in_dim3A_161 = arith.constant 5 : i32
        %broadcast_in_dim3A_162 = vector.broadcast %broadcast_in_dim3A_161 : i32 to vector<16xi32>
        tpu.vector_store_idx %arg7[%add3A_122, %broadcast_in_dim3A_162], %get3A_160 : memref<1664x16xf32, #tpu.memory_space<vmem>>[vector<16xi32>, vector<16xi32>], vector<16xf32>,
        %get3A_163 = arith.constant 6 : i32
        %get3A_164 = arith.index_cast %get3A_163 : i32 to index
        %get3A_165 = arith.index_cast %select_n3A : i32 to index
        %get3A_166 = arith.index_cast %mul3A_118 : i32 to index
        %get3A_167 = tpu.vector_load %arg6[%get3A_164, %get3A_165, %get3A_166] {strides = array<i32>} : memref<16x13x128xf32, #tpu.memory_space<vmem>>, vector<16xf32>,
        %broadcast_in_dim3A_168 = arith.constant 6 : i32
        %broadcast_in_dim3A_169 = vector.broadcast %broadcast_in_dim3A_168 : i32 to vector<16xi32>
        tpu.vector_store_idx %arg7[%add3A_122, %broadcast_in_dim3A_169], %get3A_167 : memref<1664x16xf32, #tpu.memory_space<vmem>>[vector<16xi32>, vector<16xi32>], vector<16xf32>,
        %get3A_170 = arith.constant 7 : i32
        %get3A_171 = arith.index_cast %get3A_170 : i32 to index
        %get3A_172 = arith.index_cast %select_n3A : i32 to index
        %get3A_173 = arith.index_cast %mul3A_118 : i32 to index
        %get3A_174 = tpu.vector_load %arg6[%get3A_171, %get3A_172, %get3A_173] {strides = array<i32>} : memref<16x13x128xf32, #tpu.memory_space<vmem>>, vector<16xf32>,
        %broadcast_in_dim3A_175 = arith.constant 7 : i32
        %broadcast_in_dim3A_176 = vector.broadcast %broadcast_in_dim3A_175 : i32 to vector<16xi32>
        tpu.vector_store_idx %arg7[%add3A_122, %broadcast_in_dim3A_176], %get3A_174 : memref<1664x16xf32, #tpu.memory_space<vmem>>[vector<16xi32>, vector<16xi32>], vector<16xf32>,
        %get3A_177 = arith.constant 8 : i32
        %get3A_178 = arith.index_cast %get3A_177 : i32 to index
        %get3A_179 = arith.index_cast %select_n3A : i32 to index
        %get3A_180 = arith.index_cast %mul3A_118 : i32 to index
        %get3A_181 = tpu.vector_load %arg6[%get3A_178, %get3A_179, %get3A_180] {strides = array<i32>} : memref<16x13x128xf32, #tpu.memory_space<vmem>>, vector<16xf32>,
        %broadcast_in_dim3A_182 = arith.constant 8 : i32
        %broadcast_in_dim3A_183 = vector.broadcast %broadcast_in_dim3A_182 : i32 to vector<16xi32>
        tpu.vector_store_idx %arg7[%add3A_122, %broadcast_in_dim3A_183], %get3A_181 : memref<1664x16xf32, #tpu.memory_space<vmem>>[vector<16xi32>, vector<16xi32>], vector<16xf32>,
        %get3A_184 = arith.constant 9 : i32
        %get3A_185 = arith.index_cast %get3A_184 : i32 to index
        %get3A_186 = arith.index_cast %select_n3A : i32 to index
        %get3A_187 = arith.index_cast %mul3A_118 : i32 to index
        %get3A_188 = tpu.vector_load %arg6[%get3A_185, %get3A_186, %get3A_187] {strides = array<i32>} : memref<16x13x128xf32, #tpu.memory_space<vmem>>, vector<16xf32>,
        %broadcast_in_dim3A_189 = arith.constant 9 : i32
        %broadcast_in_dim3A_190 = vector.broadcast %broadcast_in_dim3A_189 : i32 to vector<16xi32>
        tpu.vector_store_idx %arg7[%add3A_122, %broadcast_in_dim3A_190], %get3A_188 : memref<1664x16xf32, #tpu.memory_space<vmem>>[vector<16xi32>, vector<16xi32>], vector<16xf32>,
        %get3A_191 = arith.constant 10 : i32
        %get3A_192 = arith.index_cast %get3A_191 : i32 to index
        %get3A_193 = arith.index_cast %select_n3A : i32 to index
        %get3A_194 = arith.index_cast %mul3A_118 : i32 to index
        %get3A_195 = tpu.vector_load %arg6[%get3A_192, %get3A_193, %get3A_194] {strides = array<i32>} : memref<16x13x128xf32, #tpu.memory_space<vmem>>, vector<16xf32>,
        %broadcast_in_dim3A_196 = arith.constant 10 : i32
        %broadcast_in_dim3A_197 = vector.broadcast %broadcast_in_dim3A_196 : i32 to vector<16xi32>
        tpu.vector_store_idx %arg7[%add3A_122, %broadcast_in_dim3A_197], %get3A_195 : memref<1664x16xf32, #tpu.memory_space<vmem>>[vector<16xi32>, vector<16xi32>], vector<16xf32>,
        %get3A_198 = arith.constant 11 : i32
        %get3A_199 = arith.index_cast %get3A_198 : i32 to index
        %get3A_200 = arith.index_cast %select_n3A : i32 to index
        %get3A_201 = arith.index_cast %mul3A_118 : i32 to index
        %get3A_202 = tpu.vector_load %arg6[%get3A_199, %get3A_200, %get3A_201] {strides = array<i32>} : memref<16x13x128xf32, #tpu.memory_space<vmem>>, vector<16xf32>,
        %broadcast_in_dim3A_203 = arith.constant 11 : i32
        %broadcast_in_dim3A_204 = vector.broadcast %broadcast_in_dim3A_203 : i32 to vector<16xi32>
        tpu.vector_store_idx %arg7[%add3A_122, %broadcast_in_dim3A_204], %get3A_202 : memref<1664x16xf32, #tpu.memory_space<vmem>>[vector<16xi32>, vector<16xi32>], vector<16xf32>,
        %get3A_205 = arith.constant 12 : i32
        %get3A_206 = arith.index_cast %get3A_205 : i32 to index
        %get3A_207 = arith.index_cast %select_n3A : i32 to index
        %get3A_208 = arith.index_cast %mul3A_118 : i32 to index
        %get3A_209 = tpu.vector_load %arg6[%get3A_206, %get3A_207, %get3A_208] {strides = array<i32>} : memref<16x13x128xf32, #tpu.memory_space<vmem>>, vector<16xf32>,
        %broadcast_in_dim3A_210 = arith.constant 12 : i32
        %broadcast_in_dim3A_211 = vector.broadcast %broadcast_in_dim3A_210 : i32 to vector<16xi32>
        tpu.vector_store_idx %arg7[%add3A_122, %broadcast_in_dim3A_211], %get3A_209 : memref<1664x16xf32, #tpu.memory_space<vmem>>[vector<16xi32>, vector<16xi32>], vector<16xf32>,
        %get3A_212 = arith.constant 13 : i32
        %get3A_213 = arith.index_cast %get3A_212 : i32 to index
        %get3A_214 = arith.index_cast %select_n3A : i32 to index
        %get3A_215 = arith.index_cast %mul3A_118 : i32 to index
        %get3A_216 = tpu.vector_load %arg6[%get3A_213, %get3A_214, %get3A_215] {strides = array<i32>} : memref<16x13x128xf32, #tpu.memory_space<vmem>>, vector<16xf32>,
        %broadcast_in_dim3A_217 = arith.constant 13 : i32
        %broadcast_in_dim3A_218 = vector.broadcast %broadcast_in_dim3A_217 : i32 to vector<16xi32>
        tpu.vector_store_idx %arg7[%add3A_122, %broadcast_in_dim3A_218], %get3A_216 : memref<1664x16xf32, #tpu.memory_space<vmem>>[vector<16xi32>, vector<16xi32>], vector<16xf32>,
        %get3A_219 = arith.constant 14 : i32
        %get3A_220 = arith.index_cast %get3A_219 : i32 to index
        %get3A_221 = arith.index_cast %select_n3A : i32 to index
        %get3A_222 = arith.index_cast %mul3A_118 : i32 to index
        %get3A_223 = tpu.vector_load %arg6[%get3A_220, %get3A_221, %get3A_222] {strides = array<i32>} : memref<16x13x128xf32, #tpu.memory_space<vmem>>, vector<16xf32>,
        %broadcast_in_dim3A_224 = arith.constant 14 : i32
        %broadcast_in_dim3A_225 = vector.broadcast %broadcast_in_dim3A_224 : i32 to vector<16xi32>
        tpu.vector_store_idx %arg7[%add3A_122, %broadcast_in_dim3A_225], %get3A_223 : memref<1664x16xf32, #tpu.memory_space<vmem>>[vector<16xi32>, vector<16xi32>], vector<16xf32>,
        %get3A_226 = arith.constant 15 : i32
        %get3A_227 = arith.index_cast %get3A_226 : i32 to index
        %get3A_228 = arith.index_cast %select_n3A : i32 to index
        %get3A_229 = arith.index_cast %mul3A_118 : i32 to index
        %get3A_230 = tpu.vector_load %arg6[%get3A_227, %get3A_228, %get3A_229] {strides = array<i32>} : memref<16x13x128xf32, #tpu.memory_space<vmem>>, vector<16xf32>,
        %broadcast_in_dim3A_231 = arith.constant 15 : i32
        %broadcast_in_dim3A_232 = vector.broadcast %broadcast_in_dim3A_231 : i32 to vector<16xi32>
        tpu.vector_store_idx %arg7[%add3A_122, %broadcast_in_dim3A_232], %get3A_230 : memref<1664x16xf32, #tpu.memory_space<vmem>>[vector<16xi32>, vector<16xi32>], vector<16xf32>,
      }
      %scan3A_83 = arith.constant 8 : i32
      %run_scoped3A_84 = arith.constant 78 : i32
      "tpu.region"() ({
        %run_scoped3A_85 = tpu.sem_alloc : memref<!tpu.dma_semaphore, #tpu.memory_space<semaphore_mem>>
        %dma_start3A = arith.constant 0 : i32
        %dma_start3A_86 = arith.constant 0 : i32
        %dma_start3A_87 = tpu.memref_slice %arg7[%dma_start3A, %dma_start3A_86] : memref<1664x16xf32, #tpu.memory_space<vmem>> -> memref<128x16xf32, #tpu.memory_space<vmem>>
        %dma_start3A_88 = arith.constant 0 : i32
        %dma_start3A_89 = tpu.memref_slice %arg5[%run_scoped3A_84, %dma_start3A_88] : memref<80x128xi32, #tpu.memory_space<vmem>> -> memref<1x128xi32, #tpu.memory_space<vmem>>
        %dma_start3A_90 = tpu.memref_squeeze %dma_start3A_89 : memref<1x128xi32, #tpu.memory_space<vmem>> -> memref<128xi32, #tpu.memory_space<vmem>>
        %dma_start3A_91 = arith.constant 0 : i32
        %dma_start3A_92 = arith.constant 0 : i32
        %dma_start3A_93 = tpu.memref_slice %arg9[%dma_start3A_91, %dma_start3A_92] : memref<10240x16xf32, #tpu.memory_space<vmem_shared>> -> memref<10240x16xf32, #tpu.memory_space<vmem_shared>>
        tpu.enqueue_indirect_dma source(%dma_start3A_87 : memref<128x16xf32, #tpu.memory_space<vmem>>) target(%dma_start3A_93 : memref<10240x16xf32, #tpu.memory_space<vmem_shared>>) offsets(%dma_start3A_90 : memref<128xi32, #tpu.memory_space<vmem>>) semaphore(%run_scoped3A_85 : memref<!tpu.dma_semaphore, #tpu.memory_space<semaphore_mem>>) {add = true}
        %dma_wait3A = arith.constant 0 : i32
        %dma_wait3A_94 = arith.constant 0 : i32
        %dma_wait3A_95 = tpu.memref_slice %arg7[%dma_wait3A, %dma_wait3A_94] : memref<1664x16xf32, #tpu.memory_space<vmem>> -> memref<128x16xf32, #tpu.memory_space<vmem>>
        %dma_wait3A_96 = arith.constant 0 : i32
        %dma_wait3A_97 = tpu.memref_slice %arg5[%run_scoped3A_84, %dma_wait3A_96] : memref<80x128xi32, #tpu.memory_space<vmem>> -> memref<1x128xi32, #tpu.memory_space<vmem>>
        %dma_wait3A_98 = tpu.memref_squeeze %dma_wait3A_97 : memref<1x128xi32, #tpu.memory_space<vmem>> -> memref<128xi32, #tpu.memory_space<vmem>>
        %dma_wait3A_99 = arith.constant 0 : i32
        %dma_wait3A_100 = arith.constant 0 : i32
        %dma_wait3A_101 = tpu.memref_slice %arg9[%dma_wait3A_99, %dma_wait3A_100] : memref<10240x16xf32, #tpu.memory_space<vmem_shared>> -> memref<10240x16xf32, #tpu.memory_space<vmem_shared>>
        tpu.wait_indirect_dma semaphore(%run_scoped3A_85 : memref<!tpu.dma_semaphore, #tpu.memory_space<semaphore_mem>>) src(%dma_wait3A_95 : memref<128x16xf32, #tpu.memory_space<vmem>>) dst(%dma_wait3A_101 : memref<10240x16xf32, #tpu.memory_space<vmem_shared>>)
        tpu.yield
      }) : () -> ()
    } else {
    }
    %barrier3A_23 = arith.constant 0 : index
    tpu.barrier barrier_id(%barrier3A_23)
    %mul3A_24 = arith.constant 640 : i32
    %mul3A_25 = arith.muli %arg1, %mul3A_24 : i32
    %mul3A_26 = arith.constant 640 : i32
    %mul3A_27 = arith.muli %arg1, %mul3A_26 : i32
    "tpu.region"() ({
      %run_scoped3A_28 = tpu.sem_alloc : memref<!tpu.dma_semaphore, #tpu.memory_space<semaphore_mem>>
      %dma_start3A = arith.constant 0 : i32
      %dma_start3A_29 = tpu.memref_slice %arg4[%arg0, %mul3A_27, %dma_start3A] : memref<2x10240x16xf32, #tpu.memory_space<hbm>> -> memref<1x640x16xf32, #tpu.memory_space<hbm>>
      %dma_start3A_30 = tpu.memref_squeeze %dma_start3A_29 : memref<1x640x16xf32, #tpu.memory_space<hbm>> -> memref<640x16xf32, #tpu.memory_space<hbm>>
      %dma_start3A_31 = arith.constant 0 : i32
      %dma_start3A_32 = tpu.memref_slice %arg9[%mul3A_25, %dma_start3A_31] : memref<10240x16xf32, #tpu.memory_space<vmem_shared>> -> memref<640x16xf32, #tpu.memory_space<vmem_shared>>
      tpu.enqueue_dma source(%dma_start3A_32 : memref<640x16xf32, #tpu.memory_space<vmem_shared>>) target(%dma_start3A_30 : memref<640x16xf32, #tpu.memory_space<hbm>>) target_semaphore(%run_scoped3A_28 : memref<!tpu.dma_semaphore, #tpu.memory_space<semaphore_mem>>)
      %dma_wait3A = arith.constant 0 : i32
      %dma_wait3A_33 = tpu.memref_slice %arg4[%arg0, %mul3A_27, %dma_wait3A] : memref<2x10240x16xf32, #tpu.memory_space<hbm>> -> memref<1x640x16xf32, #tpu.memory_space<hbm>>
      %dma_wait3A_34 = tpu.memref_squeeze %dma_wait3A_33 : memref<1x640x16xf32, #tpu.memory_space<hbm>> -> memref<640x16xf32, #tpu.memory_space<hbm>>
      %dma_wait3A_35 = arith.constant 0 : i32
      %dma_wait3A_36 = tpu.memref_slice %arg9[%mul3A_25, %dma_wait3A_35] : memref<10240x16xf32, #tpu.memory_space<vmem_shared>> -> memref<640x16xf32, #tpu.memory_space<vmem_shared>>
      tpu.wait_dma2 semaphore(%run_scoped3A_28 : memref<!tpu.dma_semaphore, #tpu.memory_space<semaphore_mem>>) src(%dma_wait3A_36 : memref<640x16xf32, #tpu.memory_space<vmem_shared>>) dst(%dma_wait3A_34 : memref<640x16xf32, #tpu.memory_space<hbm>>)
      tpu.yield
    }) : () -> ()
    return
  }
}

module attributes {stable_mosaic.version = 14 : i64} {
  func.func @_mlp_body(%arg0: i32, %arg1: memref<2000x128xf32, #tpu.memory_space<vmem>>, %arg2: memref<2x2000x16xf32, #tpu.memory_space<vmem>>, %arg3: memref<144x128xf32, #tpu.memory_space<vmem>>, %arg4: memref<1x128xf32, #tpu.memory_space<vmem>>, %arg5: memref<2000x128xf32, #tpu.memory_space<vmem>>) attributes {dimension_semantics = [#tpu.dimension_semantics<arbitrary>], iteration_bounds = array<i64: 5>, scalar_prefetch = 0 : i64, scratch_operands = 0 : i64, tpu.core_type = #tpu.core_type<tc>, window_params = [{transform_indices = @transform_0, window_bounds = array<i64: 2000, 128>}, {transform_indices = @transform_1, window_bounds = array<i64: 2, 2000, 16>}, {pipeline_mode = #tpu.pipeline_mode<synchronous>, transform_indices = @transform_2, window_bounds = array<i64: 144, 128>}, {pipeline_mode = #tpu.pipeline_mode<synchronous>, transform_indices = @transform_3, window_bounds = array<i64: 1, 128>}, {transform_indices = @transform_4, window_bounds = array<i64: 2000, 128>}]} {
    %get3A = arith.constant 0 : index
    %get3A_0 = arith.constant 0 : index
    %get3A_1 = arith.constant 0 : index
    %get3A_2 = vector.load %arg2[%get3A, %get3A_0, %get3A_1] : memref<2x2000x16xf32, #tpu.memory_space<vmem>>, vector<1x2000x16xf32>
    %get3A_3 = vector.shape_cast %get3A_2 : vector<1x2000x16xf32> to vector<2000x16xf32>
    %get3A_4 = arith.constant 1 : index
    %get3A_5 = arith.constant 0 : index
    %get3A_6 = arith.constant 0 : index
    %get3A_7 = vector.load %arg2[%get3A_4, %get3A_5, %get3A_6] : memref<2x2000x16xf32, #tpu.memory_space<vmem>>, vector<1x2000x16xf32>
    %get3A_8 = vector.shape_cast %get3A_7 : vector<1x2000x16xf32> to vector<2000x16xf32>
    %add3A = arith.addf %get3A_3, %get3A_8 : vector<2000x16xf32>
    %get3A_9 = arith.constant 0 : index
    %get3A_10 = arith.constant 0 : index
    %get3A_11 = vector.load %arg3[%get3A_9, %get3A_10] : memref<144x128xf32, #tpu.memory_space<vmem>>, vector<128x128xf32>
    %get3A_12 = arith.constant 128 : index
    %get3A_13 = arith.constant 0 : index
    %get3A_14 = vector.load %arg3[%get3A_12, %get3A_13] : memref<144x128xf32, #tpu.memory_space<vmem>>, vector<16x128xf32>
    %get3A_15 = arith.constant 0 : index
    %get3A_16 = arith.constant 0 : index
    %get3A_17 = vector.load %arg1[%get3A_15, %get3A_16] : memref<2000x128xf32, #tpu.memory_space<vmem>>, vector<2000x128xf32>
    %dot_general3A = arith.constant dense<0.000000e+00> : vector<2000x128xf32>
    %dot_general3A_18 = tpu.matmul %get3A_17, %get3A_11, %dot_general3A {dimension_numbers = #tpu.dot_dimension_numbers<[1], [0], [0], [1], [0, 0, 1, 1], [], []>, transpose_lhs_hint = false} : vector<2000x128xf32>, vector<128x128xf32>, vector<2000x128xf32> -> vector<2000x128xf32>
    %dot_general3A_19 = arith.constant dense<0.000000e+00> : vector<2000x128xf32>
    %dot_general3A_20 = tpu.matmul %add3A, %get3A_14, %dot_general3A_19 {dimension_numbers = #tpu.dot_dimension_numbers<[1], [0], [0], [1], [0, 0, 1, 1], [], []>, transpose_lhs_hint = false} : vector<2000x16xf32>, vector<16x128xf32>, vector<2000x128xf32> -> vector<2000x128xf32>
    %add3A_21 = arith.addf %dot_general3A_18, %dot_general3A_20 : vector<2000x128xf32>
    %get3A_22 = arith.constant 0 : index
    %get3A_23 = arith.constant 0 : index
    %get3A_24 = vector.load %arg4[%get3A_22, %get3A_23] : memref<1x128xf32, #tpu.memory_space<vmem>>, vector<1x128xf32>
    %add3A_25 = vector.broadcast %get3A_24 : vector<1x128xf32> to vector<2000x128xf32>
    %add3A_26 = arith.addf %add3A_21, %add3A_25 : vector<2000x128xf32>
    %swap3A = arith.constant 0 : index
    %swap3A_27 = arith.constant 0 : index
    %swap3A_28 = vector.load %arg5[%swap3A, %swap3A_27] : memref<2000x128xf32, #tpu.memory_space<vmem>>, vector<2000x128xf32>
    tpu.vector_store %arg5[%swap3A, %swap3A_27], %add3A_26 {strides = array<i32>} : memref<2000x128xf32, #tpu.memory_space<vmem>>, vector<2000x128xf32>,
    return
  }
  func.func @transform_0(%arg0: i32) -> (i32, i32) {
    %c0_i32 = arith.constant 0 : i32
    %c0_i32_0 = arith.constant 0 : i32
    return %arg0, %c0_i32 : i32, i32
  }
  func.func @transform_1(%arg0: i32) -> (i32, i32, i32) {
    %c0_i32 = arith.constant 0 : i32
    %c0_i32_0 = arith.constant 0 : i32
    %c0_i32_1 = arith.constant 0 : i32
    return %c0_i32, %arg0, %c0_i32_0 : i32, i32, i32
  }
  func.func @transform_2(%arg0: i32) -> (i32, i32) {
    %c0_i32 = arith.constant 0 : i32
    %c0_i32_0 = arith.constant 0 : i32
    %c0_i32_1 = arith.constant 0 : i32
    return %c0_i32, %c0_i32_0 : i32, i32
  }
  func.func @transform_3(%arg0: i32) -> (i32, i32) {
    %c0_i32 = arith.constant 0 : i32
    %c0_i32_0 = arith.constant 0 : i32
    %c0_i32_1 = arith.constant 0 : i32
    return %c0_i32, %c0_i32_0 : i32, i32
  }
  func.func @transform_4(%arg0: i32) -> (i32, i32) {
    %c0_i32 = arith.constant 0 : i32
    %c0_i32_0 = arith.constant 0 : i32
    return %arg0, %c0_i32 : i32, i32
  }
}

</mosaic_0001>

<sc_bundles>
// kernel: kernel.4.cloned.1.call-start
scs
__scs_entry_jumppad:
0x0: {  	(pc) =	sbr.rel $0x88, $3  }
0x1: {  	(tag) =	ssettag $0x0;
	lr =	simm.s32 $0x1  }
0x2: {  	[smem:$0x3F9C] =	sst lr;
	_ =	strace $0xD0000000  }
0x3: {  	_ = 	snop  }
0x4: {  	_ = 	snop  }
0x5: {  	_ = 	snop  }
0x6: {  	_ = 	snop  }
0x7: {  	_ = 	snop  }
__scs_overlays_trampoline_lowered:
0x8: {  	[smem:$0x3FAB] =	sst s0  }
0x9: {  	[smem:$0x3FAC] =	sst s1  }
0xa: {  	[smem:$0x3FAD] =	sst s2  }
0xb: {  	[smem:$0x3FAE] =	sst s3  }
0xc: {  	[smem:$0x3FAF] =	sst s4  }
0xd: {  	[smem:$0x3FB0] =	sst s5  }
0xe: {  	[smem:$0x3FB1] =	sst s6  }
0xf: {  	[smem:$0x3FB2] =	sst s7  }
0x10: {  	[smem:$0x3FB3] =	sst s8  }
0x11: {  	[smem:$0x3FB4] =	sst s9;
	s0 =	simm.s32 @!p0 $0x0  }
0x12: {  	s1 =	sld [smem:$0x3F9A];
	s0 =	simm.s32 @p0 $0x1  }
0x13: {  	[smem:$0x3FB5] =	sst s0;
	s0 =	simm.s32 @!p1 $0x0  }
0x14: {  	s2 =	sld [smem:$0x3F99];
	s0 =	simm.s32 @p1 $0x1  }
0x15: {  	[smem:$0x3FB6] =	sst s0;
	s0 =	simm.s32 @!p2 $0x0  }
0x16: {  	s3 =	sld [smem:$0x3FDB];
	s0 =	simm.s32 @p2 $0x1  }
0x17: {  	s4 =	simm.s32 $0x1BF5;
	[smem:$0x3FB8] =	sst s0  }
0x18: {  	s0 =	sld [smem:$0x3F9B];
	_ =	swait.ge [sflag:s4], $0x0  }
0x19: {  	s7 =	sld [smem:$0x3F9C]  }
0x1a: {  	s8 =	sadd.s32 $0xFFFFE003, lr  }
0x1b: {  	s9 =	sadd.s32 $0xFFFFFEF7, lr;
	s5 =	simm.s32 $0xFFFFFFFF;
	p2 =	slt.u32 s8, $0xFFFFF086  }
0x1c: {  	p1 =	slt.u32 s9, $0xF7A;
	s5 =	simm.s32 @!p2 $0x0  }
0x1d: {  	s5 =	simm.s32 @p1 $0x1;
	p0 =	seq.s32 s7, s2  }
0x1e: {  	s7 =	smul.u32 @!p0 $0xF7A, s2;
	p2 =	seq.s32 @!p0 s5, $0x0  }
0x1f: {  	s9 =	smul.u32 $0xF7A, s1;
	s8 =	simm.s32 @!p0 $0x1BF5;
	p2 =	por !p2, p0  }
0x20: {  	[sflag:s8] =	ssyncset.s32 @!p0 $0xFFFFF086;
	s6 =	sadd.s32 @!p0 s3, s7;
	s7 =	simm.s32 @!p0 $0x108  }
0x21: {  	s3 =	sadd.s32 s3, s9;
	s6 =	sadd.s32 @!p0 $0x88, s6;
	s7 =	simm.s32 @p2 $0x1082  }
0x22: {  	[simem:s7], [sflag:s8] =	dma.local @!p0 [hbm:s6], $0xF7A  }
0x23: {  	s9 =	sor.u32 $0xD0000000, s2;
	s6 =	simm.s32 $0x108;
	_ =	swait.ge @!p0 [sflag:s8], $0x0  }
0x24: {  	s3 =	sadd.s32 $0x88, s3;
	s6 =	simm.s32 @!p1 $0x1082;
	[sflag:s4] =	ssyncset.s32 $0xFFFFF086  }
0x25: {  	[simem:s6], [sflag:s4] =	dma.local [hbm:s3], $0xF7A  }
0x26: {  	[smem:$0x3F9C] =	sst s1;
	(tag) =	ssettag s2;
	_ =	strace s9  }
0x27: {  	s1 =	sld [smem:$0x3FAC]  }
0x28: {  	s2 =	sld [smem:$0x3FAD]  }
0x29: {  	s4 =	sld [smem:$0x3FAF]  }
0x2a: {  	p0 =	seq.s32 s5, $0x0;
	s5 =	sld [smem:$0x3FB0]  }
0x2b: {  	s6 =	sld [smem:$0x3FB1]  }
0x2c: {  	s7 =	sld [smem:$0x3FB2]  }
0x2d: {  	s3 =	simm.s32 $0x108;
	s8 =	sld [smem:$0x3FB3]  }
0x2e: {  	s3 =	simm.s32 @!p0 $0x1082;
	s9 =	sld [smem:$0x3FB4]  }
0x2f: {  	lr =	sadd.s32 s0, s3;
	s0 =	sld [smem:$0x3FAB]  }
0x30: {  	s3 =	sld [smem:$0x3FAE]  }
0x31: {  	[smem:$0x3FB7] =	sst s10  }
0x32: {  	s10 =	sld [smem:$0x3FB5];
	_ =	sdelay $0x3  }
0x33: {  	p0 =	seq.s32 s10, $0x1;
	s10 =	sld [smem:$0x3FB7];
	_ =	sdelay $0x3  }
0x34: {  	[smem:$0x3FB7] =	sst s10  }
0x35: {  	s10 =	sld [smem:$0x3FB6];
	_ =	sdelay $0x3  }
0x36: {  	p1 =	seq.s32 s10, $0x1;
	s10 =	sld [smem:$0x3FB7];
	_ =	sdelay $0x3  }
0x37: {  	[smem:$0x3FB7] =	sst s10  }
0x38: {  	s10 =	sld [smem:$0x3FB8]  }
0x39: {  	_ = 	snop;
	(pc) =	sbr.ind lr, $3  }
0x3a: {  	_ = 	snop  }
0x3b: {  	_ = 	snop  }
0x3c: {  	p2 =	seq.s32 s10, $0x1;
	s10 =	sld [smem:$0x3FB7]  }
0x3d: {  	_ =	shalt  }
0x3e: {  	_ =	shalt  }
0x3f: {  	_ =	shalt  }
0x40: {  	_ =	shalt  }
0x41: {  	_ =	shalt  }
0x42: {  	_ =	shalt  }
0x43: {  	_ =	shalt  }
0x44: {  	_ =	shalt  }
0x45: {  	_ =	shalt  }
0x46: {  	_ =	shalt  }
0x47: {  	_ =	shalt  }
0x48: {  	_ =	shalt  }
0x49: {  	_ =	shalt  }
0x4a: {  	_ =	shalt  }
0x4b: {  	_ =	shalt  }
0x4c: {  	_ =	shalt  }
0x4d: {  	_ =	shalt  }
0x4e: {  	_ =	shalt  }
0x4f: {  	_ =	shalt  }
0x50: {  	_ =	shalt  }
0x51: {  	_ =	shalt  }
0x52: {  	_ =	shalt  }
0x53: {  	_ =	shalt  }
0x54: {  	_ =	shalt  }
0x55: {  	_ =	shalt  }
0x56: {  	_ =	shalt  }
0x57: {  	_ =	shalt  }
0x58: {  	_ =	shalt  }
0x59: {  	_ =	shalt  }
0x5a: {  	_ =	shalt  }
0x5b: {  	_ =	shalt  }
0x5c: {  	_ =	shalt  }
0x5d: {  	_ =	shalt  }
0x5e: {  	_ =	shalt  }
0x5f: {  	_ =	shalt  }
0x60: {  	_ =	shalt  }
0x61: {  	_ =	shalt  }
0x62: {  	_ =	shalt  }
0x63: {  	_ =	shalt  }
0x64: {  	_ =	shalt  }
0x65: {  	_ =	shalt  }
0x66: {  	_ =	shalt  }
0x67: {  	_ =	shalt  }
0x68: {  	_ =	shalt  }
0x69: {  	_ =	shalt  }
0x6a: {  	_ =	shalt  }
0x6b: {  	_ =	shalt  }
0x6c: {  	_ =	shalt  }
0x6d: {  	_ =	shalt  }
0x6e: {  	_ =	shalt  }
0x6f: {  	_ =	shalt  }
0x70: {  	_ =	shalt  }
0x71: {  	_ =	shalt  }
0x72: {  	_ =	shalt  }
0x73: {  	_ =	shalt  }
0x74: {  	_ =	shalt  }
0x75: {  	_ =	shalt  }
0x76: {  	_ =	shalt  }
0x77: {  	_ =	shalt  }
0x78: {  	_ =	shalt  }
0x79: {  	_ =	shalt  }
0x7a: {  	_ =	shalt  }
0x7b: {  	_ =	shalt  }
0x7c: {  	_ =	shalt  }
0x7d: {  	_ =	shalt  }
0x7e: {  	_ =	shalt  }
0x7f: {  	_ =	shalt  }
0x80: {  	_ =	shalt  }
0x81: {  	_ =	shalt  }
0x82: {  	_ =	shalt  }
0x83: {  	_ =	shalt  }
0x84: {  	_ =	shalt  }
0x85: {  	_ =	shalt  }
0x86: {  	_ =	shalt  }
0x87: {  	_ =	shalt  }
.Lfunc_end0:
.L_simem_size_0:
called_computation_lowered:
.L_overlay_start_0:
0x88: {  	s2 =	sld [smem:$0x3FD9]  }
0x89: {  	s3 =	sld [smem:$0x3FFE];
	_ =	sdelay $0x1  }
0x8a: {  	s1 =	srdreg.scid  }
0x8b: {  	s0 =	sand.u32 $0x1, s1  }
0x8c: {  	s18 =	sshll.u32 s0, $0xA;
	s2 =	sadd.s32 s3, s2  }
0x8d: {  	s2 =	sadd.s32 s2, s18  }
0x8e: {  	[smem:$0x3FC3] =	sst s2  }
0x8f: {  	_ = 	snop  }
0x90: {  	s2 =	sld [smem:$0x3FC8]  }
0x91: {  	s19 =	sld [smem:$0x3FC7]  }
0x92: {  	s4 =	sld [smem:$0x3FD0];
	(tm) =	ssettm $0x1  }
0x93: {  	s5 =	sld [smem:$0x3FFB];
	_ =	sdelay $0x3  }
0x94: {  	_ =	strace s5  }
0x95: {  	s5 =	sld [smem:$0x3FFC];
	_ =	sdelay $0x3  }
0x96: {  	_ =	strace s5  }
0x97: {  	s5 =	sld [smem:$0x3FFD];
	_ =	sdelay $0x3  }
0x98: {  	_ =	strace s5  }
0x99: {  	_ =	strace $0x8FFFFFFF  }
0x9a: {  	s20 =	sld [smem:$0x3FDB];
	_ =	sdelay $0x1  }
0x9b: {  	s6 =	simm.s32 $_scs_section_size  }
0x9c: {  	s7 =	simm.s32 $_size__tile_overlayer_lowered;
	s8 =	simm.s32 $_tile_overlayer_lowered  }
0x9d: {  	s23 =	simm.s32 $0x1BFF;
	s22 =	sshll.u32 s8, $0x1;
	s5 =	sadd.s32 s6, s20  }
0x9e: {  	s9 =	simm.s32 $0x0;
	s21 =	sshll.u32 s7, $0x1;
	s7 =	sadd.s32 s22, s5  }
0x9f: {  	[timem:s9], [sflag:s23] =	dma.local [hbm:s7], s21  }
0xa0: {  	_ =	swait.ge [sflag:s23], s21  }
0xa1: {  	s6 =	ssub.s32 $0x0, s21;
	[sflag:s23] =	ssyncset.done $0x0  }
0xa2: {  	[sflag:s23] =	ssyncadd.s32 s6;
	_ =	sdelay $0x1  }
0xa3: {  	s24 =	simm.s32 $0x1B8B  }
0xa4: {  	_ =	swait.ge [sflag:s24], $0x1  }
0xa5: {  	[sflag:s24] =	ssyncset.done $0x0  }
0xa6: {  	s25 =	simm.s32 $0x1B8E;
	[sflag:s24] =	ssyncadd.s32 $0xFFFFFFFF  }
0xa7: {  	s26 =	simm.s32 $execute0_lowered;
	[smem:$0x3FD2] =	sst s25  }
0xa8: {  	s6 =	sshll.u32 s26, $0x1;
	_ =	strace $0x80000046;
	[dreg:$0x1] =	wrdreg $0xFFFFFFFF  }
0xa9: {  	s28 =	simm.s32 $_size_execute0_lowered;
	s5 =	sadd.s32 s5, s6;
	[dreg:$0x0] =	wrdreg $0x0  }
0xaa: {  	s6 =	sshll.u32 s28, $0x1;
	[dreg:$0x2] =	wrdreg s5  }
0xab: {  	[dreg:$0x3] =	wrdreg s6  }
0xac: {  	[dreg:$0x4] =	wrdreg $0xC0  }
0xad: {  	_ =	task [dreg:s9], $0x5FFFF  }
0xae: {  	[dreg:$0x1] =	wrdreg $0xFFFFFFFF  }
0xaf: {  	[dreg:$0x0] =	wrdreg $0x60  }
0xb0: {  	[dreg:$0x2] =	wrdreg s2  }
0xb1: {  	[dreg:$0x3] =	wrdreg s19  }
0xb2: {  	[dreg:$0x4] =	wrdreg s4  }
0xb3: {  	[dreg:$0x5] =	wrdreg $0x120000  }
0xb4: {  	[dreg:$0x6] =	wrdreg $0x9  }
0xb5: {  	_ =	task.clear_ibuf [dreg:s9], $0x7FFFF;
	_ =	strace $0x90000046  }
0xb6: {  	s29 =	simm.s32 $0x9;
	_ =	strace $0x80000048  }
0xb7: {  	_ =	swait.ge [sflag:s29], $0x1  }
0xb8: {  	[sflag:s29] =	ssyncadd.s32 $0xFFFFFFFF  }
0xb9: {  	_ =	strace $0x90000048  }
0xba: {  	_ =	sfence  }
0xbb: {  	s30 =	sld [smem:$0x0];
	_ =	sdelay $0x2  }
0xbc: {  	s31 =	sshll.u32 s1, $0xD;
	s1 =	sshrl.u32 s1, $0x2  }
0xbd: {  	s3 =	sand.u32 $0x4000, s31;
	s1 =	sadd.s32 s1, s30  }
0xbe: {  	s0 =	sor.u32 s3, s0;
	s1 =	sshll.u32 s1, $0x11  }
0xbf: {  	s0 =	sor.u32 s1, s0  }
0xc0: {  	s0 =	sadd.s32 $0x8F2B, s0  }
0xc1: {  	[sflag:s0] =	ssyncadd.remote.s32 $0x1  }
0xc2: {  	_ =	sfence.sel $0xFFFF  }
0xc3: {  	[dreg:$0x0] =	wrdreg $0xFFFFFFFF;
	(pc) =	sbr.abs _section_cstart, $3  }
0xc4: {  	[dreg:$0x1] =	wrdreg $0xFFFFFFFF  }
0xc5: {  	_ =	task.clear_ibuf [dreg:s9], $0x2FFFF;
	_ =	strace $0x9FFFFFFF  }
0xc6: {  	(tm) =	ssettm $0x7FFFFFFF  }
0xc7: {  	_ =	shalt  }
tec
execute0_lowered:
.L_overlay_start_1:
0x0: {  	(tag) =	ssettag $0x1  }
0x1: {  	s0 =	rddreg [dreg:$0x0]  }
0x2: {  	s1 =	rddreg [dreg:$0x1];
	s4 =	srdreg.scid  }
0x3: {  	s3 =	rddreg [dreg:$0x2];
	s4 =	sand.u32 $0x1, s4  }
0x4: {  	s2 =	rddreg [dreg:$0x3];
	s11 =	stileid.u32;
	s23 =	sshll.u32 s4, $0x4  }
0x5: {  	s5 =	simm.s32 $0x0;
	s8 =	smul.u32 $0x2800, s11;
	s7 =	sor.u32 s11, s23  }
0x6: {  	[smem:$0x7FF] =	sst s5;
	s9 =	smul.u32 $0x9C0, s7  }
0x7: {  	s10 =	sshll.u32 s11, $0x5;
	s28 =	sadd.s32 $0x10, s1;
	_ =	strace $0x80000047  }
0x8: {  	s20 =	sadd.s32 s8, s2;
	s11 =	sshll.u32 s11, $0x7;
	s9 =	sadd.s32 s9, s0  }
0x9: {  	[dreg:$0x5] =	wrdreg s20;
	s0 =	sadd.s32 s10, s0;
	s9 =	sadd.s32 $0x10, s9  }
0xa: {  	s0 =	sadd.s32 $0x13810, s0;
	[dreg:$0x6] =	wrdreg s9;
	s9 =	sadd.s32 s11, s1  }
0xb: {  	s29 =	sadd.s32 $0x20, s1;
	[dreg:$0x7] =	wrdreg s0;
	s25 =	sadd.s32 $0x4E000, s9  }
0xc: {  	s30 =	sadd.s32 $0x30, s1;
	s26 =	sadd.s32 $0x4E010, s9;
	[dreg:$0x8] =	wrdreg s25  }
0xd: {  	s31 =	sadd.s32 $0x40, s1;
	s10 =	sadd.s32 $0x4E020, s9;
	[dreg:$0x9] =	wrdreg s26  }
0xe: {  	s6 =	ssub.s32 $0x2, s4;
	s11 =	sadd.s32 $0x4E030, s9;
	[dreg:$0xa] =	wrdreg s10  }
0xf: {  	s12 =	smul.u32 $0x28000, s4;
	s13 =	sadd.s32 $0x4E040, s9;
	[dreg:$0xb] =	wrdreg s11  }
0x10: {  	s4 =	sadd.s32 $0x60, s1;
	s14 =	sadd.s32 $0x4E050, s9;
	[dreg:$0xc] =	wrdreg s13  }
0x11: {  	s24 =	sshrl.u32 s6, $0x1;
	s15 =	sadd.s32 $0x4E060, s9;
	[dreg:$0xd] =	wrdreg s14  }
0x12: {  	s6 =	ssub.s32 s6, s24;
	s16 =	sadd.s32 $0x4E070, s9;
	[dreg:$0xe] =	wrdreg s15  }
0x13: {  	s5 =	smul.u32 $0x4E, s7;
	s17 =	sadd.s32 $0x9C200, s9;
	[dreg:$0xf] =	wrdreg s16  }
0x14: {  	p0 =	sgt.u32 s7, $0x3;
	s18 =	sadd.s32 $0x9C210, s9;
	[dreg:$0x10] =	wrdreg s17  }
0x15: {  	s7 =	simm.s32 $0x7C80;
	s19 =	sadd.s32 $0x9C220, s9;
	[dreg:$0x11] =	wrdreg s18  }
0x16: {  	s0 =	sadd.s32 s8, s12;
	s21 =	sadd.s32 $0x9C230, s9;
	[dreg:$0x12] =	wrdreg s19  }
0x17: {  	s8 =	simm.s32 $0x8300;
	s22 =	sadd.s32 $0x9C240, s9;
	[dreg:$0x13] =	wrdreg s21  }
0x18: {  	s12 =	simm.s32 $0xE000;
	s23 =	sadd.s32 $0x9C250, s9;
	[dreg:$0x15] =	wrdreg s22  }
0x19: {  	s0 =	sshrl.u32 s0, $0x3;
	s24 =	sadd.s32 $0x9C260, s9;
	[dreg:$0x16] =	wrdreg s23  }
0x1a: {  	s0 =	sadd.s32 s3, s0;
	[dreg:$0x17] =	wrdreg s24;
	s25 =	sadd.s32 $0x9C270, s9  }
0x1b: {  	s26 =	smax.u32 s6, $0x1;
	s9 =	sadd.s32 $0x70, s1;
	s11 =	simm.s32 $0x1  }
0x1c: {  	s10 =	simm.s32 $0x80;
	s13 =	simm.s32 $0x400;
	s24 =	simm.s32 $0x6900  }
.Ltmp0:
0x1d: {  	s3 =	simm.s32 $0x7600;
	s21 =	simm.s32 $0x8980;
	(pc) =	sbr.rel .LBB2_1-.Ltmp0, $4  }
0x1e: {  	s17 =	simm.s32 $0xC800;
	s14 =	simm.s32 $0xD000;
	[dreg:$0x14] =	wrdreg s0  }
0x1f: {  	s18 =	simm.s32 $0xD800;
	s19 =	simm.s32 $0xE800;
	[dreg:$0x18] =	wrdreg s25  }
0x20: {  	v1 =	vlaneseq.u32;
	s15 =	simm.s32 $0xF000;
	s23 =	simm.s32 $0x0;
	[dreg:$0x19] =	wrdreg s26  }
0x21: {  	v0 =	vimm.f32 $0.0e+00;
	v1 =	vmul.u32 $0x10, v1;
	s0 =	sadd.s32 $0x50, s1;
	s25 =	simm.s32 $0x6F80;
	s26 =	simm.s32 $0x9000  }
.LBB2_11:
0x22: {  	s6 =	stileid.u32;
	[bflag:$0x0] =	sbarrier.arrive $0xFFFF  }
0x23: {  	s6 =	sshll.u32 s6, $0x6;
	s20 =	rddreg [dreg:$0x5]  }
0x24: {  	s22 =	rddreg [dreg:$0x14];
	s6 =	sor.u32 $0x1C01, s6;
	s16 =	sshrl.u32 s20, $0x3  }
0x25: {  	[hbm:s22], [sflag:s6] =	dma.local [spmem:s16], $0x500  }
0x26: {  	_ =	swait.ge [sflag:s11], $0x500  }
0x27: {  	s23 =	sadd.s32 $0x1, s23;
	s22 =	rddreg [dreg:$0x19]  }
0x28: {  	p1 =	sne.s32 s23, s22  }
.Ltmp1:
0x29: {  	_ = 	snop;
	(pc) =	sbr.rel @!p1 .LBB2_12-.Ltmp1, $3  }
0x2a: {  	_ =	sdelay $0x1  }
0x2b: {  	[sflag:s11] =	ssyncset.done $0x0  }
0x2c: {  	[sflag:s11] =	ssyncadd.s32 $0xFFFFFB00  }
.LBB2_1:
0x2d: {  	[dreg:$0x1a] =	wrdreg s23;
	s6 =	simm.s32 $0x40;
	s16 =	simm.s32 $0x0  }
.LBB2_2:
0x2e: {  	p1 =	sne.s32 s6, $0x9FC0;
	[tilespmem:s16+$0xF800] =	vst v0;
	s16 =	smov.u32 s6;
	s6 =	sadd.s32 $0x40, s6  }
.Ltmp2:
0x2f: {  	(pc) =	sbr.rel @p1 .LBB2_2-.Ltmp2, $2  }
0x30: {  	_ =	sdelay $0x2  }
0x31: {  	s16 =	sshra.s32 s16, $0x2  }
0x32: {  	[tilespmem:s16+$0xF800] =	vst v0;
	s6 =	simm.s32 $0xF800  }
0x33: {  	[spmem:s20] =	stream.linear.scatter [tilespmem:s6], [sflag:$0x1], $0x2800, $0x38;
	[tilespmem:$0x14800] =	vst v63  }
0x34: {  	_ =	swait.ge [sflag:s11], $0x2800  }
0x35: {  	s23 =	simm.s32 $0x100;
	[sflag:s11] =	ssyncset.done $0x0  }
0x36: {  	s20 =	simm.s32 $0x0;
	s22 =	rddreg [dreg:$0x6];
	[sflag:s11] =	ssyncadd.s32 $0xFFFFD800  }
0x37: {  	[tilespmem:s20], [sflag:$0x1] =	stream.strided.gather [hbm4b:s22+s10], $0x2700, s23, s10, $0x38;
	[tilespmem:$0x14800] =	vst v63  }
0x38: {  	_ =	swait.ge [sflag:s11], $0x2700  }
0x39: {  	s16 =	simm.s32 @!p0 $0x2700;
	[sflag:s11] =	ssyncset.done $0x0  }
0x3a: {  	s6 =	simm.s32 @!p0 $0x0;
	s20 =	rddreg [dreg:$0x7];
	[sflag:s11] =	ssyncadd.s32 $0xFFFFD900  }
0x3b: {  	[tilespmem:s16], [sflag:$0x1] =	stream.linear.gather @!p0 [hbm4b:s20+s6], $0x80, $0x38;
	[tilespmem:$0x14800] =	vst v63  }
0x3c: {  	s6 =	simm.s32 @!p0 $0x1  }
0x3d: {  	_ =	swait.ge @!p0 [sflag:s6], $0x80  }
0x3e: {  	[sflag:s6] =	ssyncset.done @!p0 $0x0  }
0x3f: {  	[sflag:s6] =	ssyncadd.s32 @!p0 $0xFFFFFF80  }
0x40: {  	s20 =	simm.s32 $0x0;
	s16 =	simm.s32 $0x0;
	[bflag:$0x0] =	sbarrier.arrive $0xFFFF  }
.LBB2_4:
0x41: {  	s6 =	smul.u32 $0xD, s16;
	_ =	sdelay $0x1  }
0x42: {  	s6 =	sadd.s32 s5, s6  }
0x43: {  	s6 =	sshll.u32 s6, $0x7  }
0x44: {  	s23 =	simm.s32 $0x2800;
	s22 =	sadd.s32 s1, s6  }
0x45: {  	[tilespmem:s23], [sflag:$0x1] =	stream.strided.gather [hbm4b:s22+s10], $0x680, s13, s10, $0x38;
	[tilespmem:$0x14800] =	vst v63  }
0x46: {  	_ =	swait.ge [sflag:s11], $0x680  }
0x47: {  	[sflag:s11] =	ssyncset.done $0x0  }
0x48: {  	s22 =	sadd.s32 s6, s28;
	s23 =	simm.s32 $0x2E80;
	[sflag:s11] =	ssyncadd.s32 $0xFFFFF980  }
0x49: {  	[tilespmem:s23], [sflag:$0x1] =	stream.strided.gather [hbm4b:s22+s10], $0x680, s13, s10, $0x38;
	[tilespmem:$0x14800] =	vst v63  }
0x4a: {  	_ =	swait.ge [sflag:s11], $0x680  }
0x4b: {  	[sflag:s11] =	ssyncset.done $0x0  }
0x4c: {  	s22 =	sadd.s32 s6, s29;
	s23 =	simm.s32 $0x3500;
	[sflag:s11] =	ssyncadd.s32 $0xFFFFF980  }
0x4d: {  	[tilespmem:s23], [sflag:$0x1] =	stream.strided.gather [hbm4b:s22+s10], $0x680, s13, s10, $0x38;
	[tilespmem:$0x14800] =	vst v63  }
0x4e: {  	_ =	swait.ge [sflag:s11], $0x680  }
0x4f: {  	[sflag:s11] =	ssyncset.done $0x0  }
0x50: {  	s22 =	sadd.s32 s6, s30;
	s23 =	simm.s32 $0x3B80;
	[sflag:s11] =	ssyncadd.s32 $0xFFFFF980  }
0x51: {  	[tilespmem:s23], [sflag:$0x1] =	stream.strided.gather [hbm4b:s22+s10], $0x680, s13, s10, $0x38;
	[tilespmem:$0x14800] =	vst v63  }
0x52: {  	_ =	swait.ge [sflag:s11], $0x680  }
0x53: {  	[sflag:s11] =	ssyncset.done $0x0  }
0x54: {  	s22 =	sadd.s32 s6, s31;
	s23 =	simm.s32 $0x4200;
	[sflag:s11] =	ssyncadd.s32 $0xFFFFF980  }
0x55: {  	[tilespmem:s23], [sflag:$0x1] =	stream.strided.gather [hbm4b:s22+s10], $0x680, s13, s10, $0x38;
	[tilespmem:$0x14800] =	vst v63  }
0x56: {  	_ =	swait.ge [sflag:s11], $0x680  }
0x57: {  	[sflag:s11] =	ssyncset.done $0x0  }
0x58: {  	s22 =	sadd.s32 s6, s0;
	s23 =	simm.s32 $0x4880;
	[sflag:s11] =	ssyncadd.s32 $0xFFFFF980  }
0x59: {  	[tilespmem:s23], [sflag:$0x1] =	stream.strided.gather [hbm4b:s22+s10], $0x680, s13, s10, $0x38;
	[tilespmem:$0x14800] =	vst v63  }
0x5a: {  	_ =	swait.ge [sflag:s11], $0x680  }
0x5b: {  	[sflag:s11] =	ssyncset.done $0x0  }
0x5c: {  	s22 =	sadd.s32 s6, s4;
	s23 =	simm.s32 $0x4F00;
	[sflag:s11] =	ssyncadd.s32 $0xFFFFF980  }
0x5d: {  	[tilespmem:s23], [sflag:$0x1] =	stream.strided.gather [hbm4b:s22+s10], $0x680, s13, s10, $0x38;
	[tilespmem:$0x14800] =	vst v63  }
0x5e: {  	_ =	swait.ge [sflag:s11], $0x680  }
0x5f: {  	[sflag:s11] =	ssyncset.done $0x0  }
0x60: {  	s22 =	sadd.s32 s6, s9;
	s23 =	simm.s32 $0x5580;
	[sflag:s11] =	ssyncadd.s32 $0xFFFFF980  }
0x61: {  	[tilespmem:s23], [sflag:$0x1] =	stream.strided.gather [hbm4b:s22+s10], $0x680, s13, s10, $0x38;
	[tilespmem:$0x14800] =	vst v63  }
0x62: {  	s6 =	sand.u32 $0x1FFFFF80, s6;
	_ =	swait.ge [sflag:s11], $0x680  }
0x63: {  	s6 =	sadd.s32 s1, s6;
	[sflag:s11] =	ssyncset.done $0x0  }
0x64: {  	s22 =	sadd.s32 $0x4E200, s6;
	s23 =	simm.s32 $0x5C00;
	[sflag:s11] =	ssyncadd.s32 $0xFFFFF980  }
0x65: {  	[tilespmem:s23], [sflag:$0x1] =	stream.strided.gather [hbm4b:s22+s10], $0x680, s13, s10, $0x38;
	[tilespmem:$0x14800] =	vst v63  }
0x66: {  	_ =	swait.ge [sflag:s11], $0x680  }
0x67: {  	[sflag:s11] =	ssyncset.done $0x0  }
0x68: {  	s22 =	sadd.s32 $0x4E210, s6;
	s23 =	simm.s32 $0x6280;
	[sflag:s11] =	ssyncadd.s32 $0xFFFFF980  }
0x69: {  	[tilespmem:s23], [sflag:$0x1] =	stream.strided.gather [hbm4b:s22+s10], $0x680, s13, s10, $0x38;
	[tilespmem:$0x14800] =	vst v63  }
0x6a: {  	_ =	swait.ge [sflag:s11], $0x680  }
0x6b: {  	[sflag:s11] =	ssyncset.done $0x0  }
0x6c: {  	s23 =	sadd.s32 $0x4E220, s6;
	[sflag:s11] =	ssyncadd.s32 $0xFFFFF980  }
0x6d: {  	[tilespmem:s24], [sflag:$0x1] =	stream.strided.gather [hbm4b:s23+s10], $0x680, s13, s10, $0x38;
	[tilespmem:$0x14800] =	vst v63  }
0x6e: {  	_ =	swait.ge [sflag:s11], $0x680  }
0x6f: {  	[sflag:s11] =	ssyncset.done $0x0  }
0x70: {  	s23 =	sadd.s32 $0x4E230, s6;
	[sflag:s11] =	ssyncadd.s32 $0xFFFFF980  }
0x71: {  	[tilespmem:s25], [sflag:$0x1] =	stream.strided.gather [hbm4b:s23+s10], $0x680, s13, s10, $0x38;
	[tilespmem:$0x14800] =	vst v63  }
0x72: {  	_ =	swait.ge [sflag:s11], $0x680  }
0x73: {  	[sflag:s11] =	ssyncset.done $0x0  }
0x74: {  	s23 =	sadd.s32 $0x4E240, s6;
	[sflag:s11] =	ssyncadd.s32 $0xFFFFF980  }
0x75: {  	[tilespmem:s3], [sflag:$0x1] =	stream.strided.gather [hbm4b:s23+s10], $0x680, s13, s10, $0x38;
	[tilespmem:$0x14800] =	vst v63  }
0x76: {  	_ =	swait.ge [sflag:s11], $0x680  }
0x77: {  	[sflag:s11] =	ssyncset.done $0x0  }
0x78: {  	s23 =	sadd.s32 $0x4E250, s6;
	[sflag:s11] =	ssyncadd.s32 $0xFFFFF980  }
0x79: {  	[tilespmem:s7], [sflag:$0x1] =	stream.strided.gather [hbm4b:s23+s10], $0x680, s13, s10, $0x38;
	[tilespmem:$0x14800] =	vst v63  }
0x7a: {  	_ =	swait.ge [sflag:s11], $0x680  }
0x7b: {  	[sflag:s11] =	ssyncset.done $0x0  }
0x7c: {  	s23 =	sadd.s32 $0x4E260, s6;
	[sflag:s11] =	ssyncadd.s32 $0xFFFFF980  }
0x7d: {  	[tilespmem:s8], [sflag:$0x1] =	stream.strided.gather [hbm4b:s23+s10], $0x680, s13, s10, $0x38;
	[tilespmem:$0x14800] =	vst v63  }
0x7e: {  	_ =	swait.ge [sflag:s11], $0x680  }
0x7f: {  	[sflag:s11] =	ssyncset.done $0x0  }
0x80: {  	s6 =	sadd.s32 $0x4E270, s6;
	[sflag:s11] =	ssyncadd.s32 $0xFFFFF980  }
0x81: {  	[tilespmem:s21], [sflag:$0x1] =	stream.strided.gather [hbm4b:s6+s10], $0x680, s13, s10, $0x38;
	[tilespmem:$0x14800] =	vst v63  }
0x82: {  	_ =	swait.ge [sflag:s11], $0x680  }
0x83: {  	v2 =	vmov s20;
	[sflag:s11] =	ssyncset.done $0x0  }
0x84: {  	v2 =	vshll.u32 v2, $0x4;
	s23 =	sand.u32 $0x7F0, s20;
	[sflag:s11] =	ssyncadd.s32 $0xFFFFF980  }
0x85: {  	v2 =	vor.u32 v1, v2;
	v3 =	vld [tilespmem:s23+$0x2800];
	_ =	sdelay $0x4  }
0x86: {  	[tilespmem:v2+s26+$0x0] =	vst.idx.msk $0xffff, v3  }
0x87: {  	v4 =	vor.u32 $0x1, v2;
	v3 =	vld [tilespmem:s23+$0x2E80];
	_ =	sdelay $0x4  }
0x88: {  	[tilespmem:v4+s26+$0x0] =	vst.idx.msk $0xffff, v3  }
0x89: {  	v4 =	vor.u32 $0x2, v2;
	v3 =	vld [tilespmem:s23+$0x3500];
	_ =	sdelay $0x4  }
0x8a: {  	[tilespmem:v4+s26+$0x0] =	vst.idx.msk $0xffff, v3  }
0x8b: {  	v4 =	vor.u32 $0x3, v2;
	v3 =	vld [tilespmem:s23+$0x3B80];
	_ =	sdelay $0x4  }
0x8c: {  	[tilespmem:v4+s26+$0x0] =	vst.idx.msk $0xffff, v3  }
0x8d: {  	v4 =	vor.u32 $0x4, v2;
	v3 =	vld [tilespmem:s23+$0x4200];
	_ =	sdelay $0x4  }
0x8e: {  	[tilespmem:v4+s26+$0x0] =	vst.idx.msk $0xffff, v3  }
0x8f: {  	v4 =	vor.u32 $0x5, v2;
	v3 =	vld [tilespmem:s23+$0x4880];
	_ =	sdelay $0x4  }
0x90: {  	[tilespmem:v4+s26+$0x0] =	vst.idx.msk $0xffff, v3  }
0x91: {  	v4 =	vor.u32 $0x6, v2;
	v3 =	vld [tilespmem:s23+$0x4F00];
	_ =	sdelay $0x4  }
0x92: {  	[tilespmem:v4+s26+$0x0] =	vst.idx.msk $0xffff, v3  }
0x93: {  	v4 =	vor.u32 $0x7, v2;
	v3 =	vld [tilespmem:s23+$0x5580];
	_ =	sdelay $0x4  }
0x94: {  	[tilespmem:v4+s26+$0x0] =	vst.idx.msk $0xffff, v3  }
0x95: {  	v4 =	vor.u32 $0x8, v2;
	v3 =	vld [tilespmem:s23+$0x5C00];
	_ =	sdelay $0x4  }
0x96: {  	[tilespmem:v4+s26+$0x0] =	vst.idx.msk $0xffff, v3  }
0x97: {  	v4 =	vor.u32 $0x9, v2;
	v3 =	vld [tilespmem:s23+$0x6280];
	_ =	sdelay $0x4  }
0x98: {  	[tilespmem:v4+s26+$0x0] =	vst.idx.msk $0xffff, v3  }
0x99: {  	v4 =	vor.u32 $0xA, v2;
	v3 =	vld [tilespmem:s23+$0x6900];
	_ =	sdelay $0x4  }
0x9a: {  	[tilespmem:v4+s26+$0x0] =	vst.idx.msk $0xffff, v3  }
0x9b: {  	v4 =	vor.u32 $0xB, v2;
	v3 =	vld [tilespmem:s23+$0x6F80];
	_ =	sdelay $0x4  }
0x9c: {  	[tilespmem:v4+s26+$0x0] =	vst.idx.msk $0xffff, v3  }
0x9d: {  	v4 =	vor.u32 $0xC, v2;
	v3 =	vld [tilespmem:s23+$0x7600];
	_ =	sdelay $0x4  }
0x9e: {  	[tilespmem:v4+s26+$0x0] =	vst.idx.msk $0xffff, v3  }
0x9f: {  	v4 =	vor.u32 $0xD, v2;
	v3 =	vld [tilespmem:s23+$0x7C80];
	_ =	sdelay $0x4  }
0xa0: {  	[tilespmem:v4+s26+$0x0] =	vst.idx.msk $0xffff, v3  }
0xa1: {  	v4 =	vor.u32 $0xE, v2;
	v3 =	vld [tilespmem:s23+$0x8300];
	_ =	sdelay $0x4  }
0xa2: {  	[tilespmem:v4+s26+$0x0] =	vst.idx.msk $0xffff, v3  }
0xa3: {  	v2 =	vor.u32 $0xF, v2;
	v3 =	vld [tilespmem:s23+$0x8980];
	_ =	sdelay $0x2  }
0xa4: {  	s22 =	simm.s32 $0x10  }
0xa5: {  	s6 =	simm.s32 $0x20;
	v4 =	vmov s22  }
.LBB2_5:
0xa6: {  	p1 =	sne.s32 s6, $0x670;
	v4 =	vshll.u32 v4, $0x4;
	s23 =	sand.u32 $0x7F0, s22;
	[tilespmem:v2+s26+$0x0] =	vst.idx.msk $0xffff, v3;
	s22 =	smov.u32 s6  }
0xa7: {  	v3 =	vld [tilespmem:s23+$0x2800];
	v2 =	vor.u32 v1, v4;
	_ =	sdelay $0x4  }
0xa8: {  	[tilespmem:v2+s26+$0x0] =	vst.idx.msk $0xffff, v3  }
0xa9: {  	v4 =	vor.u32 $0x1, v2;
	v3 =	vld [tilespmem:s23+$0x2E80];
	_ =	sdelay $0x4  }
0xaa: {  	[tilespmem:v4+s26+$0x0] =	vst.idx.msk $0xffff, v3  }
0xab: {  	v4 =	vor.u32 $0x2, v2;
	v3 =	vld [tilespmem:s23+$0x3500];
	_ =	sdelay $0x4  }
0xac: {  	[tilespmem:v4+s26+$0x0] =	vst.idx.msk $0xffff, v3  }
0xad: {  	v4 =	vor.u32 $0x3, v2;
	v3 =	vld [tilespmem:s23+$0x3B80];
	_ =	sdelay $0x4  }
0xae: {  	[tilespmem:v4+s26+$0x0] =	vst.idx.msk $0xffff, v3  }
0xaf: {  	v4 =	vor.u32 $0x4, v2;
	v3 =	vld [tilespmem:s23+$0x4200];
	_ =	sdelay $0x4  }
0xb0: {  	[tilespmem:v4+s26+$0x0] =	vst.idx.msk $0xffff, v3  }
0xb1: {  	v4 =	vor.u32 $0x5, v2;
	v3 =	vld [tilespmem:s23+$0x4880];
	_ =	sdelay $0x4  }
0xb2: {  	[tilespmem:v4+s26+$0x0] =	vst.idx.msk $0xffff, v3  }
0xb3: {  	v4 =	vor.u32 $0x6, v2;
	v3 =	vld [tilespmem:s23+$0x4F00];
	_ =	sdelay $0x4  }
0xb4: {  	[tilespmem:v4+s26+$0x0] =	vst.idx.msk $0xffff, v3  }
0xb5: {  	v4 =	vor.u32 $0x7, v2;
	v3 =	vld [tilespmem:s23+$0x5580];
	_ =	sdelay $0x4  }
0xb6: {  	[tilespmem:v4+s26+$0x0] =	vst.idx.msk $0xffff, v3  }
0xb7: {  	v4 =	vor.u32 $0x8, v2;
	v3 =	vld [tilespmem:s23+$0x5C00];
	_ =	sdelay $0x4  }
0xb8: {  	[tilespmem:v4+s26+$0x0] =	vst.idx.msk $0xffff, v3  }
0xb9: {  	v4 =	vor.u32 $0x9, v2;
	v3 =	vld [tilespmem:s23+$0x6280];
	_ =	sdelay $0x4  }
0xba: {  	[tilespmem:v4+s26+$0x0] =	vst.idx.msk $0xffff, v3  }
0xbb: {  	v4 =	vor.u32 $0xA, v2;
	v3 =	vld [tilespmem:s23+$0x6900];
	_ =	sdelay $0x4  }
0xbc: {  	[tilespmem:v4+s26+$0x0] =	vst.idx.msk $0xffff, v3  }
0xbd: {  	v4 =	vor.u32 $0xB, v2;
	v3 =	vld [tilespmem:s23+$0x6F80];
	_ =	sdelay $0x4  }
0xbe: {  	[tilespmem:v4+s26+$0x0] =	vst.idx.msk $0xffff, v3  }
0xbf: {  	v4 =	vor.u32 $0xC, v2;
	v3 =	vld [tilespmem:s23+$0x7600];
	_ =	sdelay $0x4  }
0xc0: {  	[tilespmem:v4+s26+$0x0] =	vst.idx.msk $0xffff, v3  }
0xc1: {  	v4 =	vor.u32 $0xD, v2;
	v3 =	vld [tilespmem:s23+$0x7C80];
	_ =	sdelay $0x4  }
0xc2: {  	[tilespmem:v4+s26+$0x0] =	vst.idx.msk $0xffff, v3  }
0xc3: {  	v4 =	vor.u32 $0xE, v2;
	v3 =	vld [tilespmem:s23+$0x8300];
	_ =	sdelay $0x4  }
0xc4: {  	[tilespmem:v4+s26+$0x0] =	vst.idx.msk $0xffff, v3  }
.Ltmp3:
0xc5: {  	v2 =	vor.u32 $0xF, v2;
	v3 =	vld [tilespmem:s23+$0x8980];
	(pc) =	sbr.rel @p1 .LBB2_5-.Ltmp3, $2  }
0xc6: {  	_ =	sdelay $0x2  }
0xc7: {  	s6 =	sadd.s32 $0x10, s6;
	v4 =	vmov s22  }
0xc8: {  	_ =	sdelay $0x3  }
0xc9: {  	v4 =	vshll.u32 v4, $0x4;
	s6 =	sand.u32 $0x7F0, s22;
	[tilespmem:v2+s26+$0x0] =	vst.idx.msk $0xffff, v3  }
0xca: {  	v2 =	vld [tilespmem:s6+$0x2800];
	v3 =	vor.u32 v1, v4;
	_ =	sdelay $0x4  }
0xcb: {  	[tilespmem:v3+s26+$0x0] =	vst.idx.msk $0xffff, v2  }
0xcc: {  	v4 =	vor.u32 $0x1, v3;
	v2 =	vld [tilespmem:s6+$0x2E80];
	_ =	sdelay $0x4  }
0xcd: {  	[tilespmem:v4+s26+$0x0] =	vst.idx.msk $0xffff, v2  }
0xce: {  	v51 =	vor.u32 $0x2, v3;
	v2 =	vld [tilespmem:s6+$0x3500];
	_ =	sdelay $0x4  }
0xcf: {  	[tilespmem:v51+s26+$0x0] =	vst.idx.msk $0xffff, v2  }
0xd0: {  	v52 =	vor.u32 $0x3, v3;
	v2 =	vld [tilespmem:s6+$0x3B80];
	_ =	sdelay $0x4  }
0xd1: {  	[tilespmem:v52+s26+$0x0] =	vst.idx.msk $0xffff, v2  }
0xd2: {  	v53 =	vor.u32 $0x4, v3;
	v2 =	vld [tilespmem:s6+$0x4200];
	_ =	sdelay $0x4  }
0xd3: {  	[tilespmem:v53+s26+$0x0] =	vst.idx.msk $0xffff, v2  }
0xd4: {  	v54 =	vor.u32 $0x5, v3;
	v2 =	vld [tilespmem:s6+$0x4880];
	_ =	sdelay $0x4  }
0xd5: {  	[tilespmem:v54+s26+$0x0] =	vst.idx.msk $0xffff, v2  }
0xd6: {  	v55 =	vor.u32 $0x6, v3;
	v2 =	vld [tilespmem:s6+$0x4F00];
	_ =	sdelay $0x4  }
0xd7: {  	[tilespmem:v55+s26+$0x0] =	vst.idx.msk $0xffff, v2  }
0xd8: {  	v56 =	vor.u32 $0x7, v3;
	v2 =	vld [tilespmem:s6+$0x5580];
	_ =	sdelay $0x4  }
0xd9: {  	[tilespmem:v56+s26+$0x0] =	vst.idx.msk $0xffff, v2  }
0xda: {  	v57 =	vor.u32 $0x8, v3;
	v2 =	vld [tilespmem:s6+$0x5C00];
	_ =	sdelay $0x4  }
0xdb: {  	[tilespmem:v57+s26+$0x0] =	vst.idx.msk $0xffff, v2  }
0xdc: {  	v58 =	vor.u32 $0x9, v3;
	v2 =	vld [tilespmem:s6+$0x6280];
	_ =	sdelay $0x4  }
0xdd: {  	[tilespmem:v58+s26+$0x0] =	vst.idx.msk $0xffff, v2  }
0xde: {  	v59 =	vor.u32 $0xA, v3;
	v2 =	vld [tilespmem:s6+$0x6900];
	_ =	sdelay $0x4  }
0xdf: {  	[tilespmem:v59+s26+$0x0] =	vst.idx.msk $0xffff, v2  }
0xe0: {  	v60 =	vor.u32 $0xB, v3;
	v2 =	vld [tilespmem:s6+$0x6F80];
	_ =	sdelay $0x4  }
0xe1: {  	[tilespmem:v60+s26+$0x0] =	vst.idx.msk $0xffff, v2  }
0xe2: {  	v61 =	vor.u32 $0xC, v3;
	v2 =	vld [tilespmem:s6+$0x7600];
	_ =	sdelay $0x4  }
0xe3: {  	[tilespmem:v61+s26+$0x0] =	vst.idx.msk $0xffff, v2  }
0xe4: {  	v62 =	vor.u32 $0xD, v3;
	v2 =	vld [tilespmem:s6+$0x7C80];
	_ =	sdelay $0x4  }
0xe5: {  	[tilespmem:v62+s26+$0x0] =	vst.idx.msk $0xffff, v2  }
0xe6: {  	v63 =	vor.u32 $0xE, v3;
	v2 =	vld [tilespmem:s6+$0x8300];
	_ =	sdelay $0x4  }
0xe7: {  	[tilespmem:v63+s26+$0x0] =	vst.idx.msk $0xffff, v2  }
0xe8: {  	v3 =	vor.u32 $0xF, v3;
	v2 =	vld [tilespmem:s6+$0x8980];
	_ =	sdelay $0x2  }
0xe9: {  	s22 =	smul.u32 $0x1A00, s16;
	_ =	sdelay $0x1  }
0xea: {  	s6 =	sshra.s32 s22, $0x2;
	[tilespmem:v3+s26+$0x0] =	vst.idx.msk $0xffff, v2  }
0xeb: {  	[spmem:s2] =	stream.indirect.scatter.add.f32 [tilespmem:s26], [sflag:$0x1], $0x10, s6, s10, $0xb8;
	[tilespmem:$0x14800] =	vst v63  }
0xec: {  	_ =	swait.ge [sflag:s11], $0x800  }
0xed: {  	[sflag:s11] =	ssyncset.done $0x0  }
0xee: {  	s23 =	simm.s32 $0x9800;
	s22 =	sadd.s32 $0x80, s6;
	[sflag:s11] =	ssyncadd.s32 $0xFFFFF800  }
0xef: {  	[spmem:s2] =	stream.indirect.scatter.add.f32 [tilespmem:s23], [sflag:$0x1], $0x10, s22, s10, $0xb8;
	[tilespmem:$0x14800] =	vst v63  }
0xf0: {  	_ =	swait.ge [sflag:s11], $0x800  }
0xf1: {  	[sflag:s11] =	ssyncset.done $0x0  }
0xf2: {  	s22 =	sadd.s32 $0x100, s6;
	s23 =	simm.s32 $0xA000;
	[sflag:s11] =	ssyncadd.s32 $0xFFFFF800  }
0xf3: {  	[spmem:s2] =	stream.indirect.scatter.add.f32 [tilespmem:s23], [sflag:$0x1], $0x10, s22, s10, $0xb8;
	[tilespmem:$0x14800] =	vst v63  }
0xf4: {  	_ =	swait.ge [sflag:s11], $0x800  }
0xf5: {  	[sflag:s11] =	ssyncset.done $0x0  }
0xf6: {  	s22 =	sadd.s32 $0x180, s6;
	s23 =	simm.s32 $0xA800;
	[sflag:s11] =	ssyncadd.s32 $0xFFFFF800  }
0xf7: {  	[spmem:s2] =	stream.indirect.scatter.add.f32 [tilespmem:s23], [sflag:$0x1], $0x10, s22, s10, $0xb8;
	[tilespmem:$0x14800] =	vst v63  }
0xf8: {  	_ =	swait.ge [sflag:s11], $0x800  }
0xf9: {  	[sflag:s11] =	ssyncset.done $0x0  }
0xfa: {  	s22 =	sadd.s32 $0x200, s6;
	s23 =	simm.s32 $0xB000;
	[sflag:s11] =	ssyncadd.s32 $0xFFFFF800  }
0xfb: {  	[spmem:s2] =	stream.indirect.scatter.add.f32 [tilespmem:s23], [sflag:$0x1], $0x10, s22, s10, $0xb8;
	[tilespmem:$0x14800] =	vst v63  }
0xfc: {  	_ =	swait.ge [sflag:s11], $0x800  }
0xfd: {  	[sflag:s11] =	ssyncset.done $0x0  }
0xfe: {  	s22 =	sadd.s32 $0x280, s6;
	s23 =	simm.s32 $0xB800;
	[sflag:s11] =	ssyncadd.s32 $0xFFFFF800  }
0xff: {  	[spmem:s2] =	stream.indirect.scatter.add.f32 [tilespmem:s23], [sflag:$0x1], $0x10, s22, s10, $0xb8;
	[tilespmem:$0x14800] =	vst v63  }
0x100: {  	_ =	swait.ge [sflag:s11], $0x800  }
0x101: {  	[sflag:s11] =	ssyncset.done $0x0  }
0x102: {  	s22 =	sadd.s32 $0x300, s6;
	s23 =	simm.s32 $0xC000;
	[sflag:s11] =	ssyncadd.s32 $0xFFFFF800  }
0x103: {  	[spmem:s2] =	stream.indirect.scatter.add.f32 [tilespmem:s23], [sflag:$0x1], $0x10, s22, s10, $0xb8;
	[tilespmem:$0x14800] =	vst v63  }
0x104: {  	_ =	swait.ge [sflag:s11], $0x800  }
0x105: {  	[sflag:s11] =	ssyncset.done $0x0  }
0x106: {  	s23 =	sadd.s32 $0x380, s6;
	[sflag:s11] =	ssyncadd.s32 $0xFFFFF800  }
0x107: {  	[spmem:s2] =	stream.indirect.scatter.add.f32 [tilespmem:s17], [sflag:$0x1], $0x10, s23, s10, $0xb8;
	[tilespmem:$0x14800] =	vst v63  }
0x108: {  	_ =	swait.ge [sflag:s11], $0x800  }
0x109: {  	[sflag:s11] =	ssyncset.done $0x0  }
0x10a: {  	s23 =	sadd.s32 $0x400, s6;
	[sflag:s11] =	ssyncadd.s32 $0xFFFFF800  }
0x10b: {  	[spmem:s2] =	stream.indirect.scatter.add.f32 [tilespmem:s14], [sflag:$0x1], $0x10, s23, s10, $0xb8;
	[tilespmem:$0x14800] =	vst v63  }
0x10c: {  	_ =	swait.ge [sflag:s11], $0x800  }
0x10d: {  	[sflag:s11] =	ssyncset.done $0x0  }
0x10e: {  	s23 =	sadd.s32 $0x480, s6;
	[sflag:s11] =	ssyncadd.s32 $0xFFFFF800  }
0x10f: {  	[spmem:s2] =	stream.indirect.scatter.add.f32 [tilespmem:s18], [sflag:$0x1], $0x10, s23, s10, $0xb8;
	[tilespmem:$0x14800] =	vst v63  }
0x110: {  	_ =	swait.ge [sflag:s11], $0x800  }
0x111: {  	[sflag:s11] =	ssyncset.done $0x0  }
0x112: {  	s23 =	sadd.s32 $0x500, s6;
	[sflag:s11] =	ssyncadd.s32 $0xFFFFF800  }
0x113: {  	[spmem:s2] =	stream.indirect.scatter.add.f32 [tilespmem:s12], [sflag:$0x1], $0x10, s23, s10, $0xb8;
	[tilespmem:$0x14800] =	vst v63  }
0x114: {  	_ =	swait.ge [sflag:s11], $0x800  }
0x115: {  	[sflag:s11] =	ssyncset.done $0x0  }
0x116: {  	s23 =	sadd.s32 $0x580, s6;
	[sflag:s11] =	ssyncadd.s32 $0xFFFFF800  }
0x117: {  	[spmem:s2] =	stream.indirect.scatter.add.f32 [tilespmem:s19], [sflag:$0x1], $0x10, s23, s10, $0xb8;
	[tilespmem:$0x14800] =	vst v63  }
0x118: {  	s16 =	sadd.s32 $0x1, s16;
	_ =	swait.ge [sflag:s11], $0x800  }
0x119: {  	p1 =	sne.s32 s16, $0x6;
	[sflag:s11] =	ssyncset.done $0x0  }
.Ltmp4:
0x11a: {  	s6 =	sadd.s32 $0x600, s6;
	[sflag:s11] =	ssyncadd.s32 $0xFFFFF800;
	(pc) =	sbr.rel @p1 .LBB2_4-.Ltmp4, $4  }
0x11b: {  	[spmem:s2] =	stream.indirect.scatter.add.f32 [tilespmem:s15], [sflag:$0x1], $0x10, s6, s10, $0xb8;
	[tilespmem:$0x14800] =	vst v63  }
0x11c: {  	_ =	swait.ge [sflag:s11], $0x800  }
0x11d: {  	[sflag:s11] =	ssyncset.done $0x0  }
0x11e: {  	[sflag:s11] =	ssyncadd.s32 $0xFFFFF800  }
.Ltmp5:
0x11f: {  	(pc) =	sbr.rel @p0 .LBB2_11-.Ltmp5, $2  }
0x120: {  	_ =	sdelay $0x2  }
0x121: {  	s23 =	rddreg [dreg:$0x1a]  }
0x122: {  	s6 =	simm.s32 $0x0;
	s16 =	rddreg [dreg:$0x8];
	s20 =	simm.s32 $0x2800  }
0x123: {  	[tilespmem:s20], [sflag:$0x1] =	stream.linear.gather [hbm4b:s16+s6], $0x80, $0x38;
	[tilespmem:$0x14800] =	vst v63  }
0x124: {  	_ =	swait.ge [sflag:s11], $0x80  }
0x125: {  	[sflag:s11] =	ssyncset.done $0x0  }
0x126: {  	s23 =	simm.s32 $0x2E80;
	s22 =	rddreg [dreg:$0x9];
	[sflag:s11] =	ssyncadd.s32 $0xFFFFFF80  }
0x127: {  	[tilespmem:s23], [sflag:$0x1] =	stream.linear.gather [hbm4b:s22+s6], $0x80, $0x38;
	[tilespmem:$0x14800] =	vst v63  }
0x128: {  	_ =	swait.ge [sflag:s11], $0x80  }
0x129: {  	[sflag:s11] =	ssyncset.done $0x0  }
0x12a: {  	s23 =	simm.s32 $0x3500;
	s22 =	rddreg [dreg:$0xa];
	[sflag:s11] =	ssyncadd.s32 $0xFFFFFF80  }
0x12b: {  	[tilespmem:s23], [sflag:$0x1] =	stream.linear.gather [hbm4b:s22+s6], $0x80, $0x38;
	[tilespmem:$0x14800] =	vst v63  }
0x12c: {  	_ =	swait.ge [sflag:s11], $0x80  }
0x12d: {  	[sflag:s11] =	ssyncset.done $0x0  }
0x12e: {  	s23 =	simm.s32 $0x3B80;
	s22 =	rddreg [dreg:$0xb];
	[sflag:s11] =	ssyncadd.s32 $0xFFFFFF80  }
0x12f: {  	[tilespmem:s23], [sflag:$0x1] =	stream.linear.gather [hbm4b:s22+s6], $0x80, $0x38;
	[tilespmem:$0x14800] =	vst v63  }
0x130: {  	_ =	swait.ge [sflag:s11], $0x80  }
0x131: {  	[sflag:s11] =	ssyncset.done $0x0  }
0x132: {  	s23 =	simm.s32 $0x4200;
	s22 =	rddreg [dreg:$0xc];
	[sflag:s11] =	ssyncadd.s32 $0xFFFFFF80  }
0x133: {  	[tilespmem:s23], [sflag:$0x1] =	stream.linear.gather [hbm4b:s22+s6], $0x80, $0x38;
	[tilespmem:$0x14800] =	vst v63  }
0x134: {  	_ =	swait.ge [sflag:s11], $0x80  }
0x135: {  	[sflag:s11] =	ssyncset.done $0x0  }
0x136: {  	s23 =	simm.s32 $0x4880;
	s22 =	rddreg [dreg:$0xd];
	[sflag:s11] =	ssyncadd.s32 $0xFFFFFF80  }
0x137: {  	[tilespmem:s23], [sflag:$0x1] =	stream.linear.gather [hbm4b:s22+s6], $0x80, $0x38;
	[tilespmem:$0x14800] =	vst v63  }
0x138: {  	_ =	swait.ge [sflag:s11], $0x80  }
0x139: {  	[sflag:s11] =	ssyncset.done $0x0  }
0x13a: {  	s23 =	simm.s32 $0x4F00;
	s22 =	rddreg [dreg:$0xe];
	[sflag:s11] =	ssyncadd.s32 $0xFFFFFF80  }
0x13b: {  	[tilespmem:s23], [sflag:$0x1] =	stream.linear.gather [hbm4b:s22+s6], $0x80, $0x38;
	[tilespmem:$0x14800] =	vst v63  }
0x13c: {  	_ =	swait.ge [sflag:s11], $0x80  }
0x13d: {  	[sflag:s11] =	ssyncset.done $0x0  }
0x13e: {  	s23 =	simm.s32 $0x5580;
	s22 =	rddreg [dreg:$0xf];
	[sflag:s11] =	ssyncadd.s32 $0xFFFFFF80  }
0x13f: {  	[tilespmem:s23], [sflag:$0x1] =	stream.linear.gather [hbm4b:s22+s6], $0x80, $0x38;
	[tilespmem:$0x14800] =	vst v63  }
0x140: {  	_ =	swait.ge [sflag:s11], $0x80  }
0x141: {  	[sflag:s11] =	ssyncset.done $0x0  }
0x142: {  	s23 =	simm.s32 $0x5C00;
	s22 =	rddreg [dreg:$0x10];
	[sflag:s11] =	ssyncadd.s32 $0xFFFFFF80  }
0x143: {  	[tilespmem:s23], [sflag:$0x1] =	stream.linear.gather [hbm4b:s22+s6], $0x80, $0x38;
	[tilespmem:$0x14800] =	vst v63  }
0x144: {  	_ =	swait.ge [sflag:s11], $0x80  }
0x145: {  	[sflag:s11] =	ssyncset.done $0x0  }
0x146: {  	s22 =	simm.s32 $0x6280;
	s20 =	rddreg [dreg:$0x11];
	[sflag:s11] =	ssyncadd.s32 $0xFFFFFF80  }
0x147: {  	[tilespmem:s22], [sflag:$0x1] =	stream.linear.gather [hbm4b:s20+s6], $0x80, $0x38;
	[tilespmem:$0x14800] =	vst v63  }
0x148: {  	_ =	swait.ge [sflag:s11], $0x80  }
0x149: {  	[sflag:s11] =	ssyncset.done $0x0  }
0x14a: {  	s23 =	rddreg [dreg:$0x12];
	[sflag:s11] =	ssyncadd.s32 $0xFFFFFF80  }
0x14b: {  	[tilespmem:s24], [sflag:$0x1] =	stream.linear.gather [hbm4b:s23+s6], $0x80, $0x38;
	[tilespmem:$0x14800] =	vst v63  }
0x14c: {  	_ =	swait.ge [sflag:s11], $0x80  }
0x14d: {  	[sflag:s11] =	ssyncset.done $0x0  }
0x14e: {  	s20 =	rddreg [dreg:$0x13];
	[sflag:s11] =	ssyncadd.s32 $0xFFFFFF80  }
0x14f: {  	[tilespmem:s25], [sflag:$0x1] =	stream.linear.gather [hbm4b:s20+s6], $0x80, $0x38;
	[tilespmem:$0x14800] =	vst v63  }
0x150: {  	_ =	swait.ge [sflag:s11], $0x80  }
0x151: {  	[sflag:s11] =	ssyncset.done $0x0  }
0x152: {  	s22 =	rddreg [dreg:$0x15];
	[sflag:s11] =	ssyncadd.s32 $0xFFFFFF80  }
0x153: {  	[tilespmem:s3], [sflag:$0x1] =	stream.linear.gather [hbm4b:s22+s6], $0x80, $0x38;
	[tilespmem:$0x14800] =	vst v63  }
0x154: {  	_ =	swait.ge [sflag:s11], $0x80  }
0x155: {  	[sflag:s11] =	ssyncset.done $0x0  }
0x156: {  	s23 =	rddreg [dreg:$0x16];
	[sflag:s11] =	ssyncadd.s32 $0xFFFFFF80  }
0x157: {  	[tilespmem:s7], [sflag:$0x1] =	stream.linear.gather [hbm4b:s23+s6], $0x80, $0x38;
	[tilespmem:$0x14800] =	vst v63  }
0x158: {  	_ =	swait.ge [sflag:s11], $0x80  }
0x159: {  	[sflag:s11] =	ssyncset.done $0x0  }
0x15a: {  	s20 =	rddreg [dreg:$0x17];
	[sflag:s11] =	ssyncadd.s32 $0xFFFFFF80  }
0x15b: {  	[tilespmem:s8], [sflag:$0x1] =	stream.linear.gather [hbm4b:s20+s6], $0x80, $0x38;
	[tilespmem:$0x14800] =	vst v63  }
0x15c: {  	_ =	swait.ge [sflag:s11], $0x80  }
0x15d: {  	[sflag:s11] =	ssyncset.done $0x0  }
0x15e: {  	s22 =	rddreg [dreg:$0x18];
	[sflag:s11] =	ssyncadd.s32 $0xFFFFFF80  }
0x15f: {  	[tilespmem:s21], [sflag:$0x1] =	stream.linear.gather [hbm4b:s22+s6], $0x80, $0x38;
	[tilespmem:$0x14800] =	vst v63  }
0x160: {  	_ =	swait.ge [sflag:s11], $0x80  }
0x161: {  	v2 =	vmov s6;
	[sflag:s11] =	ssyncset.done $0x0  }
0x162: {  	v2 =	vshll.u32 v2, $0x4;
	s23 =	simm.s32 $0x0;
	[sflag:s11] =	ssyncadd.s32 $0xFFFFFF80  }
0x163: {  	v2 =	vor.u32 v1, v2;
	v3 =	vld [tilespmem:s23+$0x2800];
	_ =	sdelay $0x4  }
0x164: {  	[tilespmem:v2+s26+$0x0] =	vst.idx.msk $0xffff, v3  }
0x165: {  	v4 =	vor.u32 $0x1, v2;
	v3 =	vld [tilespmem:s23+$0x2E80];
	_ =	sdelay $0x4  }
0x166: {  	[tilespmem:v4+s26+$0x0] =	vst.idx.msk $0xffff, v3  }
0x167: {  	v4 =	vor.u32 $0x2, v2;
	v3 =	vld [tilespmem:s23+$0x3500];
	_ =	sdelay $0x4  }
0x168: {  	[tilespmem:v4+s26+$0x0] =	vst.idx.msk $0xffff, v3  }
0x169: {  	v4 =	vor.u32 $0x3, v2;
	v3 =	vld [tilespmem:s23+$0x3B80];
	_ =	sdelay $0x4  }
0x16a: {  	[tilespmem:v4+s26+$0x0] =	vst.idx.msk $0xffff, v3  }
0x16b: {  	v4 =	vor.u32 $0x4, v2;
	v3 =	vld [tilespmem:s23+$0x4200];
	_ =	sdelay $0x4  }
0x16c: {  	[tilespmem:v4+s26+$0x0] =	vst.idx.msk $0xffff, v3  }
0x16d: {  	v4 =	vor.u32 $0x5, v2;
	v3 =	vld [tilespmem:s23+$0x4880];
	_ =	sdelay $0x4  }
0x16e: {  	[tilespmem:v4+s26+$0x0] =	vst.idx.msk $0xffff, v3  }
0x16f: {  	v4 =	vor.u32 $0x6, v2;
	v3 =	vld [tilespmem:s23+$0x4F00];
	_ =	sdelay $0x4  }
0x170: {  	[tilespmem:v4+s26+$0x0] =	vst.idx.msk $0xffff, v3  }
0x171: {  	v4 =	vor.u32 $0x7, v2;
	v3 =	vld [tilespmem:s23+$0x5580];
	_ =	sdelay $0x4  }
0x172: {  	[tilespmem:v4+s26+$0x0] =	vst.idx.msk $0xffff, v3  }
0x173: {  	v4 =	vor.u32 $0x8, v2;
	v3 =	vld [tilespmem:s23+$0x5C00];
	_ =	sdelay $0x4  }
0x174: {  	[tilespmem:v4+s26+$0x0] =	vst.idx.msk $0xffff, v3  }
0x175: {  	v4 =	vor.u32 $0x9, v2;
	v3 =	vld [tilespmem:s23+$0x6280];
	_ =	sdelay $0x4  }
0x176: {  	[tilespmem:v4+s26+$0x0] =	vst.idx.msk $0xffff, v3  }
0x177: {  	v4 =	vor.u32 $0xA, v2;
	v3 =	vld [tilespmem:s23+$0x6900];
	_ =	sdelay $0x4  }
0x178: {  	[tilespmem:v4+s26+$0x0] =	vst.idx.msk $0xffff, v3  }
0x179: {  	v4 =	vor.u32 $0xB, v2;
	v3 =	vld [tilespmem:s23+$0x6F80];
	_ =	sdelay $0x4  }
0x17a: {  	[tilespmem:v4+s26+$0x0] =	vst.idx.msk $0xffff, v3  }
0x17b: {  	v4 =	vor.u32 $0xC, v2;
	v3 =	vld [tilespmem:s23+$0x7600];
	_ =	sdelay $0x4  }
0x17c: {  	[tilespmem:v4+s26+$0x0] =	vst.idx.msk $0xffff, v3  }
0x17d: {  	v4 =	vor.u32 $0xD, v2;
	v3 =	vld [tilespmem:s23+$0x7C80];
	_ =	sdelay $0x4  }
0x17e: {  	[tilespmem:v4+s26+$0x0] =	vst.idx.msk $0xffff, v3  }
0x17f: {  	v4 =	vor.u32 $0xE, v2;
	v3 =	vld [tilespmem:s23+$0x8300];
	_ =	sdelay $0x4  }
0x180: {  	[tilespmem:v4+s26+$0x0] =	vst.idx.msk $0xffff, v3  }
0x181: {  	v2 =	vor.u32 $0xF, v2;
	v3 =	vld [tilespmem:s23+$0x8980];
	_ =	sdelay $0x2  }
0x182: {  	s16 =	simm.s32 $0x10  }
0x183: {  	s20 =	simm.s32 $0x40;
	s22 =	simm.s32 $0x80;
	v4 =	vmov s16  }
.LBB2_9:
0x184: {  	p1 =	sne.s32 s22, $0x1C0;
	v4 =	vshll.u32 v4, $0x4;
	s6 =	sshra.s32 s20, $0x2;
	[tilespmem:v2+s26+$0x0] =	vst.idx.msk $0xffff, v3;
	s20 =	smov.u32 s22  }
0x185: {  	v3 =	vld [tilespmem:s6+$0x2800];
	v2 =	vor.u32 v1, v4;
	_ =	sdelay $0x4  }
0x186: {  	[tilespmem:v2+s26+$0x0] =	vst.idx.msk $0xffff, v3  }
0x187: {  	v4 =	vor.u32 $0x1, v2;
	v3 =	vld [tilespmem:s6+$0x2E80];
	_ =	sdelay $0x4  }
0x188: {  	[tilespmem:v4+s26+$0x0] =	vst.idx.msk $0xffff, v3  }
0x189: {  	v4 =	vor.u32 $0x2, v2;
	v3 =	vld [tilespmem:s6+$0x3500];
	_ =	sdelay $0x4  }
0x18a: {  	[tilespmem:v4+s26+$0x0] =	vst.idx.msk $0xffff, v3  }
0x18b: {  	v4 =	vor.u32 $0x3, v2;
	v3 =	vld [tilespmem:s6+$0x3B80];
	_ =	sdelay $0x4  }
0x18c: {  	[tilespmem:v4+s26+$0x0] =	vst.idx.msk $0xffff, v3  }
0x18d: {  	v4 =	vor.u32 $0x4, v2;
	v3 =	vld [tilespmem:s6+$0x4200];
	_ =	sdelay $0x4  }
0x18e: {  	[tilespmem:v4+s26+$0x0] =	vst.idx.msk $0xffff, v3  }
0x18f: {  	v4 =	vor.u32 $0x5, v2;
	v3 =	vld [tilespmem:s6+$0x4880];
	_ =	sdelay $0x4  }
0x190: {  	[tilespmem:v4+s26+$0x0] =	vst.idx.msk $0xffff, v3  }
0x191: {  	v4 =	vor.u32 $0x6, v2;
	v3 =	vld [tilespmem:s6+$0x4F00];
	_ =	sdelay $0x4  }
0x192: {  	[tilespmem:v4+s26+$0x0] =	vst.idx.msk $0xffff, v3  }
0x193: {  	v4 =	vor.u32 $0x7, v2;
	v3 =	vld [tilespmem:s6+$0x5580];
	_ =	sdelay $0x4  }
0x194: {  	[tilespmem:v4+s26+$0x0] =	vst.idx.msk $0xffff, v3  }
0x195: {  	v4 =	vor.u32 $0x8, v2;
	v3 =	vld [tilespmem:s6+$0x5C00];
	_ =	sdelay $0x4  }
0x196: {  	[tilespmem:v4+s26+$0x0] =	vst.idx.msk $0xffff, v3  }
0x197: {  	v4 =	vor.u32 $0x9, v2;
	v3 =	vld [tilespmem:s6+$0x6280];
	_ =	sdelay $0x4  }
0x198: {  	[tilespmem:v4+s26+$0x0] =	vst.idx.msk $0xffff, v3  }
0x199: {  	v4 =	vor.u32 $0xA, v2;
	v3 =	vld [tilespmem:s6+$0x6900];
	_ =	sdelay $0x4  }
0x19a: {  	[tilespmem:v4+s26+$0x0] =	vst.idx.msk $0xffff, v3  }
0x19b: {  	v4 =	vor.u32 $0xB, v2;
	v3 =	vld [tilespmem:s6+$0x6F80];
	_ =	sdelay $0x4  }
0x19c: {  	[tilespmem:v4+s26+$0x0] =	vst.idx.msk $0xffff, v3  }
0x19d: {  	v4 =	vor.u32 $0xC, v2;
	v3 =	vld [tilespmem:s6+$0x7600];
	_ =	sdelay $0x4  }
0x19e: {  	[tilespmem:v4+s26+$0x0] =	vst.idx.msk $0xffff, v3  }
0x19f: {  	v4 =	vor.u32 $0xD, v2;
	v3 =	vld [tilespmem:s6+$0x7C80];
	_ =	sdelay $0x4  }
0x1a0: {  	[tilespmem:v4+s26+$0x0] =	vst.idx.msk $0xffff, v3  }
0x1a1: {  	v4 =	vor.u32 $0xE, v2;
	v3 =	vld [tilespmem:s6+$0x8300];
	_ =	sdelay $0x4  }
0x1a2: {  	[tilespmem:v4+s26+$0x0] =	vst.idx.msk $0xffff, v3  }
.Ltmp6:
0x1a3: {  	v2 =	vor.u32 $0xF, v2;
	v3 =	vld [tilespmem:s6+$0x8980];
	(pc) =	sbr.rel @p1 .LBB2_9-.Ltmp6, $3  }
0x1a4: {  	_ =	sdelay $0x1  }
0x1a5: {  	s16 =	sadd.s32 $0x10, s16  }
0x1a6: {  	s22 =	sadd.s32 $0x40, s22;
	v4 =	vmov s16  }
0x1a7: {  	_ =	sdelay $0x3  }
0x1a8: {  	v4 =	vshll.u32 v4, $0x4;
	s6 =	sshra.s32 s20, $0x2;
	[tilespmem:v2+s26+$0x0] =	vst.idx.msk $0xffff, v3  }
0x1a9: {  	v2 =	vld [tilespmem:s6+$0x2800];
	v3 =	vor.u32 v1, v4;
	_ =	sdelay $0x4  }
0x1aa: {  	[tilespmem:v3+s26+$0x0] =	vst.idx.msk $0xffff, v2  }
0x1ab: {  	v4 =	vor.u32 $0x1, v3;
	v2 =	vld [tilespmem:s6+$0x2E80];
	_ =	sdelay $0x4  }
0x1ac: {  	[tilespmem:v4+s26+$0x0] =	vst.idx.msk $0xffff, v2  }
0x1ad: {  	v51 =	vor.u32 $0x2, v3;
	v2 =	vld [tilespmem:s6+$0x3500];
	_ =	sdelay $0x4  }
0x1ae: {  	[tilespmem:v51+s26+$0x0] =	vst.idx.msk $0xffff, v2  }
0x1af: {  	v52 =	vor.u32 $0x3, v3;
	v2 =	vld [tilespmem:s6+$0x3B80];
	_ =	sdelay $0x4  }
0x1b0: {  	[tilespmem:v52+s26+$0x0] =	vst.idx.msk $0xffff, v2  }
0x1b1: {  	v53 =	vor.u32 $0x4, v3;
	v2 =	vld [tilespmem:s6+$0x4200];
	_ =	sdelay $0x4  }
0x1b2: {  	[tilespmem:v53+s26+$0x0] =	vst.idx.msk $0xffff, v2  }
0x1b3: {  	v54 =	vor.u32 $0x5, v3;
	v2 =	vld [tilespmem:s6+$0x4880];
	_ =	sdelay $0x4  }
0x1b4: {  	[tilespmem:v54+s26+$0x0] =	vst.idx.msk $0xffff, v2  }
0x1b5: {  	v55 =	vor.u32 $0x6, v3;
	v2 =	vld [tilespmem:s6+$0x4F00];
	_ =	sdelay $0x4  }
0x1b6: {  	[tilespmem:v55+s26+$0x0] =	vst.idx.msk $0xffff, v2  }
0x1b7: {  	v56 =	vor.u32 $0x7, v3;
	v2 =	vld [tilespmem:s6+$0x5580];
	_ =	sdelay $0x4  }
0x1b8: {  	[tilespmem:v56+s26+$0x0] =	vst.idx.msk $0xffff, v2  }
0x1b9: {  	v57 =	vor.u32 $0x8, v3;
	v2 =	vld [tilespmem:s6+$0x5C00];
	_ =	sdelay $0x4  }
0x1ba: {  	[tilespmem:v57+s26+$0x0] =	vst.idx.msk $0xffff, v2  }
0x1bb: {  	v58 =	vor.u32 $0x9, v3;
	v2 =	vld [tilespmem:s6+$0x6280];
	_ =	sdelay $0x4  }
0x1bc: {  	[tilespmem:v58+s26+$0x0] =	vst.idx.msk $0xffff, v2  }
0x1bd: {  	v59 =	vor.u32 $0xA, v3;
	v2 =	vld [tilespmem:s6+$0x6900];
	_ =	sdelay $0x4  }
0x1be: {  	[tilespmem:v59+s26+$0x0] =	vst.idx.msk $0xffff, v2  }
0x1bf: {  	v60 =	vor.u32 $0xB, v3;
	v2 =	vld [tilespmem:s6+$0x6F80];
	_ =	sdelay $0x4  }
0x1c0: {  	[tilespmem:v60+s26+$0x0] =	vst.idx.msk $0xffff, v2  }
0x1c1: {  	v61 =	vor.u32 $0xC, v3;
	v2 =	vld [tilespmem:s6+$0x7600];
	_ =	sdelay $0x4  }
0x1c2: {  	[tilespmem:v61+s26+$0x0] =	vst.idx.msk $0xffff, v2  }
0x1c3: {  	v62 =	vor.u32 $0xD, v3;
	v2 =	vld [tilespmem:s6+$0x7C80];
	_ =	sdelay $0x4  }
0x1c4: {  	[tilespmem:v62+s26+$0x0] =	vst.idx.msk $0xffff, v2  }
0x1c5: {  	v63 =	vor.u32 $0xE, v3;
	v2 =	vld [tilespmem:s6+$0x8300];
	_ =	sdelay $0x4  }
0x1c6: {  	[tilespmem:v63+s26+$0x0] =	vst.idx.msk $0xffff, v2  }
0x1c7: {  	v3 =	vor.u32 $0xF, v3;
	v2 =	vld [tilespmem:s6+$0x8980];
	_ =	sdelay $0x4  }
.Ltmp7:
0x1c8: {  	s23 =	simm.s32 $0x2700;
	[tilespmem:v3+s26+$0x0] =	vst.idx.msk $0xffff, v2;
	(pc) =	sbr.rel .LBB2_11-.Ltmp7, $4  }
0x1c9: {  	[spmem:s2] =	stream.indirect.scatter.add.f32 [tilespmem:s26], [sflag:$0x1], $0x10, s23, s10, $0xb8;
	[tilespmem:$0x14800] =	vst v63  }
0x1ca: {  	_ =	swait.ge [sflag:s11], $0x800  }
0x1cb: {  	[sflag:s11] =	ssyncset.done $0x0  }
0x1cc: {  	s23 =	rddreg [dreg:$0x1a];
	[sflag:s11] =	ssyncadd.s32 $0xFFFFF800  }
.LBB2_12:
0x1cd: {  	_ =	sfence.sel $0x180000  }
0x1ce: {  	[bflag:$0x0] =	sbarrier.arrive $0xFFFF  }
0x1cf: {  	_ =	strace $0x90000047  }
0x1d0: {  	s0 =	stileid.u32;
	[bflag:$0x2] =	sbarrier.arrive $0xFFFF  }
0x1d1: {  	p0 =	sne.s32 s0, $0x0;
	s0 =	rddreg [dreg:$0x4]  }
0x1d2: {  	s0 =	sadd.s32 @!p0 $0x100000, s0  }
0x1d3: {  	[sflag:s0] =	ssyncadd.tile.s32 @!p0 $0x1;
	_ =	shalt  }
.Lfunc_end2:
_tile_overlayer_lowered:
.L_overlay_start_2:
0x1d4: {  	(tag) =	ssettag $0x2  }
0x1d5: {  	s0 =	rddreg [dreg:$0x0];
	s2 =	stileid.u32  }
0x1d6: {  	s1 =	rddreg [dreg:$0x1];
	p0 =	sne.s32 s2, $0x0  }
0x1d7: {  	s3 =	rddreg [dreg:$0x2];
	[bflag:$0x3] =	sbarrier.arrive $0xFFFF;
	s2 =	simm.s32 @!p0 $0x1C01  }
0x1d8: {  	[timem:s3], [sflag:s2] =	dma.local @!p0 [hbm:s0], s1  }
0x1d9: {  	s0 =	simm.s32 @!p0 $0x1  }
0x1da: {  	_ =	swait.ge @!p0 [sflag:s0], s1  }
0x1db: {  	s1 =	ssub.s32 @!p0 $0x0, s1;
	[sflag:s0] =	ssyncset.done @!p0 $0x0  }
0x1dc: {  	[sflag:s0] =	ssyncadd.s32 @!p0 s1  }
0x1dd: {  	[bflag:$0x3] =	sbarrier.arrive $0xFFFF  }
0x1de: {  	_ =	shalt  }

</sc_bundles>
